<compile_context>
chip_gen: v7x
topology: tpu7x:2x2x1
jax: 0.10.2.dev20260603
libtpu: 0.0.44.dev20260713+nightly
codegen_flags: <defaults>
</compile_context>

<pallas_src>
import jax
import jax.numpy as jnp
from jax import lax
from jax.experimental import pallas as pl
from jax.experimental.pallas import tpu as pltpu
from jax.experimental.pallas import tpu_sc as plsc

NMS_T = 0.5
SCORE_T = 0.05
DETS = 100
NEG = -1e9
BIGIDX = float(2 ** 30)
LANES = 16
NTILES = 16
RECW = 128

_axis_index = lax.axis_index


def _nms_body(x1h, y1h, x2h, y2h, sh, outh,
              x1v, y1v, x2v, y2v, sv, av, rec, allrec, outv, selflag, cand):
    chunk = x1v.shape[0]
    vecs = chunk // LANES
    c = _axis_index("c")
    t = _axis_index("s")

    @pl.when(c == 0)
    def _work():
        base = t * chunk
        pltpu.sync_copy(x1h.at[pl.ds(base, chunk)], x1v)
        pltpu.sync_copy(y1h.at[pl.ds(base, chunk)], y1v)
        pltpu.sync_copy(x2h.at[pl.ds(base, chunk)], x2v)
        pltpu.sync_copy(y2h.at[pl.ds(base, chunk)], y2v)
        pltpu.sync_copy(sh.at[pl.ds(base, chunk)], sv)

        lanes = lax.iota(jnp.int32, LANES)
        ninf = jnp.full((LANES,), -jnp.inf, jnp.float32)
        bigv = jnp.full((LANES,), BIGIDX, jnp.float32)

        for jj in range(vecs):
            sl = pl.ds(jj * LANES, LANES)
            av[sl] = (x2v[sl] - x1v[sl]) * (y2v[sl] - y1v[sl])

        @pl.when(t == 0)
        def _zero():
            for jj in range(256 // LANES):
                selflag[pl.ds(jj * LANES, LANES)] = jnp.zeros(
                    (LANES,), jnp.int32)

        def _iou_vec(wx1, wy1, wx2, wy2, wa, bx1, by1, bx2, by2, ba):
            xx1 = jnp.maximum(wx1, bx1)
            yy1 = jnp.maximum(wy1, by1)
            xx2 = jnp.minimum(wx2, bx2)
            yy2 = jnp.minimum(wy2, by2)
            inter = (jnp.maximum(xx2 - xx1, 0.0) *
                     jnp.maximum(yy2 - yy1, 0.0))
            return inter / (wa + ba - inter + 1e-9)

        def _round(carry):
            r, m, w1rec, w2rec = carry
            ax1, ay1, ax2, ay2, aa = (w1rec[0], w1rec[1], w1rec[2],
                                      w1rec[3], w1rec[6])
            bx1w, by1w, bx2w, by2w, ba_w = (w2rec[0], w2rec[1], w2rec[2],
                                            w2rec[3], w2rec[6])

            a1v, a1i, a2v, a2i = ninf, bigv, ninf, bigv
            for jj in range(vecs):
                sl = pl.ds(jj * LANES, LANES)
                px1, py1 = x1v[sl], y1v[sl]
                px2, py2 = x2v[sl], y2v[sl]
                pa = av[sl]
                qa = _iou_vec(ax1, ay1, ax2, ay2, aa, px1, py1, px2, py2, pa)
                qb = _iou_vec(bx1w, by1w, bx2w, by2w, ba_w,
                              px1, py1, px2, py2, pa)
                snew = jnp.where((qa > NMS_T) | (qb > NMS_T), NEG, sv[sl])
                sv[sl] = snew
                gif = (base + jj * LANES + lanes).astype(jnp.float32)
                tk1 = snew > a1v
                tk2 = jnp.logical_not(tk1) & (snew > a2v)
                a2v = jnp.where(tk1, a1v, jnp.where(tk2, snew, a2v))
                a2i = jnp.where(tk1, a1i, jnp.where(tk2, gif, a2i))
                a1v = jnp.where(tk1, snew, a1v)
                a1i = jnp.where(tk1, gif, a1i)

            m1 = jnp.max(a1v)
            i1 = jnp.min(jnp.where(a1v == m1, a1i, bigv))
            l1mask = (a1v == m1) & (a1i == i1)
            u2v = jnp.where(l1mask, a2v, a1v)
            u2i = jnp.where(l1mask, a2i, a1i)
            m2 = jnp.max(u2v)
            i2 = jnp.min(jnp.where(u2v == m2, u2i, bigv))

            lidx1 = i1.astype(jnp.int32) - base
            lidx2 = i2.astype(jnp.int32) - base
            lsplat = jnp.where(lanes < 8, lidx1, lidx2)
            gx1 = plsc.load_gather(x1v, [lsplat])
            gy1 = plsc.load_gather(y1v, [lsplat])
            gx2 = plsc.load_gather(x2v, [lsplat])
            gy2 = plsc.load_gather(y2v, [lsplat])
            ga = plsc.load_gather(av, [lsplat])
            l8 = lanes & 7
            svals = jnp.where(lanes < 8, m1, m2)
            ivals = jnp.where(lanes < 8, i1, i2)
            rvec = jnp.where(l8 == 0, gx1,
                   jnp.where(l8 == 1, gy1,
                   jnp.where(l8 == 2, gx2,
                   jnp.where(l8 == 3, gy2,
                   jnp.where(l8 == 4, svals,
                   jnp.where(l8 == 5, ivals, ga))))))

            pb = r & 1
            rec[pl.ds(0, LANES)] = rvec
            pltpu.sync_copy(rec, cand.at[pb, t])
            plsc.subcore_barrier()
            pltpu.sync_copy(cand.at[pb], allrec)

            def col(j):
                return plsc.load_gather(
                    allrec, [lanes, jnp.full((LANES,), j, jnp.int32)])

            s1c, i1c = col(4), col(5)
            wv1 = jnp.max(s1c)
            ws1 = s1c == wv1
            wi1 = jnp.min(jnp.where(ws1, i1c, bigv))
            wm1 = ws1 & (i1c == wi1)
            wt1 = jnp.min(jnp.where(wm1, lanes, jnp.int32(LANES - 1)))
            nw1 = plsc.load_gather(
                allrec, [jnp.full((LANES,), wt1, jnp.int32), lanes])

            nx1, ny1, nx2, ny2, na = (nw1[0], nw1[1], nw1[2], nw1[3], nw1[6])
            q1 = _iou_vec(nx1, ny1, nx2, ny2, na,
                          col(0), col(1), col(2), col(3), col(6))
            q2 = _iou_vec(nx1, ny1, nx2, ny2, na,
                          col(8), col(9), col(10), col(11), col(14))
            surv1 = jnp.logical_not(q1 > NMS_T)
            surv2 = jnp.logical_not(q2 > NMS_T)
            is1 = lanes == wt1
            s2c, i2c = col(12), col(13)
            bestv = jnp.where(is1,
                              jnp.where(surv2, s2c, ninf),
                              jnp.where(surv1, s1c,
                                        jnp.where(surv2, s2c, ninf)))
            besti = jnp.where(is1, i2c, jnp.where(surv1, i1c, i2c))
            use2 = is1 | jnp.logical_not(surv1)
            unk = jnp.where(is1, jnp.logical_not(surv2),
                            jnp.logical_not(surv1 | surv2))
            sound = jnp.max(unk.astype(jnp.int32)) == 0

            wv2 = jnp.max(bestv)
            ws2 = bestv == wv2
            wi2 = jnp.min(jnp.where(ws2, besti, bigv))
            wm2 = ws2 & (besti == wi2)
            wt2 = jnp.min(jnp.where(wm2, lanes, jnp.int32(LANES - 1)))
            shift = jnp.max(jnp.where(wm2 & use2, jnp.int32(8), jnp.int32(0)))
            nw2 = plsc.load_gather(
                allrec, [jnp.full((LANES,), wt2, jnp.int32), lanes + shift])
            nw2 = jnp.where(sound, nw2, nw1)

            valid1 = nw1[4] > SCORE_T
            m1_ = m + jnp.where(valid1, jnp.int32(1), jnp.int32(0))
            valid2 = sound & (nw2[4] > SCORE_T) & (m1_ < DETS)
            m2_ = m1_ + jnp.where(valid2, jnp.int32(1), jnp.int32(0))

            @pl.when((t == 0) & valid1)
            def _():
                outv[pl.ds(m * LANES, LANES)] = nw1
                plsc.store_scatter(
                    selflag,
                    [jnp.full((LANES,), nw1[5].astype(jnp.int32), jnp.int32)],
                    jnp.ones((LANES,), jnp.int32), mask=lanes == 0)

            @pl.when((t == 0) & valid2)
            def _():
                outv[pl.ds(m1_ * LANES, LANES)] = nw2
                plsc.store_scatter(
                    selflag,
                    [jnp.full((LANES,), nw2[5].astype(jnp.int32), jnp.int32)],
                    jnp.ones((LANES,), jnp.int32), mask=lanes == 0)

            return r + 1, m2_, nw1, nw2

        zero_rec = jnp.zeros((LANES,), jnp.float32)

        def _cond(carry):
            r, m, _, _ = carry
            return (m < DETS) & (r < DETS)

        _, m, _, _ = lax.while_loop(
            _cond, _round, (jnp.int32(0), jnp.int32(0), zero_rec, zero_rec))

        @pl.when(t == 0)
        def _finish():
            def _fb(jj, run):
                sl = pl.ds(jj * LANES, LANES)
                z = selflag[sl] == 0
                inc = z.astype(jnp.int32)
                cum = plsc.cumsum(inc)
                slot = m + run + (cum - inc)
                en = z & (slot < DETS)
                sbase = slot * LANES
                plsc.store_scatter(outv, [sbase + 0], x1v[sl], mask=en)
                plsc.store_scatter(outv, [sbase + 1], y1v[sl], mask=en)
                plsc.store_scatter(outv, [sbase + 2], x2v[sl], mask=en)
                plsc.store_scatter(outv, [sbase + 3], y2v[sl], mask=en)
                plsc.store_scatter(outv, [sbase + 4],
                                   jnp.full((LANES,), NEG, jnp.float32),
                                   mask=en)
                return run + cum[LANES - 1]
            lax.fori_loop(0, 256 // LANES, _fb, jnp.int32(0))
            pltpu.sync_copy(outv, outh)


def _build(n, interpret=False):
    grain = LANES * NTILES
    npad = -(-n // grain) * grain
    chunk = npad // NTILES
    mesh = plsc.VectorSubcoreMesh(
        core_axis_name="c", subcore_axis_name="s", num_cores=1)
    f = pl.kernel(
        _nms_body,
        out_type=jax.ShapeDtypeStruct((DETS * LANES,), jnp.float32),
        mesh=mesh,
        compiler_params=pltpu.CompilerParams(needs_layout_passes=False),
        interpret=interpret,
        scratch_types=[
            pltpu.VMEM((chunk,), jnp.float32),
            pltpu.VMEM((chunk,), jnp.float32),
            pltpu.VMEM((chunk,), jnp.float32),
            pltpu.VMEM((chunk,), jnp.float32),
            pltpu.VMEM((chunk,), jnp.float32),
            pltpu.VMEM((chunk,), jnp.float32),
            pltpu.VMEM((RECW,), jnp.float32),
            pltpu.VMEM((NTILES, RECW), jnp.float32),
            pltpu.VMEM((DETS * LANES,), jnp.float32),
            pltpu.VMEM((npad,), jnp.int32),
            pltpu.VMEM_SHARED((2, NTILES, RECW), jnp.float32),
        ],
    )
    return f, npad


def kernel(boxes, scores):
    n = boxes.shape[0]
    f, npad = _build(n)
    x1 = jnp.pad(boxes[:, 0], (0, npad - n))
    y1 = jnp.pad(boxes[:, 1], (0, npad - n))
    x2 = jnp.pad(boxes[:, 2], (0, npad - n))
    y2 = jnp.pad(boxes[:, 3], (0, npad - n))
    sp = jnp.pad(scores, (0, npad - n), constant_values=NEG)
    out = f(x1, y1, x2, y2, sp)
    return out.reshape(DETS, LANES)[:, :5]

# --- scband reference (transcript-rebuilt; emitter-appended) ---
"""Pipeline reference for scband-ro-iheads-82575041232910 (READ-ONLY COPY).

The authoritative reference and input builder live on the scoring server;
editing this copy changes nothing except your own understanding.
"""

import jax, jax.numpy as jnp
import numpy as np

N = 5000
NMS_THRESH = 0.5
SCORE_THRESH = 0.05
DETS_PER_IMG = 100


def setup_inputs(seed: int = 0) -> dict:
    key = jax.random.key(seed)
    k1, k2, k3 = jax.random.split(key, 3)
    xy = jax.random.uniform(k1, (N, 2), minval=0.0, maxval=448.0)
    wh = jax.random.uniform(k2, (N, 2), minval=4.0, maxval=96.0)
    boxes = jnp.concatenate([xy, xy + wh], axis=1).astype(jnp.float32)
    scores = jax.random.uniform(k3, (N,), dtype=jnp.float32)
    return {"boxes": boxes, "scores": scores}


def _nms_keep(boxes, scores, iou_threshold):
    # greedy global NMS (category-agnostic), faithful to global_nms / box_ops.nms
    order = jnp.argsort(-scores)
    b = boxes[order]
    x1, y1, x2, y2 = b[:, 0], b[:, 1], b[:, 2], b[:, 3]
    areas = (x2 - x1) * (y2 - y1)
    n = b.shape[0]
    idxs = jnp.arange(n)

    def body(keep, i):
        xx1 = jnp.maximum(x1[i], x1)
        yy1 = jnp.maximum(y1[i], y1)
        xx2 = jnp.minimum(x2[i], x2)
        yy2 = jnp.minimum(y2[i], y2)
        inter = jnp.clip(xx2 - xx1, 0.0) * jnp.clip(yy2 - yy1, 0.0)
        iou = inter / (areas[i] + areas - inter + 1e-9)
        suppress = (iou > iou_threshold) & (idxs > i) & keep[i]
        return keep & (~suppress), None

    keep_sorted, _ = jax.lax.scan(body, jnp.ones((n,), dtype=bool), idxs)
    # map keep mask back to original (unsorted) box order
    keep = jnp.zeros((n,), dtype=bool).at[order].set(keep_sorted)
    return keep


def reference(boxes, scores):
    # RoIHeads.postprocess_detections-style: score filter -> NMS -> keep top detections_per_img
    keep = _nms_keep(boxes, scores, NMS_THRESH)
    keep = keep & (scores > SCORE_THRESH)
    masked = jnp.where(keep, scores, -1e9)
    det_scores, idx = jax.lax.top_k(masked, DETS_PER_IMG)
    det_boxes = boxes[idx]
    # pack [x1, y1, x2, y2, score] per detection
    return jnp.concatenate([det_boxes, det_scores[:, None]], axis=1)

if __name__ == "__main__":
    import jax
    _d = setup_inputs()
    print(jax.jit(kernel)(*tuple(_d.values())))

</pallas_src>

<mosaic_0001>
#map = affine_map<(d0, d1) -> (0)>
module attributes {stable_mosaic.version = 14 : i64} {
  func.func @_nms_body(%arg0: i32, %arg1: i32, %arg2: memref<5120xf32, #tpu.memory_space<hbm>>, %arg3: memref<5120xf32, #tpu.memory_space<hbm>>, %arg4: memref<5120xf32, #tpu.memory_space<hbm>>, %arg5: memref<5120xf32, #tpu.memory_space<hbm>>, %arg6: memref<5120xf32, #tpu.memory_space<hbm>>, %arg7: memref<1600xf32, #tpu.memory_space<hbm>>, %arg8: memref<320xf32, #tpu.memory_space<vmem>>, %arg9: memref<320xf32, #tpu.memory_space<vmem>>, %arg10: memref<320xf32, #tpu.memory_space<vmem>>, %arg11: memref<320xf32, #tpu.memory_space<vmem>>, %arg12: memref<320xf32, #tpu.memory_space<vmem>>, %arg13: memref<320xf32, #tpu.memory_space<vmem>>, %arg14: memref<128xf32, #tpu.memory_space<vmem>>, %arg15: memref<16x128xf32, #tpu.memory_space<vmem>>, %arg16: memref<1600xf32, #tpu.memory_space<vmem>>, %arg17: memref<5120xi32, #tpu.memory_space<vmem>>, %arg18: memref<2x16x128xf32, #tpu.memory_space<vmem_shared>>) attributes {dimension_semantics = [#tpu.dimension_semantics<core_parallel>, #tpu.dimension_semantics<subcore_parallel>], iteration_bounds = array<i64: 1, 16>, scalar_prefetch = 0 : i64, scratch_operands = 11 : i64, tpu.core_type = #tpu.core_type<sc_vector_subcore>, window_params = [{transform_indices = #map}, {transform_indices = #map}, {transform_indices = #map}, {transform_indices = #map}, {transform_indices = #map}, {transform_indices = #map}]} {
    %eq3A = arith.constant 0 : i32
    %eq3A_0 = arith.cmpi eq, %arg0, %eq3A : i32
    %convert_element_type3A = arith.extui %eq3A_0 : i1 to i32
    %cond3A = arith.constant 0 : i32
    %cond3A_1 = arith.cmpi ne, %convert_element_type3A, %cond3A : i32
    scf.if %cond3A_1 {
      %mul3A = arith.constant 320 : i32
      %mul3A_2 = arith.muli %arg1, %mul3A : i32
      "tpu.region"() ({
        %run_scoped3A = tpu.sem_alloc : memref<!tpu.dma_semaphore, #tpu.memory_space<semaphore_mem>>
        %dma_start3A = tpu.memref_slice %arg2[%mul3A_2] : memref<5120xf32, #tpu.memory_space<hbm>> -> memref<320xf32, #tpu.memory_space<hbm>>
        %dma_start3A_277 = tpu.memref_slice %arg2[%mul3A_2] : memref<5120xf32, #tpu.memory_space<hbm>> -> memref<320xf32, #tpu.memory_space<hbm>>
        tpu.enqueue_dma source(%dma_start3A_277 : memref<320xf32, #tpu.memory_space<hbm>>) target(%arg8 : memref<320xf32, #tpu.memory_space<vmem>>) target_semaphore(%run_scoped3A : memref<!tpu.dma_semaphore, #tpu.memory_space<semaphore_mem>>)
        %dma_wait3A = tpu.memref_slice %arg2[%mul3A_2] : memref<5120xf32, #tpu.memory_space<hbm>> -> memref<320xf32, #tpu.memory_space<hbm>>
        %dma_wait3A_278 = tpu.memref_slice %arg2[%mul3A_2] : memref<5120xf32, #tpu.memory_space<hbm>> -> memref<320xf32, #tpu.memory_space<hbm>>
        tpu.wait_dma2 semaphore(%run_scoped3A : memref<!tpu.dma_semaphore, #tpu.memory_space<semaphore_mem>>) src(%dma_wait3A_278 : memref<320xf32, #tpu.memory_space<hbm>>) dst(%arg8 : memref<320xf32, #tpu.memory_space<vmem>>)
        tpu.yield
      }) : () -> ()
      "tpu.region"() ({
        %run_scoped3A = tpu.sem_alloc : memref<!tpu.dma_semaphore, #tpu.memory_space<semaphore_mem>>
        %dma_start3A = tpu.memref_slice %arg3[%mul3A_2] : memref<5120xf32, #tpu.memory_space<hbm>> -> memref<320xf32, #tpu.memory_space<hbm>>
        %dma_start3A_277 = tpu.memref_slice %arg3[%mul3A_2] : memref<5120xf32, #tpu.memory_space<hbm>> -> memref<320xf32, #tpu.memory_space<hbm>>
        tpu.enqueue_dma source(%dma_start3A_277 : memref<320xf32, #tpu.memory_space<hbm>>) target(%arg9 : memref<320xf32, #tpu.memory_space<vmem>>) target_semaphore(%run_scoped3A : memref<!tpu.dma_semaphore, #tpu.memory_space<semaphore_mem>>)
        %dma_wait3A = tpu.memref_slice %arg3[%mul3A_2] : memref<5120xf32, #tpu.memory_space<hbm>> -> memref<320xf32, #tpu.memory_space<hbm>>
        %dma_wait3A_278 = tpu.memref_slice %arg3[%mul3A_2] : memref<5120xf32, #tpu.memory_space<hbm>> -> memref<320xf32, #tpu.memory_space<hbm>>
        tpu.wait_dma2 semaphore(%run_scoped3A : memref<!tpu.dma_semaphore, #tpu.memory_space<semaphore_mem>>) src(%dma_wait3A_278 : memref<320xf32, #tpu.memory_space<hbm>>) dst(%arg9 : memref<320xf32, #tpu.memory_space<vmem>>)
        tpu.yield
      }) : () -> ()
      "tpu.region"() ({
        %run_scoped3A = tpu.sem_alloc : memref<!tpu.dma_semaphore, #tpu.memory_space<semaphore_mem>>
        %dma_start3A = tpu.memref_slice %arg4[%mul3A_2] : memref<5120xf32, #tpu.memory_space<hbm>> -> memref<320xf32, #tpu.memory_space<hbm>>
        %dma_start3A_277 = tpu.memref_slice %arg4[%mul3A_2] : memref<5120xf32, #tpu.memory_space<hbm>> -> memref<320xf32, #tpu.memory_space<hbm>>
        tpu.enqueue_dma source(%dma_start3A_277 : memref<320xf32, #tpu.memory_space<hbm>>) target(%arg10 : memref<320xf32, #tpu.memory_space<vmem>>) target_semaphore(%run_scoped3A : memref<!tpu.dma_semaphore, #tpu.memory_space<semaphore_mem>>)
        %dma_wait3A = tpu.memref_slice %arg4[%mul3A_2] : memref<5120xf32, #tpu.memory_space<hbm>> -> memref<320xf32, #tpu.memory_space<hbm>>
        %dma_wait3A_278 = tpu.memref_slice %arg4[%mul3A_2] : memref<5120xf32, #tpu.memory_space<hbm>> -> memref<320xf32, #tpu.memory_space<hbm>>
        tpu.wait_dma2 semaphore(%run_scoped3A : memref<!tpu.dma_semaphore, #tpu.memory_space<semaphore_mem>>) src(%dma_wait3A_278 : memref<320xf32, #tpu.memory_space<hbm>>) dst(%arg10 : memref<320xf32, #tpu.memory_space<vmem>>)
        tpu.yield
      }) : () -> ()
      "tpu.region"() ({
        %run_scoped3A = tpu.sem_alloc : memref<!tpu.dma_semaphore, #tpu.memory_space<semaphore_mem>>
        %dma_start3A = tpu.memref_slice %arg5[%mul3A_2] : memref<5120xf32, #tpu.memory_space<hbm>> -> memref<320xf32, #tpu.memory_space<hbm>>
        %dma_start3A_277 = tpu.memref_slice %arg5[%mul3A_2] : memref<5120xf32, #tpu.memory_space<hbm>> -> memref<320xf32, #tpu.memory_space<hbm>>
        tpu.enqueue_dma source(%dma_start3A_277 : memref<320xf32, #tpu.memory_space<hbm>>) target(%arg11 : memref<320xf32, #tpu.memory_space<vmem>>) target_semaphore(%run_scoped3A : memref<!tpu.dma_semaphore, #tpu.memory_space<semaphore_mem>>)
        %dma_wait3A = tpu.memref_slice %arg5[%mul3A_2] : memref<5120xf32, #tpu.memory_space<hbm>> -> memref<320xf32, #tpu.memory_space<hbm>>
        %dma_wait3A_278 = tpu.memref_slice %arg5[%mul3A_2] : memref<5120xf32, #tpu.memory_space<hbm>> -> memref<320xf32, #tpu.memory_space<hbm>>
        tpu.wait_dma2 semaphore(%run_scoped3A : memref<!tpu.dma_semaphore, #tpu.memory_space<semaphore_mem>>) src(%dma_wait3A_278 : memref<320xf32, #tpu.memory_space<hbm>>) dst(%arg11 : memref<320xf32, #tpu.memory_space<vmem>>)
        tpu.yield
      }) : () -> ()
      "tpu.region"() ({
        %run_scoped3A = tpu.sem_alloc : memref<!tpu.dma_semaphore, #tpu.memory_space<semaphore_mem>>
        %dma_start3A = tpu.memref_slice %arg6[%mul3A_2] : memref<5120xf32, #tpu.memory_space<hbm>> -> memref<320xf32, #tpu.memory_space<hbm>>
        %dma_start3A_277 = tpu.memref_slice %arg6[%mul3A_2] : memref<5120xf32, #tpu.memory_space<hbm>> -> memref<320xf32, #tpu.memory_space<hbm>>
        tpu.enqueue_dma source(%dma_start3A_277 : memref<320xf32, #tpu.memory_space<hbm>>) target(%arg12 : memref<320xf32, #tpu.memory_space<vmem>>) target_semaphore(%run_scoped3A : memref<!tpu.dma_semaphore, #tpu.memory_space<semaphore_mem>>)
        %dma_wait3A = tpu.memref_slice %arg6[%mul3A_2] : memref<5120xf32, #tpu.memory_space<hbm>> -> memref<320xf32, #tpu.memory_space<hbm>>
        %dma_wait3A_278 = tpu.memref_slice %arg6[%mul3A_2] : memref<5120xf32, #tpu.memory_space<hbm>> -> memref<320xf32, #tpu.memory_space<hbm>>
        tpu.wait_dma2 semaphore(%run_scoped3A : memref<!tpu.dma_semaphore, #tpu.memory_space<semaphore_mem>>) src(%dma_wait3A_278 : memref<320xf32, #tpu.memory_space<hbm>>) dst(%arg12 : memref<320xf32, #tpu.memory_space<vmem>>)
        tpu.yield
      }) : () -> ()
      %iota3A = tpu.iota {dimensions = array<i32: 0>} : vector<16xi32>
      %broadcast_in_dim3A = arith.constant 0xFF800000 : f32
      %broadcast_in_dim3A_3 = vector.broadcast %broadcast_in_dim3A : f32 to vector<16xf32>
      %broadcast_in_dim3A_4 = arith.constant 1.07374182E+9 : f32
      %broadcast_in_dim3A_5 = vector.broadcast %broadcast_in_dim3A_4 : f32 to vector<16xf32>
      %get3A = arith.constant 0 : index
      %get3A_6 = tpu.vector_load %arg10[%get3A] {strides = array<i32>} : memref<320xf32, #tpu.memory_space<vmem>>, vector<16xf32>,
      %get3A_7 = arith.constant 0 : index
      %get3A_8 = tpu.vector_load %arg8[%get3A_7] {strides = array<i32>} : memref<320xf32, #tpu.memory_space<vmem>>, vector<16xf32>,
      %sub3A = arith.subf %get3A_6, %get3A_8 : vector<16xf32>
      %get3A_9 = arith.constant 0 : index
      %get3A_10 = tpu.vector_load %arg11[%get3A_9] {strides = array<i32>} : memref<320xf32, #tpu.memory_space<vmem>>, vector<16xf32>,
      %get3A_11 = arith.constant 0 : index
      %get3A_12 = tpu.vector_load %arg9[%get3A_11] {strides = array<i32>} : memref<320xf32, #tpu.memory_space<vmem>>, vector<16xf32>,
      %sub3A_13 = arith.subf %get3A_10, %get3A_12 : vector<16xf32>
      %mul3A_14 = arith.mulf %sub3A, %sub3A_13 : vector<16xf32>
      %swap3A = arith.constant 0 : index
      %swap3A_15 = tpu.vector_load %arg13[%swap3A] {strides = array<i32>} : memref<320xf32, #tpu.memory_space<vmem>>, vector<16xf32>,
      tpu.vector_store %arg13[%swap3A], %mul3A_14 {strides = array<i32>} : memref<320xf32, #tpu.memory_space<vmem>>, vector<16xf32>,
      %get3A_16 = arith.constant 16 : index
      %get3A_17 = tpu.vector_load %arg10[%get3A_16] {strides = array<i32>} : memref<320xf32, #tpu.memory_space<vmem>>, vector<16xf32>,
      %get3A_18 = arith.constant 16 : index
      %get3A_19 = tpu.vector_load %arg8[%get3A_18] {strides = array<i32>} : memref<320xf32, #tpu.memory_space<vmem>>, vector<16xf32>,
      %sub3A_20 = arith.subf %get3A_17, %get3A_19 : vector<16xf32>
      %get3A_21 = arith.constant 16 : index
      %get3A_22 = tpu.vector_load %arg11[%get3A_21] {strides = array<i32>} : memref<320xf32, #tpu.memory_space<vmem>>, vector<16xf32>,
      %get3A_23 = arith.constant 16 : index
      %get3A_24 = tpu.vector_load %arg9[%get3A_23] {strides = array<i32>} : memref<320xf32, #tpu.memory_space<vmem>>, vector<16xf32>,
      %sub3A_25 = arith.subf %get3A_22, %get3A_24 : vector<16xf32>
      %mul3A_26 = arith.mulf %sub3A_20, %sub3A_25 : vector<16xf32>
      %swap3A_27 = arith.constant 16 : index
      %swap3A_28 = tpu.vector_load %arg13[%swap3A_27] {strides = array<i32>} : memref<320xf32, #tpu.memory_space<vmem>>, vector<16xf32>,
      tpu.vector_store %arg13[%swap3A_27], %mul3A_26 {strides = array<i32>} : memref<320xf32, #tpu.memory_space<vmem>>, vector<16xf32>,
      %get3A_29 = arith.constant 32 : index
      %get3A_30 = tpu.vector_load %arg10[%get3A_29] {strides = array<i32>} : memref<320xf32, #tpu.memory_space<vmem>>, vector<16xf32>,
      %get3A_31 = arith.constant 32 : index
      %get3A_32 = tpu.vector_load %arg8[%get3A_31] {strides = array<i32>} : memref<320xf32, #tpu.memory_space<vmem>>, vector<16xf32>,
      %sub3A_33 = arith.subf %get3A_30, %get3A_32 : vector<16xf32>
      %get3A_34 = arith.constant 32 : index
      %get3A_35 = tpu.vector_load %arg11[%get3A_34] {strides = array<i32>} : memref<320xf32, #tpu.memory_space<vmem>>, vector<16xf32>,
      %get3A_36 = arith.constant 32 : index
      %get3A_37 = tpu.vector_load %arg9[%get3A_36] {strides = array<i32>} : memref<320xf32, #tpu.memory_space<vmem>>, vector<16xf32>,
      %sub3A_38 = arith.subf %get3A_35, %get3A_37 : vector<16xf32>
      %mul3A_39 = arith.mulf %sub3A_33, %sub3A_38 : vector<16xf32>
      %swap3A_40 = arith.constant 32 : index
      %swap3A_41 = tpu.vector_load %arg13[%swap3A_40] {strides = array<i32>} : memref<320xf32, #tpu.memory_space<vmem>>, vector<16xf32>,
      tpu.vector_store %arg13[%swap3A_40], %mul3A_39 {strides = array<i32>} : memref<320xf32, #tpu.memory_space<vmem>>, vector<16xf32>,
      %get3A_42 = arith.constant 48 : index
      %get3A_43 = tpu.vector_load %arg10[%get3A_42] {strides = array<i32>} : memref<320xf32, #tpu.memory_space<vmem>>, vector<16xf32>,
      %get3A_44 = arith.constant 48 : index
      %get3A_45 = tpu.vector_load %arg8[%get3A_44] {strides = array<i32>} : memref<320xf32, #tpu.memory_space<vmem>>, vector<16xf32>,
      %sub3A_46 = arith.subf %get3A_43, %get3A_45 : vector<16xf32>
      %get3A_47 = arith.constant 48 : index
      %get3A_48 = tpu.vector_load %arg11[%get3A_47] {strides = array<i32>} : memref<320xf32, #tpu.memory_space<vmem>>, vector<16xf32>,
      %get3A_49 = arith.constant 48 : index
      %get3A_50 = tpu.vector_load %arg9[%get3A_49] {strides = array<i32>} : memref<320xf32, #tpu.memory_space<vmem>>, vector<16xf32>,
      %sub3A_51 = arith.subf %get3A_48, %get3A_50 : vector<16xf32>
      %mul3A_52 = arith.mulf %sub3A_46, %sub3A_51 : vector<16xf32>
      %swap3A_53 = arith.constant 48 : index
      %swap3A_54 = tpu.vector_load %arg13[%swap3A_53] {strides = array<i32>} : memref<320xf32, #tpu.memory_space<vmem>>, vector<16xf32>,
      tpu.vector_store %arg13[%swap3A_53], %mul3A_52 {strides = array<i32>} : memref<320xf32, #tpu.memory_space<vmem>>, vector<16xf32>,
      %get3A_55 = arith.constant 64 : index
      %get3A_56 = tpu.vector_load %arg10[%get3A_55] {strides = array<i32>} : memref<320xf32, #tpu.memory_space<vmem>>, vector<16xf32>,
      %get3A_57 = arith.constant 64 : index
      %get3A_58 = tpu.vector_load %arg8[%get3A_57] {strides = array<i32>} : memref<320xf32, #tpu.memory_space<vmem>>, vector<16xf32>,
      %sub3A_59 = arith.subf %get3A_56, %get3A_58 : vector<16xf32>
      %get3A_60 = arith.constant 64 : index
      %get3A_61 = tpu.vector_load %arg11[%get3A_60] {strides = array<i32>} : memref<320xf32, #tpu.memory_space<vmem>>, vector<16xf32>,
      %get3A_62 = arith.constant 64 : index
      %get3A_63 = tpu.vector_load %arg9[%get3A_62] {strides = array<i32>} : memref<320xf32, #tpu.memory_space<vmem>>, vector<16xf32>,
      %sub3A_64 = arith.subf %get3A_61, %get3A_63 : vector<16xf32>
      %mul3A_65 = arith.mulf %sub3A_59, %sub3A_64 : vector<16xf32>
      %swap3A_66 = arith.constant 64 : index
      %swap3A_67 = tpu.vector_load %arg13[%swap3A_66] {strides = array<i32>} : memref<320xf32, #tpu.memory_space<vmem>>, vector<16xf32>,
      tpu.vector_store %arg13[%swap3A_66], %mul3A_65 {strides = array<i32>} : memref<320xf32, #tpu.memory_space<vmem>>, vector<16xf32>,
      %get3A_68 = arith.constant 80 : index
      %get3A_69 = tpu.vector_load %arg10[%get3A_68] {strides = array<i32>} : memref<320xf32, #tpu.memory_space<vmem>>, vector<16xf32>,
      %get3A_70 = arith.constant 80 : index
      %get3A_71 = tpu.vector_load %arg8[%get3A_70] {strides = array<i32>} : memref<320xf32, #tpu.memory_space<vmem>>, vector<16xf32>,
      %sub3A_72 = arith.subf %get3A_69, %get3A_71 : vector<16xf32>
      %get3A_73 = arith.constant 80 : index
      %get3A_74 = tpu.vector_load %arg11[%get3A_73] {strides = array<i32>} : memref<320xf32, #tpu.memory_space<vmem>>, vector<16xf32>,
      %get3A_75 = arith.constant 80 : index
      %get3A_76 = tpu.vector_load %arg9[%get3A_75] {strides = array<i32>} : memref<320xf32, #tpu.memory_space<vmem>>, vector<16xf32>,
      %sub3A_77 = arith.subf %get3A_74, %get3A_76 : vector<16xf32>
      %mul3A_78 = arith.mulf %sub3A_72, %sub3A_77 : vector<16xf32>
      %swap3A_79 = arith.constant 80 : index
      %swap3A_80 = tpu.vector_load %arg13[%swap3A_79] {strides = array<i32>} : memref<320xf32, #tpu.memory_space<vmem>>, vector<16xf32>,
      tpu.vector_store %arg13[%swap3A_79], %mul3A_78 {strides = array<i32>} : memref<320xf32, #tpu.memory_space<vmem>>, vector<16xf32>,
      %get3A_81 = arith.constant 96 : index
      %get3A_82 = tpu.vector_load %arg10[%get3A_81] {strides = array<i32>} : memref<320xf32, #tpu.memory_space<vmem>>, vector<16xf32>,
      %get3A_83 = arith.constant 96 : index
      %get3A_84 = tpu.vector_load %arg8[%get3A_83] {strides = array<i32>} : memref<320xf32, #tpu.memory_space<vmem>>, vector<16xf32>,
      %sub3A_85 = arith.subf %get3A_82, %get3A_84 : vector<16xf32>
      %get3A_86 = arith.constant 96 : index
      %get3A_87 = tpu.vector_load %arg11[%get3A_86] {strides = array<i32>} : memref<320xf32, #tpu.memory_space<vmem>>, vector<16xf32>,
      %get3A_88 = arith.constant 96 : index
      %get3A_89 = tpu.vector_load %arg9[%get3A_88] {strides = array<i32>} : memref<320xf32, #tpu.memory_space<vmem>>, vector<16xf32>,
      %sub3A_90 = arith.subf %get3A_87, %get3A_89 : vector<16xf32>
      %mul3A_91 = arith.mulf %sub3A_85, %sub3A_90 : vector<16xf32>
      %swap3A_92 = arith.constant 96 : index
      %swap3A_93 = tpu.vector_load %arg13[%swap3A_92] {strides = array<i32>} : memref<320xf32, #tpu.memory_space<vmem>>, vector<16xf32>,
      tpu.vector_store %arg13[%swap3A_92], %mul3A_91 {strides = array<i32>} : memref<320xf32, #tpu.memory_space<vmem>>, vector<16xf32>,
      %get3A_94 = arith.constant 112 : index
      %get3A_95 = tpu.vector_load %arg10[%get3A_94] {strides = array<i32>} : memref<320xf32, #tpu.memory_space<vmem>>, vector<16xf32>,
      %get3A_96 = arith.constant 112 : index
      %get3A_97 = tpu.vector_load %arg8[%get3A_96] {strides = array<i32>} : memref<320xf32, #tpu.memory_space<vmem>>, vector<16xf32>,
      %sub3A_98 = arith.subf %get3A_95, %get3A_97 : vector<16xf32>
      %get3A_99 = arith.constant 112 : index
      %get3A_100 = tpu.vector_load %arg11[%get3A_99] {strides = array<i32>} : memref<320xf32, #tpu.memory_space<vmem>>, vector<16xf32>,
      %get3A_101 = arith.constant 112 : index
      %get3A_102 = tpu.vector_load %arg9[%get3A_101] {strides = array<i32>} : memref<320xf32, #tpu.memory_space<vmem>>, vector<16xf32>,
      %sub3A_103 = arith.subf %get3A_100, %get3A_102 : vector<16xf32>
      %mul3A_104 = arith.mulf %sub3A_98, %sub3A_103 : vector<16xf32>
      %swap3A_105 = arith.constant 112 : index
      %swap3A_106 = tpu.vector_load %arg13[%swap3A_105] {strides = array<i32>} : memref<320xf32, #tpu.memory_space<vmem>>, vector<16xf32>,
      tpu.vector_store %arg13[%swap3A_105], %mul3A_104 {strides = array<i32>} : memref<320xf32, #tpu.memory_space<vmem>>, vector<16xf32>,
      %get3A_107 = arith.constant 128 : index
      %get3A_108 = tpu.vector_load %arg10[%get3A_107] {strides = array<i32>} : memref<320xf32, #tpu.memory_space<vmem>>, vector<16xf32>,
      %get3A_109 = arith.constant 128 : index
      %get3A_110 = tpu.vector_load %arg8[%get3A_109] {strides = array<i32>} : memref<320xf32, #tpu.memory_space<vmem>>, vector<16xf32>,
      %sub3A_111 = arith.subf %get3A_108, %get3A_110 : vector<16xf32>
      %get3A_112 = arith.constant 128 : index
      %get3A_113 = tpu.vector_load %arg11[%get3A_112] {strides = array<i32>} : memref<320xf32, #tpu.memory_space<vmem>>, vector<16xf32>,
      %get3A_114 = arith.constant 128 : index
      %get3A_115 = tpu.vector_load %arg9[%get3A_114] {strides = array<i32>} : memref<320xf32, #tpu.memory_space<vmem>>, vector<16xf32>,
      %sub3A_116 = arith.subf %get3A_113, %get3A_115 : vector<16xf32>
      %mul3A_117 = arith.mulf %sub3A_111, %sub3A_116 : vector<16xf32>
      %swap3A_118 = arith.constant 128 : index
      %swap3A_119 = tpu.vector_load %arg13[%swap3A_118] {strides = array<i32>} : memref<320xf32, #tpu.memory_space<vmem>>, vector<16xf32>,
      tpu.vector_store %arg13[%swap3A_118], %mul3A_117 {strides = array<i32>} : memref<320xf32, #tpu.memory_space<vmem>>, vector<16xf32>,
      %get3A_120 = arith.constant 144 : index
      %get3A_121 = tpu.vector_load %arg10[%get3A_120] {strides = array<i32>} : memref<320xf32, #tpu.memory_space<vmem>>, vector<16xf32>,
      %get3A_122 = arith.constant 144 : index
      %get3A_123 = tpu.vector_load %arg8[%get3A_122] {strides = array<i32>} : memref<320xf32, #tpu.memory_space<vmem>>, vector<16xf32>,
      %sub3A_124 = arith.subf %get3A_121, %get3A_123 : vector<16xf32>
      %get3A_125 = arith.constant 144 : index
      %get3A_126 = tpu.vector_load %arg11[%get3A_125] {strides = array<i32>} : memref<320xf32, #tpu.memory_space<vmem>>, vector<16xf32>,
      %get3A_127 = arith.constant 144 : index
      %get3A_128 = tpu.vector_load %arg9[%get3A_127] {strides = array<i32>} : memref<320xf32, #tpu.memory_space<vmem>>, vector<16xf32>,
      %sub3A_129 = arith.subf %get3A_126, %get3A_128 : vector<16xf32>
      %mul3A_130 = arith.mulf %sub3A_124, %sub3A_129 : vector<16xf32>
      %swap3A_131 = arith.constant 144 : index
      %swap3A_132 = tpu.vector_load %arg13[%swap3A_131] {strides = array<i32>} : memref<320xf32, #tpu.memory_space<vmem>>, vector<16xf32>,
      tpu.vector_store %arg13[%swap3A_131], %mul3A_130 {strides = array<i32>} : memref<320xf32, #tpu.memory_space<vmem>>, vector<16xf32>,
      %get3A_133 = arith.constant 160 : index
      %get3A_134 = tpu.vector_load %arg10[%get3A_133] {strides = array<i32>} : memref<320xf32, #tpu.memory_space<vmem>>, vector<16xf32>,
      %get3A_135 = arith.constant 160 : index
      %get3A_136 = tpu.vector_load %arg8[%get3A_135] {strides = array<i32>} : memref<320xf32, #tpu.memory_space<vmem>>, vector<16xf32>,
      %sub3A_137 = arith.subf %get3A_134, %get3A_136 : vector<16xf32>
      %get3A_138 = arith.constant 160 : index
      %get3A_139 = tpu.vector_load %arg11[%get3A_138] {strides = array<i32>} : memref<320xf32, #tpu.memory_space<vmem>>, vector<16xf32>,
      %get3A_140 = arith.constant 160 : index
      %get3A_141 = tpu.vector_load %arg9[%get3A_140] {strides = array<i32>} : memref<320xf32, #tpu.memory_space<vmem>>, vector<16xf32>,
      %sub3A_142 = arith.subf %get3A_139, %get3A_141 : vector<16xf32>
      %mul3A_143 = arith.mulf %sub3A_137, %sub3A_142 : vector<16xf32>
      %swap3A_144 = arith.constant 160 : index
      %swap3A_145 = tpu.vector_load %arg13[%swap3A_144] {strides = array<i32>} : memref<320xf32, #tpu.memory_space<vmem>>, vector<16xf32>,
      tpu.vector_store %arg13[%swap3A_144], %mul3A_143 {strides = array<i32>} : memref<320xf32, #tpu.memory_space<vmem>>, vector<16xf32>,
      %get3A_146 = arith.constant 176 : index
      %get3A_147 = tpu.vector_load %arg10[%get3A_146] {strides = array<i32>} : memref<320xf32, #tpu.memory_space<vmem>>, vector<16xf32>,
      %get3A_148 = arith.constant 176 : index
      %get3A_149 = tpu.vector_load %arg8[%get3A_148] {strides = array<i32>} : memref<320xf32, #tpu.memory_space<vmem>>, vector<16xf32>,
      %sub3A_150 = arith.subf %get3A_147, %get3A_149 : vector<16xf32>
      %get3A_151 = arith.constant 176 : index
      %get3A_152 = tpu.vector_load %arg11[%get3A_151] {strides = array<i32>} : memref<320xf32, #tpu.memory_space<vmem>>, vector<16xf32>,
      %get3A_153 = arith.constant 176 : index
      %get3A_154 = tpu.vector_load %arg9[%get3A_153] {strides = array<i32>} : memref<320xf32, #tpu.memory_space<vmem>>, vector<16xf32>,
      %sub3A_155 = arith.subf %get3A_152, %get3A_154 : vector<16xf32>
      %mul3A_156 = arith.mulf %sub3A_150, %sub3A_155 : vector<16xf32>
      %swap3A_157 = arith.constant 176 : index
      %swap3A_158 = tpu.vector_load %arg13[%swap3A_157] {strides = array<i32>} : memref<320xf32, #tpu.memory_space<vmem>>, vector<16xf32>,
      tpu.vector_store %arg13[%swap3A_157], %mul3A_156 {strides = array<i32>} : memref<320xf32, #tpu.memory_space<vmem>>, vector<16xf32>,
      %get3A_159 = arith.constant 192 : index
      %get3A_160 = tpu.vector_load %arg10[%get3A_159] {strides = array<i32>} : memref<320xf32, #tpu.memory_space<vmem>>, vector<16xf32>,
      %get3A_161 = arith.constant 192 : index
      %get3A_162 = tpu.vector_load %arg8[%get3A_161] {strides = array<i32>} : memref<320xf32, #tpu.memory_space<vmem>>, vector<16xf32>,
      %sub3A_163 = arith.subf %get3A_160, %get3A_162 : vector<16xf32>
      %get3A_164 = arith.constant 192 : index
      %get3A_165 = tpu.vector_load %arg11[%get3A_164] {strides = array<i32>} : memref<320xf32, #tpu.memory_space<vmem>>, vector<16xf32>,
      %get3A_166 = arith.constant 192 : index
      %get3A_167 = tpu.vector_load %arg9[%get3A_166] {strides = array<i32>} : memref<320xf32, #tpu.memory_space<vmem>>, vector<16xf32>,
      %sub3A_168 = arith.subf %get3A_165, %get3A_167 : vector<16xf32>
      %mul3A_169 = arith.mulf %sub3A_163, %sub3A_168 : vector<16xf32>
      %swap3A_170 = arith.constant 192 : index
      %swap3A_171 = tpu.vector_load %arg13[%swap3A_170] {strides = array<i32>} : memref<320xf32, #tpu.memory_space<vmem>>, vector<16xf32>,
      tpu.vector_store %arg13[%swap3A_170], %mul3A_169 {strides = array<i32>} : memref<320xf32, #tpu.memory_space<vmem>>, vector<16xf32>,
      %get3A_172 = arith.constant 208 : index
      %get3A_173 = tpu.vector_load %arg10[%get3A_172] {strides = array<i32>} : memref<320xf32, #tpu.memory_space<vmem>>, vector<16xf32>,
      %get3A_174 = arith.constant 208 : index
      %get3A_175 = tpu.vector_load %arg8[%get3A_174] {strides = array<i32>} : memref<320xf32, #tpu.memory_space<vmem>>, vector<16xf32>,
      %sub3A_176 = arith.subf %get3A_173, %get3A_175 : vector<16xf32>
      %get3A_177 = arith.constant 208 : index
      %get3A_178 = tpu.vector_load %arg11[%get3A_177] {strides = array<i32>} : memref<320xf32, #tpu.memory_space<vmem>>, vector<16xf32>,
      %get3A_179 = arith.constant 208 : index
      %get3A_180 = tpu.vector_load %arg9[%get3A_179] {strides = array<i32>} : memref<320xf32, #tpu.memory_space<vmem>>, vector<16xf32>,
      %sub3A_181 = arith.subf %get3A_178, %get3A_180 : vector<16xf32>
      %mul3A_182 = arith.mulf %sub3A_176, %sub3A_181 : vector<16xf32>
      %swap3A_183 = arith.constant 208 : index
      %swap3A_184 = tpu.vector_load %arg13[%swap3A_183] {strides = array<i32>} : memref<320xf32, #tpu.memory_space<vmem>>, vector<16xf32>,
      tpu.vector_store %arg13[%swap3A_183], %mul3A_182 {strides = array<i32>} : memref<320xf32, #tpu.memory_space<vmem>>, vector<16xf32>,
      %get3A_185 = arith.constant 224 : index
      %get3A_186 = tpu.vector_load %arg10[%get3A_185] {strides = array<i32>} : memref<320xf32, #tpu.memory_space<vmem>>, vector<16xf32>,
      %get3A_187 = arith.constant 224 : index
      %get3A_188 = tpu.vector_load %arg8[%get3A_187] {strides = array<i32>} : memref<320xf32, #tpu.memory_space<vmem>>, vector<16xf32>,
      %sub3A_189 = arith.subf %get3A_186, %get3A_188 : vector<16xf32>
      %get3A_190 = arith.constant 224 : index
      %get3A_191 = tpu.vector_load %arg11[%get3A_190] {strides = array<i32>} : memref<320xf32, #tpu.memory_space<vmem>>, vector<16xf32>,
      %get3A_192 = arith.constant 224 : index
      %get3A_193 = tpu.vector_load %arg9[%get3A_192] {strides = array<i32>} : memref<320xf32, #tpu.memory_space<vmem>>, vector<16xf32>,
      %sub3A_194 = arith.subf %get3A_191, %get3A_193 : vector<16xf32>
      %mul3A_195 = arith.mulf %sub3A_189, %sub3A_194 : vector<16xf32>
      %swap3A_196 = arith.constant 224 : index
      %swap3A_197 = tpu.vector_load %arg13[%swap3A_196] {strides = array<i32>} : memref<320xf32, #tpu.memory_space<vmem>>, vector<16xf32>,
      tpu.vector_store %arg13[%swap3A_196], %mul3A_195 {strides = array<i32>} : memref<320xf32, #tpu.memory_space<vmem>>, vector<16xf32>,
      %get3A_198 = arith.constant 240 : index
      %get3A_199 = tpu.vector_load %arg10[%get3A_198] {strides = array<i32>} : memref<320xf32, #tpu.memory_space<vmem>>, vector<16xf32>,
      %get3A_200 = arith.constant 240 : index
      %get3A_201 = tpu.vector_load %arg8[%get3A_200] {strides = array<i32>} : memref<320xf32, #tpu.memory_space<vmem>>, vector<16xf32>,
      %sub3A_202 = arith.subf %get3A_199, %get3A_201 : vector<16xf32>
      %get3A_203 = arith.constant 240 : index
      %get3A_204 = tpu.vector_load %arg11[%get3A_203] {strides = array<i32>} : memref<320xf32, #tpu.memory_space<vmem>>, vector<16xf32>,
      %get3A_205 = arith.constant 240 : index
      %get3A_206 = tpu.vector_load %arg9[%get3A_205] {strides = array<i32>} : memref<320xf32, #tpu.memory_space<vmem>>, vector<16xf32>,
      %sub3A_207 = arith.subf %get3A_204, %get3A_206 : vector<16xf32>
      %mul3A_208 = arith.mulf %sub3A_202, %sub3A_207 : vector<16xf32>
      %swap3A_209 = arith.constant 240 : index
      %swap3A_210 = tpu.vector_load %arg13[%swap3A_209] {strides = array<i32>} : memref<320xf32, #tpu.memory_space<vmem>>, vector<16xf32>,
      tpu.vector_store %arg13[%swap3A_209], %mul3A_208 {strides = array<i32>} : memref<320xf32, #tpu.memory_space<vmem>>, vector<16xf32>,
      %get3A_211 = arith.constant 256 : index
      %get3A_212 = tpu.vector_load %arg10[%get3A_211] {strides = array<i32>} : memref<320xf32, #tpu.memory_space<vmem>>, vector<16xf32>,
      %get3A_213 = arith.constant 256 : index
      %get3A_214 = tpu.vector_load %arg8[%get3A_213] {strides = array<i32>} : memref<320xf32, #tpu.memory_space<vmem>>, vector<16xf32>,
      %sub3A_215 = arith.subf %get3A_212, %get3A_214 : vector<16xf32>
      %get3A_216 = arith.constant 256 : index
      %get3A_217 = tpu.vector_load %arg11[%get3A_216] {strides = array<i32>} : memref<320xf32, #tpu.memory_space<vmem>>, vector<16xf32>,
      %get3A_218 = arith.constant 256 : index
      %get3A_219 = tpu.vector_load %arg9[%get3A_218] {strides = array<i32>} : memref<320xf32, #tpu.memory_space<vmem>>, vector<16xf32>,
      %sub3A_220 = arith.subf %get3A_217, %get3A_219 : vector<16xf32>
      %mul3A_221 = arith.mulf %sub3A_215, %sub3A_220 : vector<16xf32>
      %swap3A_222 = arith.constant 256 : index
      %swap3A_223 = tpu.vector_load %arg13[%swap3A_222] {strides = array<i32>} : memref<320xf32, #tpu.memory_space<vmem>>, vector<16xf32>,
      tpu.vector_store %arg13[%swap3A_222], %mul3A_221 {strides = array<i32>} : memref<320xf32, #tpu.memory_space<vmem>>, vector<16xf32>,
      %get3A_224 = arith.constant 272 : index
      %get3A_225 = tpu.vector_load %arg10[%get3A_224] {strides = array<i32>} : memref<320xf32, #tpu.memory_space<vmem>>, vector<16xf32>,
      %get3A_226 = arith.constant 272 : index
      %get3A_227 = tpu.vector_load %arg8[%get3A_226] {strides = array<i32>} : memref<320xf32, #tpu.memory_space<vmem>>, vector<16xf32>,
      %sub3A_228 = arith.subf %get3A_225, %get3A_227 : vector<16xf32>
      %get3A_229 = arith.constant 272 : index
      %get3A_230 = tpu.vector_load %arg11[%get3A_229] {strides = array<i32>} : memref<320xf32, #tpu.memory_space<vmem>>, vector<16xf32>,
      %get3A_231 = arith.constant 272 : index
      %get3A_232 = tpu.vector_load %arg9[%get3A_231] {strides = array<i32>} : memref<320xf32, #tpu.memory_space<vmem>>, vector<16xf32>,
      %sub3A_233 = arith.subf %get3A_230, %get3A_232 : vector<16xf32>
      %mul3A_234 = arith.mulf %sub3A_228, %sub3A_233 : vector<16xf32>
      %swap3A_235 = arith.constant 272 : index
      %swap3A_236 = tpu.vector_load %arg13[%swap3A_235] {strides = array<i32>} : memref<320xf32, #tpu.memory_space<vmem>>, vector<16xf32>,
      tpu.vector_store %arg13[%swap3A_235], %mul3A_234 {strides = array<i32>} : memref<320xf32, #tpu.memory_space<vmem>>, vector<16xf32>,
      %get3A_237 = arith.constant 288 : index
      %get3A_238 = tpu.vector_load %arg10[%get3A_237] {strides = array<i32>} : memref<320xf32, #tpu.memory_space<vmem>>, vector<16xf32>,
      %get3A_239 = arith.constant 288 : index
      %get3A_240 = tpu.vector_load %arg8[%get3A_239] {strides = array<i32>} : memref<320xf32, #tpu.memory_space<vmem>>, vector<16xf32>,
      %sub3A_241 = arith.subf %get3A_238, %get3A_240 : vector<16xf32>
      %get3A_242 = arith.constant 288 : index
      %get3A_243 = tpu.vector_load %arg11[%get3A_242] {strides = array<i32>} : memref<320xf32, #tpu.memory_space<vmem>>, vector<16xf32>,
      %get3A_244 = arith.constant 288 : index
      %get3A_245 = tpu.vector_load %arg9[%get3A_244] {strides = array<i32>} : memref<320xf32, #tpu.memory_space<vmem>>, vector<16xf32>,
      %sub3A_246 = arith.subf %get3A_243, %get3A_245 : vector<16xf32>
      %mul3A_247 = arith.mulf %sub3A_241, %sub3A_246 : vector<16xf32>
      %swap3A_248 = arith.constant 288 : index
      %swap3A_249 = tpu.vector_load %arg13[%swap3A_248] {strides = array<i32>} : memref<320xf32, #tpu.memory_space<vmem>>, vector<16xf32>,
      tpu.vector_store %arg13[%swap3A_248], %mul3A_247 {strides = array<i32>} : memref<320xf32, #tpu.memory_space<vmem>>, vector<16xf32>,
      %get3A_250 = arith.constant 304 : index
      %get3A_251 = tpu.vector_load %arg10[%get3A_250] {strides = array<i32>} : memref<320xf32, #tpu.memory_space<vmem>>, vector<16xf32>,
      %get3A_252 = arith.constant 304 : index
      %get3A_253 = tpu.vector_load %arg8[%get3A_252] {strides = array<i32>} : memref<320xf32, #tpu.memory_space<vmem>>, vector<16xf32>,
      %sub3A_254 = arith.subf %get3A_251, %get3A_253 : vector<16xf32>
      %get3A_255 = arith.constant 304 : index
      %get3A_256 = tpu.vector_load %arg11[%get3A_255] {strides = array<i32>} : memref<320xf32, #tpu.memory_space<vmem>>, vector<16xf32>,
      %get3A_257 = arith.constant 304 : index
      %get3A_258 = tpu.vector_load %arg9[%get3A_257] {strides = array<i32>} : memref<320xf32, #tpu.memory_space<vmem>>, vector<16xf32>,
      %sub3A_259 = arith.subf %get3A_256, %get3A_258 : vector<16xf32>
      %mul3A_260 = arith.mulf %sub3A_254, %sub3A_259 : vector<16xf32>
      %swap3A_261 = arith.constant 304 : index
      %swap3A_262 = tpu.vector_load %arg13[%swap3A_261] {strides = array<i32>} : memref<320xf32, #tpu.memory_space<vmem>>, vector<16xf32>,
      tpu.vector_store %arg13[%swap3A_261], %mul3A_260 {strides = array<i32>} : memref<320xf32, #tpu.memory_space<vmem>>, vector<16xf32>,
      %eq3A_263 = arith.constant 0 : i32
      %eq3A_264 = arith.cmpi eq, %arg1, %eq3A_263 : i32
      %convert_element_type3A_265 = arith.extui %eq3A_264 : i1 to i32
      %cond3A_266 = arith.constant 0 : i32
      %cond3A_267 = arith.cmpi ne, %convert_element_type3A_265, %cond3A_266 : i32
      scf.if %cond3A_267 {
        %broadcast_in_dim3A_277 = arith.constant 0 : i32
        %broadcast_in_dim3A_278 = vector.broadcast %broadcast_in_dim3A_277 : i32 to vector<16xi32>
        %swap3A_279 = arith.constant 0 : index
        %swap3A_280 = tpu.vector_load %arg17[%swap3A_279] {strides = array<i32>} : memref<5120xi32, #tpu.memory_space<vmem>>, vector<16xi32>,
        tpu.vector_store %arg17[%swap3A_279], %broadcast_in_dim3A_278 {strides = array<i32>} : memref<5120xi32, #tpu.memory_space<vmem>>, vector<16xi32>,
        %broadcast_in_dim3A_281 = arith.constant 0 : i32
        %broadcast_in_dim3A_282 = vector.broadcast %broadcast_in_dim3A_281 : i32 to vector<16xi32>
        %swap3A_283 = arith.constant 16 : index
        %swap3A_284 = tpu.vector_load %arg17[%swap3A_283] {strides = array<i32>} : memref<5120xi32, #tpu.memory_space<vmem>>, vector<16xi32>,
        tpu.vector_store %arg17[%swap3A_283], %broadcast_in_dim3A_282 {strides = array<i32>} : memref<5120xi32, #tpu.memory_space<vmem>>, vector<16xi32>,
        %broadcast_in_dim3A_285 = arith.constant 0 : i32
        %broadcast_in_dim3A_286 = vector.broadcast %broadcast_in_dim3A_285 : i32 to vector<16xi32>
        %swap3A_287 = arith.constant 32 : index
        %swap3A_288 = tpu.vector_load %arg17[%swap3A_287] {strides = array<i32>} : memref<5120xi32, #tpu.memory_space<vmem>>, vector<16xi32>,
        tpu.vector_store %arg17[%swap3A_287], %broadcast_in_dim3A_286 {strides = array<i32>} : memref<5120xi32, #tpu.memory_space<vmem>>, vector<16xi32>,
        %broadcast_in_dim3A_289 = arith.constant 0 : i32
        %broadcast_in_dim3A_290 = vector.broadcast %broadcast_in_dim3A_289 : i32 to vector<16xi32>
        %swap3A_291 = arith.constant 48 : index
        %swap3A_292 = tpu.vector_load %arg17[%swap3A_291] {strides = array<i32>} : memref<5120xi32, #tpu.memory_space<vmem>>, vector<16xi32>,
        tpu.vector_store %arg17[%swap3A_291], %broadcast_in_dim3A_290 {strides = array<i32>} : memref<5120xi32, #tpu.memory_space<vmem>>, vector<16xi32>,
        %broadcast_in_dim3A_293 = arith.constant 0 : i32
        %broadcast_in_dim3A_294 = vector.broadcast %broadcast_in_dim3A_293 : i32 to vector<16xi32>
        %swap3A_295 = arith.constant 64 : index
        %swap3A_296 = tpu.vector_load %arg17[%swap3A_295] {strides = array<i32>} : memref<5120xi32, #tpu.memory_space<vmem>>, vector<16xi32>,
        tpu.vector_store %arg17[%swap3A_295], %broadcast_in_dim3A_294 {strides = array<i32>} : memref<5120xi32, #tpu.memory_space<vmem>>, vector<16xi32>,
        %broadcast_in_dim3A_297 = arith.constant 0 : i32
        %broadcast_in_dim3A_298 = vector.broadcast %broadcast_in_dim3A_297 : i32 to vector<16xi32>
        %swap3A_299 = arith.constant 80 : index
        %swap3A_300 = tpu.vector_load %arg17[%swap3A_299] {strides = array<i32>} : memref<5120xi32, #tpu.memory_space<vmem>>, vector<16xi32>,
        tpu.vector_store %arg17[%swap3A_299], %broadcast_in_dim3A_298 {strides = array<i32>} : memref<5120xi32, #tpu.memory_space<vmem>>, vector<16xi32>,
        %broadcast_in_dim3A_301 = arith.constant 0 : i32
        %broadcast_in_dim3A_302 = vector.broadcast %broadcast_in_dim3A_301 : i32 to vector<16xi32>
        %swap3A_303 = arith.constant 96 : index
        %swap3A_304 = tpu.vector_load %arg17[%swap3A_303] {strides = array<i32>} : memref<5120xi32, #tpu.memory_space<vmem>>, vector<16xi32>,
        tpu.vector_store %arg17[%swap3A_303], %broadcast_in_dim3A_302 {strides = array<i32>} : memref<5120xi32, #tpu.memory_space<vmem>>, vector<16xi32>,
        %broadcast_in_dim3A_305 = arith.constant 0 : i32
        %broadcast_in_dim3A_306 = vector.broadcast %broadcast_in_dim3A_305 : i32 to vector<16xi32>
        %swap3A_307 = arith.constant 112 : index
        %swap3A_308 = tpu.vector_load %arg17[%swap3A_307] {strides = array<i32>} : memref<5120xi32, #tpu.memory_space<vmem>>, vector<16xi32>,
        tpu.vector_store %arg17[%swap3A_307], %broadcast_in_dim3A_306 {strides = array<i32>} : memref<5120xi32, #tpu.memory_space<vmem>>, vector<16xi32>,
        %broadcast_in_dim3A_309 = arith.constant 0 : i32
        %broadcast_in_dim3A_310 = vector.broadcast %broadcast_in_dim3A_309 : i32 to vector<16xi32>
        %swap3A_311 = arith.constant 128 : index
        %swap3A_312 = tpu.vector_load %arg17[%swap3A_311] {strides = array<i32>} : memref<5120xi32, #tpu.memory_space<vmem>>, vector<16xi32>,
        tpu.vector_store %arg17[%swap3A_311], %broadcast_in_dim3A_310 {strides = array<i32>} : memref<5120xi32, #tpu.memory_space<vmem>>, vector<16xi32>,
        %broadcast_in_dim3A_313 = arith.constant 0 : i32
        %broadcast_in_dim3A_314 = vector.broadcast %broadcast_in_dim3A_313 : i32 to vector<16xi32>
        %swap3A_315 = arith.constant 144 : index
        %swap3A_316 = tpu.vector_load %arg17[%swap3A_315] {strides = array<i32>} : memref<5120xi32, #tpu.memory_space<vmem>>, vector<16xi32>,
        tpu.vector_store %arg17[%swap3A_315], %broadcast_in_dim3A_314 {strides = array<i32>} : memref<5120xi32, #tpu.memory_space<vmem>>, vector<16xi32>,
        %broadcast_in_dim3A_317 = arith.constant 0 : i32
        %broadcast_in_dim3A_318 = vector.broadcast %broadcast_in_dim3A_317 : i32 to vector<16xi32>
        %swap3A_319 = arith.constant 160 : index
        %swap3A_320 = tpu.vector_load %arg17[%swap3A_319] {strides = array<i32>} : memref<5120xi32, #tpu.memory_space<vmem>>, vector<16xi32>,
        tpu.vector_store %arg17[%swap3A_319], %broadcast_in_dim3A_318 {strides = array<i32>} : memref<5120xi32, #tpu.memory_space<vmem>>, vector<16xi32>,
        %broadcast_in_dim3A_321 = arith.constant 0 : i32
        %broadcast_in_dim3A_322 = vector.broadcast %broadcast_in_dim3A_321 : i32 to vector<16xi32>
        %swap3A_323 = arith.constant 176 : index
        %swap3A_324 = tpu.vector_load %arg17[%swap3A_323] {strides = array<i32>} : memref<5120xi32, #tpu.memory_space<vmem>>, vector<16xi32>,
        tpu.vector_store %arg17[%swap3A_323], %broadcast_in_dim3A_322 {strides = array<i32>} : memref<5120xi32, #tpu.memory_space<vmem>>, vector<16xi32>,
        %broadcast_in_dim3A_325 = arith.constant 0 : i32
        %broadcast_in_dim3A_326 = vector.broadcast %broadcast_in_dim3A_325 : i32 to vector<16xi32>
        %swap3A_327 = arith.constant 192 : index
        %swap3A_328 = tpu.vector_load %arg17[%swap3A_327] {strides = array<i32>} : memref<5120xi32, #tpu.memory_space<vmem>>, vector<16xi32>,
        tpu.vector_store %arg17[%swap3A_327], %broadcast_in_dim3A_326 {strides = array<i32>} : memref<5120xi32, #tpu.memory_space<vmem>>, vector<16xi32>,
        %broadcast_in_dim3A_329 = arith.constant 0 : i32
        %broadcast_in_dim3A_330 = vector.broadcast %broadcast_in_dim3A_329 : i32 to vector<16xi32>
        %swap3A_331 = arith.constant 208 : index
        %swap3A_332 = tpu.vector_load %arg17[%swap3A_331] {strides = array<i32>} : memref<5120xi32, #tpu.memory_space<vmem>>, vector<16xi32>,
        tpu.vector_store %arg17[%swap3A_331], %broadcast_in_dim3A_330 {strides = array<i32>} : memref<5120xi32, #tpu.memory_space<vmem>>, vector<16xi32>,
        %broadcast_in_dim3A_333 = arith.constant 0 : i32
        %broadcast_in_dim3A_334 = vector.broadcast %broadcast_in_dim3A_333 : i32 to vector<16xi32>
        %swap3A_335 = arith.constant 224 : index
        %swap3A_336 = tpu.vector_load %arg17[%swap3A_335] {strides = array<i32>} : memref<5120xi32, #tpu.memory_space<vmem>>, vector<16xi32>,
        tpu.vector_store %arg17[%swap3A_335], %broadcast_in_dim3A_334 {strides = array<i32>} : memref<5120xi32, #tpu.memory_space<vmem>>, vector<16xi32>,
        %broadcast_in_dim3A_337 = arith.constant 0 : i32
        %broadcast_in_dim3A_338 = vector.broadcast %broadcast_in_dim3A_337 : i32 to vector<16xi32>
        %swap3A_339 = arith.constant 240 : index
        %swap3A_340 = tpu.vector_load %arg17[%swap3A_339] {strides = array<i32>} : memref<5120xi32, #tpu.memory_space<vmem>>, vector<16xi32>,
        tpu.vector_store %arg17[%swap3A_339], %broadcast_in_dim3A_338 {strides = array<i32>} : memref<5120xi32, #tpu.memory_space<vmem>>, vector<16xi32>,
      } else {
      }
      %broadcast_in_dim3A_268 = arith.constant 0.000000e+00 : f32
      %broadcast_in_dim3A_269 = vector.broadcast %broadcast_in_dim3A_268 : f32 to vector<16xf32>
      %while3A = arith.constant 0 : i32
      %while3A_270 = arith.constant 0 : i32
      %while3A_271:4 = scf.while (%while3A_277 = %while3A, %while3A_278 = %while3A_270, %while3A_279 = %broadcast_in_dim3A_269, %while3A_280 = %broadcast_in_dim3A_269) : (i32, i32, vector<16xf32>, vector<16xf32>) -> (i32, i32, vector<16xf32>, vector<16xf32>) {
        %lt3A = arith.constant 100 : i32
        %lt3A_281 = arith.cmpi slt, %while3A_278, %lt3A : i32
        %lt3A_282 = arith.constant 100 : i32
        %lt3A_283 = arith.cmpi slt, %while3A_277, %lt3A_282 : i32
        %and3A = arith.andi %lt3A_281, %lt3A_283 : i1
        scf.condition(%and3A) %while3A_277, %while3A_278, %while3A_279, %while3A_280 : i32, i32, vector<16xf32>, vector<16xf32>
      } do {
      ^bb0(%while3A_277: i32, %while3A_278: i32, %while3A_279: vector<16xf32>, %while3A_280: vector<16xf32>):
        %slice3A = vector.extract_strided_slice %while3A_279 {offsets = [0], sizes = [1], strides = [1]} : vector<16xf32> to vector<1xf32>
        %squeeze3A = vector.extract %slice3A[0] : f32 from vector<1xf32>
        %slice3A_281 = vector.extract_strided_slice %while3A_279 {offsets = [1], sizes = [1], strides = [1]} : vector<16xf32> to vector<1xf32>
        %squeeze3A_282 = vector.extract %slice3A_281[0] : f32 from vector<1xf32>
        %slice3A_283 = vector.extract_strided_slice %while3A_279 {offsets = [2], sizes = [1], strides = [1]} : vector<16xf32> to vector<1xf32>
        %squeeze3A_284 = vector.extract %slice3A_283[0] : f32 from vector<1xf32>
        %slice3A_285 = vector.extract_strided_slice %while3A_279 {offsets = [3], sizes = [1], strides = [1]} : vector<16xf32> to vector<1xf32>
        %squeeze3A_286 = vector.extract %slice3A_285[0] : f32 from vector<1xf32>
        %slice3A_287 = vector.extract_strided_slice %while3A_279 {offsets = [6], sizes = [1], strides = [1]} : vector<16xf32> to vector<1xf32>
        %squeeze3A_288 = vector.extract %slice3A_287[0] : f32 from vector<1xf32>
        %slice3A_289 = vector.extract_strided_slice %while3A_280 {offsets = [0], sizes = [1], strides = [1]} : vector<16xf32> to vector<1xf32>
        %squeeze3A_290 = vector.extract %slice3A_289[0] : f32 from vector<1xf32>
        %slice3A_291 = vector.extract_strided_slice %while3A_280 {offsets = [1], sizes = [1], strides = [1]} : vector<16xf32> to vector<1xf32>
        %squeeze3A_292 = vector.extract %slice3A_291[0] : f32 from vector<1xf32>
        %slice3A_293 = vector.extract_strided_slice %while3A_280 {offsets = [2], sizes = [1], strides = [1]} : vector<16xf32> to vector<1xf32>
        %squeeze3A_294 = vector.extract %slice3A_293[0] : f32 from vector<1xf32>
        %slice3A_295 = vector.extract_strided_slice %while3A_280 {offsets = [3], sizes = [1], strides = [1]} : vector<16xf32> to vector<1xf32>
        %squeeze3A_296 = vector.extract %slice3A_295[0] : f32 from vector<1xf32>
        %slice3A_297 = vector.extract_strided_slice %while3A_280 {offsets = [6], sizes = [1], strides = [1]} : vector<16xf32> to vector<1xf32>
        %squeeze3A_298 = vector.extract %slice3A_297[0] : f32 from vector<1xf32>
        %get3A_299 = arith.constant 0 : index
        %get3A_300 = tpu.vector_load %arg8[%get3A_299] {strides = array<i32>} : memref<320xf32, #tpu.memory_space<vmem>>, vector<16xf32>,
        %get3A_301 = arith.constant 0 : index
        %get3A_302 = tpu.vector_load %arg9[%get3A_301] {strides = array<i32>} : memref<320xf32, #tpu.memory_space<vmem>>, vector<16xf32>,
        %get3A_303 = arith.constant 0 : index
        %get3A_304 = tpu.vector_load %arg10[%get3A_303] {strides = array<i32>} : memref<320xf32, #tpu.memory_space<vmem>>, vector<16xf32>,
        %get3A_305 = arith.constant 0 : index
        %get3A_306 = tpu.vector_load %arg11[%get3A_305] {strides = array<i32>} : memref<320xf32, #tpu.memory_space<vmem>>, vector<16xf32>,
        %get3A_307 = arith.constant 0 : index
        %get3A_308 = tpu.vector_load %arg13[%get3A_307] {strides = array<i32>} : memref<320xf32, #tpu.memory_space<vmem>>, vector<16xf32>,
        %max3A = vector.broadcast %squeeze3A : f32 to vector<16xf32>
        %max3A_309 = arith.maximumf %max3A, %get3A_300 : vector<16xf32>
        %max3A_310 = vector.broadcast %squeeze3A_282 : f32 to vector<16xf32>
        %max3A_311 = arith.maximumf %max3A_310, %get3A_302 : vector<16xf32>
        %min3A = vector.broadcast %squeeze3A_284 : f32 to vector<16xf32>
        %min3A_312 = arith.minimumf %min3A, %get3A_304 : vector<16xf32>
        %min3A_313 = vector.broadcast %squeeze3A_286 : f32 to vector<16xf32>
        %min3A_314 = arith.minimumf %min3A_313, %get3A_306 : vector<16xf32>
        %sub3A_315 = arith.subf %min3A_312, %max3A_309 : vector<16xf32>
        %max3A_316 = arith.constant 0.000000e+00 : f32
        %max3A_317 = vector.broadcast %max3A_316 : f32 to vector<16xf32>
        %max3A_318 = arith.maximumf %sub3A_315, %max3A_317 : vector<16xf32>
        %sub3A_319 = arith.subf %min3A_314, %max3A_311 : vector<16xf32>
        %max3A_320 = arith.constant 0.000000e+00 : f32
        %max3A_321 = vector.broadcast %max3A_320 : f32 to vector<16xf32>
        %max3A_322 = arith.maximumf %sub3A_319, %max3A_321 : vector<16xf32>
        %mul3A_323 = arith.mulf %max3A_318, %max3A_322 : vector<16xf32>
        %add3A = vector.broadcast %squeeze3A_288 : f32 to vector<16xf32>
        %add3A_324 = arith.addf %add3A, %get3A_308 : vector<16xf32>
        %sub3A_325 = arith.subf %add3A_324, %mul3A_323 : vector<16xf32>
        %add3A_326 = arith.constant 9.99999971E-10 : f32
        %add3A_327 = vector.broadcast %add3A_326 : f32 to vector<16xf32>
        %add3A_328 = arith.addf %sub3A_325, %add3A_327 : vector<16xf32>
        %div3A = arith.divf %mul3A_323, %add3A_328 : vector<16xf32>
        %max3A_329 = vector.broadcast %squeeze3A_290 : f32 to vector<16xf32>
        %max3A_330 = arith.maximumf %max3A_329, %get3A_300 : vector<16xf32>
        %max3A_331 = vector.broadcast %squeeze3A_292 : f32 to vector<16xf32>
        %max3A_332 = arith.maximumf %max3A_331, %get3A_302 : vector<16xf32>
        %min3A_333 = vector.broadcast %squeeze3A_294 : f32 to vector<16xf32>
        %min3A_334 = arith.minimumf %min3A_333, %get3A_304 : vector<16xf32>
        %min3A_335 = vector.broadcast %squeeze3A_296 : f32 to vector<16xf32>
        %min3A_336 = arith.minimumf %min3A_335, %get3A_306 : vector<16xf32>
        %sub3A_337 = arith.subf %min3A_334, %max3A_330 : vector<16xf32>
        %max3A_338 = arith.constant 0.000000e+00 : f32
        %max3A_339 = vector.broadcast %max3A_338 : f32 to vector<16xf32>
        %max3A_340 = arith.maximumf %sub3A_337, %max3A_339 : vector<16xf32>
        %sub3A_341 = arith.subf %min3A_336, %max3A_332 : vector<16xf32>
        %max3A_342 = arith.constant 0.000000e+00 : f32
        %max3A_343 = vector.broadcast %max3A_342 : f32 to vector<16xf32>
        %max3A_344 = arith.maximumf %sub3A_341, %max3A_343 : vector<16xf32>
        %mul3A_345 = arith.mulf %max3A_340, %max3A_344 : vector<16xf32>
        %add3A_346 = vector.broadcast %squeeze3A_298 : f32 to vector<16xf32>
        %add3A_347 = arith.addf %add3A_346, %get3A_308 : vector<16xf32>
        %sub3A_348 = arith.subf %add3A_347, %mul3A_345 : vector<16xf32>
        %add3A_349 = arith.constant 9.99999971E-10 : f32
        %add3A_350 = vector.broadcast %add3A_349 : f32 to vector<16xf32>
        %add3A_351 = arith.addf %sub3A_348, %add3A_350 : vector<16xf32>
        %div3A_352 = arith.divf %mul3A_345, %add3A_351 : vector<16xf32>
        %gt3A = arith.constant 5.000000e-01 : f32
        %gt3A_353 = vector.broadcast %gt3A : f32 to vector<16xf32>
        %gt3A_354 = arith.cmpf ogt, %div3A, %gt3A_353 : vector<16xf32>
        %gt3A_355 = arith.constant 5.000000e-01 : f32
        %gt3A_356 = vector.broadcast %gt3A_355 : f32 to vector<16xf32>
        %gt3A_357 = arith.cmpf ogt, %div3A_352, %gt3A_356 : vector<16xf32>
        %or3A = arith.ori %gt3A_354, %gt3A_357 : vector<16xi1>
        %get3A_358 = arith.constant 0 : index
        %get3A_359 = tpu.vector_load %arg12[%get3A_358] {strides = array<i32>} : memref<320xf32, #tpu.memory_space<vmem>>, vector<16xf32>,
        %jit3A = arith.constant -1.000000e+09 : f32
        %broadcast_in_dim3A_360 = vector.broadcast %jit3A : f32 to vector<16xf32>
        %select_n3A = arith.select %or3A, %broadcast_in_dim3A_360, %get3A_359 : vector<16xi1>, vector<16xf32>
        %swap3A_361 = arith.constant 0 : index
        %swap3A_362 = tpu.vector_load %arg12[%swap3A_361] {strides = array<i32>} : memref<320xf32, #tpu.memory_space<vmem>>, vector<16xf32>,
        tpu.vector_store %arg12[%swap3A_361], %select_n3A {strides = array<i32>} : memref<320xf32, #tpu.memory_space<vmem>>, vector<16xf32>,
        %add3A_363 = arith.constant 0 : i32
        %add3A_364 = arith.addi %mul3A_2, %add3A_363 : i32
        %add3A_365 = vector.broadcast %add3A_364 : i32 to vector<16xi32>
        %add3A_366 = arith.addi %add3A_365, %iota3A : vector<16xi32>
        %convert_element_type3A_367 = arith.sitofp %add3A_366 : vector<16xi32> to vector<16xf32>
        %gt3A_368 = arith.cmpf ogt, %select_n3A, %broadcast_in_dim3A_3 : vector<16xf32>
        %not3A = arith.constant dense<true> : vector<16xi1>
        %not3A_369 = arith.xori %gt3A_368, %not3A : vector<16xi1>
        %gt3A_370 = arith.cmpf ogt, %select_n3A, %broadcast_in_dim3A_3 : vector<16xf32>
        %and3A = arith.andi %not3A_369, %gt3A_370 : vector<16xi1>
        %select_n3A_371 = arith.select %and3A, %select_n3A, %broadcast_in_dim3A_3 : vector<16xi1>, vector<16xf32>
        %select_n3A_372 = arith.select %gt3A_368, %broadcast_in_dim3A_3, %select_n3A_371 : vector<16xi1>, vector<16xf32>
        %select_n3A_373 = arith.select %and3A, %convert_element_type3A_367, %broadcast_in_dim3A_5 : vector<16xi1>, vector<16xf32>
        %select_n3A_374 = arith.select %gt3A_368, %broadcast_in_dim3A_5, %select_n3A_373 : vector<16xi1>, vector<16xf32>
        %select_n3A_375 = arith.select %gt3A_368, %select_n3A, %broadcast_in_dim3A_3 : vector<16xi1>, vector<16xf32>
        %select_n3A_376 = arith.select %gt3A_368, %convert_element_type3A_367, %broadcast_in_dim3A_5 : vector<16xi1>, vector<16xf32>
        %get3A_377 = arith.constant 16 : index
        %get3A_378 = tpu.vector_load %arg8[%get3A_377] {strides = array<i32>} : memref<320xf32, #tpu.memory_space<vmem>>, vector<16xf32>,
        %get3A_379 = arith.constant 16 : index
        %get3A_380 = tpu.vector_load %arg9[%get3A_379] {strides = array<i32>} : memref<320xf32, #tpu.memory_space<vmem>>, vector<16xf32>,
        %get3A_381 = arith.constant 16 : index
        %get3A_382 = tpu.vector_load %arg10[%get3A_381] {strides = array<i32>} : memref<320xf32, #tpu.memory_space<vmem>>, vector<16xf32>,
        %get3A_383 = arith.constant 16 : index
        %get3A_384 = tpu.vector_load %arg11[%get3A_383] {strides = array<i32>} : memref<320xf32, #tpu.memory_space<vmem>>, vector<16xf32>,
        %get3A_385 = arith.constant 16 : index
        %get3A_386 = tpu.vector_load %arg13[%get3A_385] {strides = array<i32>} : memref<320xf32, #tpu.memory_space<vmem>>, vector<16xf32>,
        %max3A_387 = vector.broadcast %squeeze3A : f32 to vector<16xf32>
        %max3A_388 = arith.maximumf %max3A_387, %get3A_378 : vector<16xf32>
        %max3A_389 = vector.broadcast %squeeze3A_282 : f32 to vector<16xf32>
        %max3A_390 = arith.maximumf %max3A_389, %get3A_380 : vector<16xf32>
        %min3A_391 = vector.broadcast %squeeze3A_284 : f32 to vector<16xf32>
        %min3A_392 = arith.minimumf %min3A_391, %get3A_382 : vector<16xf32>
        %min3A_393 = vector.broadcast %squeeze3A_286 : f32 to vector<16xf32>
        %min3A_394 = arith.minimumf %min3A_393, %get3A_384 : vector<16xf32>
        %sub3A_395 = arith.subf %min3A_392, %max3A_388 : vector<16xf32>
        %max3A_396 = arith.constant 0.000000e+00 : f32
        %max3A_397 = vector.broadcast %max3A_396 : f32 to vector<16xf32>
        %max3A_398 = arith.maximumf %sub3A_395, %max3A_397 : vector<16xf32>
        %sub3A_399 = arith.subf %min3A_394, %max3A_390 : vector<16xf32>
        %max3A_400 = arith.constant 0.000000e+00 : f32
        %max3A_401 = vector.broadcast %max3A_400 : f32 to vector<16xf32>
        %max3A_402 = arith.maximumf %sub3A_399, %max3A_401 : vector<16xf32>
        %mul3A_403 = arith.mulf %max3A_398, %max3A_402 : vector<16xf32>
        %add3A_404 = vector.broadcast %squeeze3A_288 : f32 to vector<16xf32>
        %add3A_405 = arith.addf %add3A_404, %get3A_386 : vector<16xf32>
        %sub3A_406 = arith.subf %add3A_405, %mul3A_403 : vector<16xf32>
        %add3A_407 = arith.constant 9.99999971E-10 : f32
        %add3A_408 = vector.broadcast %add3A_407 : f32 to vector<16xf32>
        %add3A_409 = arith.addf %sub3A_406, %add3A_408 : vector<16xf32>
        %div3A_410 = arith.divf %mul3A_403, %add3A_409 : vector<16xf32>
        %max3A_411 = vector.broadcast %squeeze3A_290 : f32 to vector<16xf32>
        %max3A_412 = arith.maximumf %max3A_411, %get3A_378 : vector<16xf32>
        %max3A_413 = vector.broadcast %squeeze3A_292 : f32 to vector<16xf32>
        %max3A_414 = arith.maximumf %max3A_413, %get3A_380 : vector<16xf32>
        %min3A_415 = vector.broadcast %squeeze3A_294 : f32 to vector<16xf32>
        %min3A_416 = arith.minimumf %min3A_415, %get3A_382 : vector<16xf32>
        %min3A_417 = vector.broadcast %squeeze3A_296 : f32 to vector<16xf32>
        %min3A_418 = arith.minimumf %min3A_417, %get3A_384 : vector<16xf32>
        %sub3A_419 = arith.subf %min3A_416, %max3A_412 : vector<16xf32>
        %max3A_420 = arith.constant 0.000000e+00 : f32
        %max3A_421 = vector.broadcast %max3A_420 : f32 to vector<16xf32>
        %max3A_422 = arith.maximumf %sub3A_419, %max3A_421 : vector<16xf32>
        %sub3A_423 = arith.subf %min3A_418, %max3A_414 : vector<16xf32>
        %max3A_424 = arith.constant 0.000000e+00 : f32
        %max3A_425 = vector.broadcast %max3A_424 : f32 to vector<16xf32>
        %max3A_426 = arith.maximumf %sub3A_423, %max3A_425 : vector<16xf32>
        %mul3A_427 = arith.mulf %max3A_422, %max3A_426 : vector<16xf32>
        %add3A_428 = vector.broadcast %squeeze3A_298 : f32 to vector<16xf32>
        %add3A_429 = arith.addf %add3A_428, %get3A_386 : vector<16xf32>
        %sub3A_430 = arith.subf %add3A_429, %mul3A_427 : vector<16xf32>
        %add3A_431 = arith.constant 9.99999971E-10 : f32
        %add3A_432 = vector.broadcast %add3A_431 : f32 to vector<16xf32>
        %add3A_433 = arith.addf %sub3A_430, %add3A_432 : vector<16xf32>
        %div3A_434 = arith.divf %mul3A_427, %add3A_433 : vector<16xf32>
        %gt3A_435 = arith.constant 5.000000e-01 : f32
        %gt3A_436 = vector.broadcast %gt3A_435 : f32 to vector<16xf32>
        %gt3A_437 = arith.cmpf ogt, %div3A_410, %gt3A_436 : vector<16xf32>
        %gt3A_438 = arith.constant 5.000000e-01 : f32
        %gt3A_439 = vector.broadcast %gt3A_438 : f32 to vector<16xf32>
        %gt3A_440 = arith.cmpf ogt, %div3A_434, %gt3A_439 : vector<16xf32>
        %or3A_441 = arith.ori %gt3A_437, %gt3A_440 : vector<16xi1>
        %get3A_442 = arith.constant 16 : index
        %get3A_443 = tpu.vector_load %arg12[%get3A_442] {strides = array<i32>} : memref<320xf32, #tpu.memory_space<vmem>>, vector<16xf32>,
        %jit3A_444 = arith.constant -1.000000e+09 : f32
        %broadcast_in_dim3A_445 = vector.broadcast %jit3A_444 : f32 to vector<16xf32>
        %select_n3A_446 = arith.select %or3A_441, %broadcast_in_dim3A_445, %get3A_443 : vector<16xi1>, vector<16xf32>
        %swap3A_447 = arith.constant 16 : index
        %swap3A_448 = tpu.vector_load %arg12[%swap3A_447] {strides = array<i32>} : memref<320xf32, #tpu.memory_space<vmem>>, vector<16xf32>,
        tpu.vector_store %arg12[%swap3A_447], %select_n3A_446 {strides = array<i32>} : memref<320xf32, #tpu.memory_space<vmem>>, vector<16xf32>,
        %add3A_449 = arith.constant 16 : i32
        %add3A_450 = arith.addi %mul3A_2, %add3A_449 : i32
        %add3A_451 = vector.broadcast %add3A_450 : i32 to vector<16xi32>
        %add3A_452 = arith.addi %add3A_451, %iota3A : vector<16xi32>
        %convert_element_type3A_453 = arith.sitofp %add3A_452 : vector<16xi32> to vector<16xf32>
        %gt3A_454 = arith.cmpf ogt, %select_n3A_446, %select_n3A_375 : vector<16xf32>
        %not3A_455 = arith.constant dense<true> : vector<16xi1>
        %not3A_456 = arith.xori %gt3A_454, %not3A_455 : vector<16xi1>
        %gt3A_457 = arith.cmpf ogt, %select_n3A_446, %select_n3A_372 : vector<16xf32>
        %and3A_458 = arith.andi %not3A_456, %gt3A_457 : vector<16xi1>
        %select_n3A_459 = arith.select %and3A_458, %select_n3A_446, %select_n3A_372 : vector<16xi1>, vector<16xf32>
        %select_n3A_460 = arith.select %gt3A_454, %select_n3A_375, %select_n3A_459 : vector<16xi1>, vector<16xf32>
        %select_n3A_461 = arith.select %and3A_458, %convert_element_type3A_453, %select_n3A_374 : vector<16xi1>, vector<16xf32>
        %select_n3A_462 = arith.select %gt3A_454, %select_n3A_376, %select_n3A_461 : vector<16xi1>, vector<16xf32>
        %select_n3A_463 = arith.select %gt3A_454, %select_n3A_446, %select_n3A_375 : vector<16xi1>, vector<16xf32>
        %select_n3A_464 = arith.select %gt3A_454, %convert_element_type3A_453, %select_n3A_376 : vector<16xi1>, vector<16xf32>
        %get3A_465 = arith.constant 32 : index
        %get3A_466 = tpu.vector_load %arg8[%get3A_465] {strides = array<i32>} : memref<320xf32, #tpu.memory_space<vmem>>, vector<16xf32>,
        %get3A_467 = arith.constant 32 : index
        %get3A_468 = tpu.vector_load %arg9[%get3A_467] {strides = array<i32>} : memref<320xf32, #tpu.memory_space<vmem>>, vector<16xf32>,
        %get3A_469 = arith.constant 32 : index
        %get3A_470 = tpu.vector_load %arg10[%get3A_469] {strides = array<i32>} : memref<320xf32, #tpu.memory_space<vmem>>, vector<16xf32>,
        %get3A_471 = arith.constant 32 : index
        %get3A_472 = tpu.vector_load %arg11[%get3A_471] {strides = array<i32>} : memref<320xf32, #tpu.memory_space<vmem>>, vector<16xf32>,
        %get3A_473 = arith.constant 32 : index
        %get3A_474 = tpu.vector_load %arg13[%get3A_473] {strides = array<i32>} : memref<320xf32, #tpu.memory_space<vmem>>, vector<16xf32>,
        %max3A_475 = vector.broadcast %squeeze3A : f32 to vector<16xf32>
        %max3A_476 = arith.maximumf %max3A_475, %get3A_466 : vector<16xf32>
        %max3A_477 = vector.broadcast %squeeze3A_282 : f32 to vector<16xf32>
        %max3A_478 = arith.maximumf %max3A_477, %get3A_468 : vector<16xf32>
        %min3A_479 = vector.broadcast %squeeze3A_284 : f32 to vector<16xf32>
        %min3A_480 = arith.minimumf %min3A_479, %get3A_470 : vector<16xf32>
        %min3A_481 = vector.broadcast %squeeze3A_286 : f32 to vector<16xf32>
        %min3A_482 = arith.minimumf %min3A_481, %get3A_472 : vector<16xf32>
        %sub3A_483 = arith.subf %min3A_480, %max3A_476 : vector<16xf32>
        %max3A_484 = arith.constant 0.000000e+00 : f32
        %max3A_485 = vector.broadcast %max3A_484 : f32 to vector<16xf32>
        %max3A_486 = arith.maximumf %sub3A_483, %max3A_485 : vector<16xf32>
        %sub3A_487 = arith.subf %min3A_482, %max3A_478 : vector<16xf32>
        %max3A_488 = arith.constant 0.000000e+00 : f32
        %max3A_489 = vector.broadcast %max3A_488 : f32 to vector<16xf32>
        %max3A_490 = arith.maximumf %sub3A_487, %max3A_489 : vector<16xf32>
        %mul3A_491 = arith.mulf %max3A_486, %max3A_490 : vector<16xf32>
        %add3A_492 = vector.broadcast %squeeze3A_288 : f32 to vector<16xf32>
        %add3A_493 = arith.addf %add3A_492, %get3A_474 : vector<16xf32>
        %sub3A_494 = arith.subf %add3A_493, %mul3A_491 : vector<16xf32>
        %add3A_495 = arith.constant 9.99999971E-10 : f32
        %add3A_496 = vector.broadcast %add3A_495 : f32 to vector<16xf32>
        %add3A_497 = arith.addf %sub3A_494, %add3A_496 : vector<16xf32>
        %div3A_498 = arith.divf %mul3A_491, %add3A_497 : vector<16xf32>
        %max3A_499 = vector.broadcast %squeeze3A_290 : f32 to vector<16xf32>
        %max3A_500 = arith.maximumf %max3A_499, %get3A_466 : vector<16xf32>
        %max3A_501 = vector.broadcast %squeeze3A_292 : f32 to vector<16xf32>
        %max3A_502 = arith.maximumf %max3A_501, %get3A_468 : vector<16xf32>
        %min3A_503 = vector.broadcast %squeeze3A_294 : f32 to vector<16xf32>
        %min3A_504 = arith.minimumf %min3A_503, %get3A_470 : vector<16xf32>
        %min3A_505 = vector.broadcast %squeeze3A_296 : f32 to vector<16xf32>
        %min3A_506 = arith.minimumf %min3A_505, %get3A_472 : vector<16xf32>
        %sub3A_507 = arith.subf %min3A_504, %max3A_500 : vector<16xf32>
        %max3A_508 = arith.constant 0.000000e+00 : f32
        %max3A_509 = vector.broadcast %max3A_508 : f32 to vector<16xf32>
        %max3A_510 = arith.maximumf %sub3A_507, %max3A_509 : vector<16xf32>
        %sub3A_511 = arith.subf %min3A_506, %max3A_502 : vector<16xf32>
        %max3A_512 = arith.constant 0.000000e+00 : f32
        %max3A_513 = vector.broadcast %max3A_512 : f32 to vector<16xf32>
        %max3A_514 = arith.maximumf %sub3A_511, %max3A_513 : vector<16xf32>
        %mul3A_515 = arith.mulf %max3A_510, %max3A_514 : vector<16xf32>
        %add3A_516 = vector.broadcast %squeeze3A_298 : f32 to vector<16xf32>
        %add3A_517 = arith.addf %add3A_516, %get3A_474 : vector<16xf32>
        %sub3A_518 = arith.subf %add3A_517, %mul3A_515 : vector<16xf32>
        %add3A_519 = arith.constant 9.99999971E-10 : f32
        %add3A_520 = vector.broadcast %add3A_519 : f32 to vector<16xf32>
        %add3A_521 = arith.addf %sub3A_518, %add3A_520 : vector<16xf32>
        %div3A_522 = arith.divf %mul3A_515, %add3A_521 : vector<16xf32>
        %gt3A_523 = arith.constant 5.000000e-01 : f32
        %gt3A_524 = vector.broadcast %gt3A_523 : f32 to vector<16xf32>
        %gt3A_525 = arith.cmpf ogt, %div3A_498, %gt3A_524 : vector<16xf32>
        %gt3A_526 = arith.constant 5.000000e-01 : f32
        %gt3A_527 = vector.broadcast %gt3A_526 : f32 to vector<16xf32>
        %gt3A_528 = arith.cmpf ogt, %div3A_522, %gt3A_527 : vector<16xf32>
        %or3A_529 = arith.ori %gt3A_525, %gt3A_528 : vector<16xi1>
        %get3A_530 = arith.constant 32 : index
        %get3A_531 = tpu.vector_load %arg12[%get3A_530] {strides = array<i32>} : memref<320xf32, #tpu.memory_space<vmem>>, vector<16xf32>,
        %jit3A_532 = arith.constant -1.000000e+09 : f32
        %broadcast_in_dim3A_533 = vector.broadcast %jit3A_532 : f32 to vector<16xf32>
        %select_n3A_534 = arith.select %or3A_529, %broadcast_in_dim3A_533, %get3A_531 : vector<16xi1>, vector<16xf32>
        %swap3A_535 = arith.constant 32 : index
        %swap3A_536 = tpu.vector_load %arg12[%swap3A_535] {strides = array<i32>} : memref<320xf32, #tpu.memory_space<vmem>>, vector<16xf32>,
        tpu.vector_store %arg12[%swap3A_535], %select_n3A_534 {strides = array<i32>} : memref<320xf32, #tpu.memory_space<vmem>>, vector<16xf32>,
        %add3A_537 = arith.constant 32 : i32
        %add3A_538 = arith.addi %mul3A_2, %add3A_537 : i32
        %add3A_539 = vector.broadcast %add3A_538 : i32 to vector<16xi32>
        %add3A_540 = arith.addi %add3A_539, %iota3A : vector<16xi32>
        %convert_element_type3A_541 = arith.sitofp %add3A_540 : vector<16xi32> to vector<16xf32>
        %gt3A_542 = arith.cmpf ogt, %select_n3A_534, %select_n3A_463 : vector<16xf32>
        %not3A_543 = arith.constant dense<true> : vector<16xi1>
        %not3A_544 = arith.xori %gt3A_542, %not3A_543 : vector<16xi1>
        %gt3A_545 = arith.cmpf ogt, %select_n3A_534, %select_n3A_460 : vector<16xf32>
        %and3A_546 = arith.andi %not3A_544, %gt3A_545 : vector<16xi1>
        %select_n3A_547 = arith.select %and3A_546, %select_n3A_534, %select_n3A_460 : vector<16xi1>, vector<16xf32>
        %select_n3A_548 = arith.select %gt3A_542, %select_n3A_463, %select_n3A_547 : vector<16xi1>, vector<16xf32>
        %select_n3A_549 = arith.select %and3A_546, %convert_element_type3A_541, %select_n3A_462 : vector<16xi1>, vector<16xf32>
        %select_n3A_550 = arith.select %gt3A_542, %select_n3A_464, %select_n3A_549 : vector<16xi1>, vector<16xf32>
        %select_n3A_551 = arith.select %gt3A_542, %select_n3A_534, %select_n3A_463 : vector<16xi1>, vector<16xf32>
        %select_n3A_552 = arith.select %gt3A_542, %convert_element_type3A_541, %select_n3A_464 : vector<16xi1>, vector<16xf32>
        %get3A_553 = arith.constant 48 : index
        %get3A_554 = tpu.vector_load %arg8[%get3A_553] {strides = array<i32>} : memref<320xf32, #tpu.memory_space<vmem>>, vector<16xf32>,
        %get3A_555 = arith.constant 48 : index
        %get3A_556 = tpu.vector_load %arg9[%get3A_555] {strides = array<i32>} : memref<320xf32, #tpu.memory_space<vmem>>, vector<16xf32>,
        %get3A_557 = arith.constant 48 : index
        %get3A_558 = tpu.vector_load %arg10[%get3A_557] {strides = array<i32>} : memref<320xf32, #tpu.memory_space<vmem>>, vector<16xf32>,
        %get3A_559 = arith.constant 48 : index
        %get3A_560 = tpu.vector_load %arg11[%get3A_559] {strides = array<i32>} : memref<320xf32, #tpu.memory_space<vmem>>, vector<16xf32>,
        %get3A_561 = arith.constant 48 : index
        %get3A_562 = tpu.vector_load %arg13[%get3A_561] {strides = array<i32>} : memref<320xf32, #tpu.memory_space<vmem>>, vector<16xf32>,
        %max3A_563 = vector.broadcast %squeeze3A : f32 to vector<16xf32>
        %max3A_564 = arith.maximumf %max3A_563, %get3A_554 : vector<16xf32>
        %max3A_565 = vector.broadcast %squeeze3A_282 : f32 to vector<16xf32>
        %max3A_566 = arith.maximumf %max3A_565, %get3A_556 : vector<16xf32>
        %min3A_567 = vector.broadcast %squeeze3A_284 : f32 to vector<16xf32>
        %min3A_568 = arith.minimumf %min3A_567, %get3A_558 : vector<16xf32>
        %min3A_569 = vector.broadcast %squeeze3A_286 : f32 to vector<16xf32>
        %min3A_570 = arith.minimumf %min3A_569, %get3A_560 : vector<16xf32>
        %sub3A_571 = arith.subf %min3A_568, %max3A_564 : vector<16xf32>
        %max3A_572 = arith.constant 0.000000e+00 : f32
        %max3A_573 = vector.broadcast %max3A_572 : f32 to vector<16xf32>
        %max3A_574 = arith.maximumf %sub3A_571, %max3A_573 : vector<16xf32>
        %sub3A_575 = arith.subf %min3A_570, %max3A_566 : vector<16xf32>
        %max3A_576 = arith.constant 0.000000e+00 : f32
        %max3A_577 = vector.broadcast %max3A_576 : f32 to vector<16xf32>
        %max3A_578 = arith.maximumf %sub3A_575, %max3A_577 : vector<16xf32>
        %mul3A_579 = arith.mulf %max3A_574, %max3A_578 : vector<16xf32>
        %add3A_580 = vector.broadcast %squeeze3A_288 : f32 to vector<16xf32>
        %add3A_581 = arith.addf %add3A_580, %get3A_562 : vector<16xf32>
        %sub3A_582 = arith.subf %add3A_581, %mul3A_579 : vector<16xf32>
        %add3A_583 = arith.constant 9.99999971E-10 : f32
        %add3A_584 = vector.broadcast %add3A_583 : f32 to vector<16xf32>
        %add3A_585 = arith.addf %sub3A_582, %add3A_584 : vector<16xf32>
        %div3A_586 = arith.divf %mul3A_579, %add3A_585 : vector<16xf32>
        %max3A_587 = vector.broadcast %squeeze3A_290 : f32 to vector<16xf32>
        %max3A_588 = arith.maximumf %max3A_587, %get3A_554 : vector<16xf32>
        %max3A_589 = vector.broadcast %squeeze3A_292 : f32 to vector<16xf32>
        %max3A_590 = arith.maximumf %max3A_589, %get3A_556 : vector<16xf32>
        %min3A_591 = vector.broadcast %squeeze3A_294 : f32 to vector<16xf32>
        %min3A_592 = arith.minimumf %min3A_591, %get3A_558 : vector<16xf32>
        %min3A_593 = vector.broadcast %squeeze3A_296 : f32 to vector<16xf32>
        %min3A_594 = arith.minimumf %min3A_593, %get3A_560 : vector<16xf32>
        %sub3A_595 = arith.subf %min3A_592, %max3A_588 : vector<16xf32>
        %max3A_596 = arith.constant 0.000000e+00 : f32
        %max3A_597 = vector.broadcast %max3A_596 : f32 to vector<16xf32>
        %max3A_598 = arith.maximumf %sub3A_595, %max3A_597 : vector<16xf32>
        %sub3A_599 = arith.subf %min3A_594, %max3A_590 : vector<16xf32>
        %max3A_600 = arith.constant 0.000000e+00 : f32
        %max3A_601 = vector.broadcast %max3A_600 : f32 to vector<16xf32>
        %max3A_602 = arith.maximumf %sub3A_599, %max3A_601 : vector<16xf32>
        %mul3A_603 = arith.mulf %max3A_598, %max3A_602 : vector<16xf32>
        %add3A_604 = vector.broadcast %squeeze3A_298 : f32 to vector<16xf32>
        %add3A_605 = arith.addf %add3A_604, %get3A_562 : vector<16xf32>
        %sub3A_606 = arith.subf %add3A_605, %mul3A_603 : vector<16xf32>
        %add3A_607 = arith.constant 9.99999971E-10 : f32
        %add3A_608 = vector.broadcast %add3A_607 : f32 to vector<16xf32>
        %add3A_609 = arith.addf %sub3A_606, %add3A_608 : vector<16xf32>
        %div3A_610 = arith.divf %mul3A_603, %add3A_609 : vector<16xf32>
        %gt3A_611 = arith.constant 5.000000e-01 : f32
        %gt3A_612 = vector.broadcast %gt3A_611 : f32 to vector<16xf32>
        %gt3A_613 = arith.cmpf ogt, %div3A_586, %gt3A_612 : vector<16xf32>
        %gt3A_614 = arith.constant 5.000000e-01 : f32
        %gt3A_615 = vector.broadcast %gt3A_614 : f32 to vector<16xf32>
        %gt3A_616 = arith.cmpf ogt, %div3A_610, %gt3A_615 : vector<16xf32>
        %or3A_617 = arith.ori %gt3A_613, %gt3A_616 : vector<16xi1>
        %get3A_618 = arith.constant 48 : index
        %get3A_619 = tpu.vector_load %arg12[%get3A_618] {strides = array<i32>} : memref<320xf32, #tpu.memory_space<vmem>>, vector<16xf32>,
        %jit3A_620 = arith.constant -1.000000e+09 : f32
        %broadcast_in_dim3A_621 = vector.broadcast %jit3A_620 : f32 to vector<16xf32>
        %select_n3A_622 = arith.select %or3A_617, %broadcast_in_dim3A_621, %get3A_619 : vector<16xi1>, vector<16xf32>
        %swap3A_623 = arith.constant 48 : index
        %swap3A_624 = tpu.vector_load %arg12[%swap3A_623] {strides = array<i32>} : memref<320xf32, #tpu.memory_space<vmem>>, vector<16xf32>,
        tpu.vector_store %arg12[%swap3A_623], %select_n3A_622 {strides = array<i32>} : memref<320xf32, #tpu.memory_space<vmem>>, vector<16xf32>,
        %add3A_625 = arith.constant 48 : i32
        %add3A_626 = arith.addi %mul3A_2, %add3A_625 : i32
        %add3A_627 = vector.broadcast %add3A_626 : i32 to vector<16xi32>
        %add3A_628 = arith.addi %add3A_627, %iota3A : vector<16xi32>
        %convert_element_type3A_629 = arith.sitofp %add3A_628 : vector<16xi32> to vector<16xf32>
        %gt3A_630 = arith.cmpf ogt, %select_n3A_622, %select_n3A_551 : vector<16xf32>
        %not3A_631 = arith.constant dense<true> : vector<16xi1>
        %not3A_632 = arith.xori %gt3A_630, %not3A_631 : vector<16xi1>
        %gt3A_633 = arith.cmpf ogt, %select_n3A_622, %select_n3A_548 : vector<16xf32>
        %and3A_634 = arith.andi %not3A_632, %gt3A_633 : vector<16xi1>
        %select_n3A_635 = arith.select %and3A_634, %select_n3A_622, %select_n3A_548 : vector<16xi1>, vector<16xf32>
        %select_n3A_636 = arith.select %gt3A_630, %select_n3A_551, %select_n3A_635 : vector<16xi1>, vector<16xf32>
        %select_n3A_637 = arith.select %and3A_634, %convert_element_type3A_629, %select_n3A_550 : vector<16xi1>, vector<16xf32>
        %select_n3A_638 = arith.select %gt3A_630, %select_n3A_552, %select_n3A_637 : vector<16xi1>, vector<16xf32>
        %select_n3A_639 = arith.select %gt3A_630, %select_n3A_622, %select_n3A_551 : vector<16xi1>, vector<16xf32>
        %select_n3A_640 = arith.select %gt3A_630, %convert_element_type3A_629, %select_n3A_552 : vector<16xi1>, vector<16xf32>
        %get3A_641 = arith.constant 64 : index
        %get3A_642 = tpu.vector_load %arg8[%get3A_641] {strides = array<i32>} : memref<320xf32, #tpu.memory_space<vmem>>, vector<16xf32>,
        %get3A_643 = arith.constant 64 : index
        %get3A_644 = tpu.vector_load %arg9[%get3A_643] {strides = array<i32>} : memref<320xf32, #tpu.memory_space<vmem>>, vector<16xf32>,
        %get3A_645 = arith.constant 64 : index
        %get3A_646 = tpu.vector_load %arg10[%get3A_645] {strides = array<i32>} : memref<320xf32, #tpu.memory_space<vmem>>, vector<16xf32>,
        %get3A_647 = arith.constant 64 : index
        %get3A_648 = tpu.vector_load %arg11[%get3A_647] {strides = array<i32>} : memref<320xf32, #tpu.memory_space<vmem>>, vector<16xf32>,
        %get3A_649 = arith.constant 64 : index
        %get3A_650 = tpu.vector_load %arg13[%get3A_649] {strides = array<i32>} : memref<320xf32, #tpu.memory_space<vmem>>, vector<16xf32>,
        %max3A_651 = vector.broadcast %squeeze3A : f32 to vector<16xf32>
        %max3A_652 = arith.maximumf %max3A_651, %get3A_642 : vector<16xf32>
        %max3A_653 = vector.broadcast %squeeze3A_282 : f32 to vector<16xf32>
        %max3A_654 = arith.maximumf %max3A_653, %get3A_644 : vector<16xf32>
        %min3A_655 = vector.broadcast %squeeze3A_284 : f32 to vector<16xf32>
        %min3A_656 = arith.minimumf %min3A_655, %get3A_646 : vector<16xf32>
        %min3A_657 = vector.broadcast %squeeze3A_286 : f32 to vector<16xf32>
        %min3A_658 = arith.minimumf %min3A_657, %get3A_648 : vector<16xf32>
        %sub3A_659 = arith.subf %min3A_656, %max3A_652 : vector<16xf32>
        %max3A_660 = arith.constant 0.000000e+00 : f32
        %max3A_661 = vector.broadcast %max3A_660 : f32 to vector<16xf32>
        %max3A_662 = arith.maximumf %sub3A_659, %max3A_661 : vector<16xf32>
        %sub3A_663 = arith.subf %min3A_658, %max3A_654 : vector<16xf32>
        %max3A_664 = arith.constant 0.000000e+00 : f32
        %max3A_665 = vector.broadcast %max3A_664 : f32 to vector<16xf32>
        %max3A_666 = arith.maximumf %sub3A_663, %max3A_665 : vector<16xf32>
        %mul3A_667 = arith.mulf %max3A_662, %max3A_666 : vector<16xf32>
        %add3A_668 = vector.broadcast %squeeze3A_288 : f32 to vector<16xf32>
        %add3A_669 = arith.addf %add3A_668, %get3A_650 : vector<16xf32>
        %sub3A_670 = arith.subf %add3A_669, %mul3A_667 : vector<16xf32>
        %add3A_671 = arith.constant 9.99999971E-10 : f32
        %add3A_672 = vector.broadcast %add3A_671 : f32 to vector<16xf32>
        %add3A_673 = arith.addf %sub3A_670, %add3A_672 : vector<16xf32>
        %div3A_674 = arith.divf %mul3A_667, %add3A_673 : vector<16xf32>
        %max3A_675 = vector.broadcast %squeeze3A_290 : f32 to vector<16xf32>
        %max3A_676 = arith.maximumf %max3A_675, %get3A_642 : vector<16xf32>
        %max3A_677 = vector.broadcast %squeeze3A_292 : f32 to vector<16xf32>
        %max3A_678 = arith.maximumf %max3A_677, %get3A_644 : vector<16xf32>
        %min3A_679 = vector.broadcast %squeeze3A_294 : f32 to vector<16xf32>
        %min3A_680 = arith.minimumf %min3A_679, %get3A_646 : vector<16xf32>
        %min3A_681 = vector.broadcast %squeeze3A_296 : f32 to vector<16xf32>
        %min3A_682 = arith.minimumf %min3A_681, %get3A_648 : vector<16xf32>
        %sub3A_683 = arith.subf %min3A_680, %max3A_676 : vector<16xf32>
        %max3A_684 = arith.constant 0.000000e+00 : f32
        %max3A_685 = vector.broadcast %max3A_684 : f32 to vector<16xf32>
        %max3A_686 = arith.maximumf %sub3A_683, %max3A_685 : vector<16xf32>
        %sub3A_687 = arith.subf %min3A_682, %max3A_678 : vector<16xf32>
        %max3A_688 = arith.constant 0.000000e+00 : f32
        %max3A_689 = vector.broadcast %max3A_688 : f32 to vector<16xf32>
        %max3A_690 = arith.maximumf %sub3A_687, %max3A_689 : vector<16xf32>
        %mul3A_691 = arith.mulf %max3A_686, %max3A_690 : vector<16xf32>
        %add3A_692 = vector.broadcast %squeeze3A_298 : f32 to vector<16xf32>
        %add3A_693 = arith.addf %add3A_692, %get3A_650 : vector<16xf32>
        %sub3A_694 = arith.subf %add3A_693, %mul3A_691 : vector<16xf32>
        %add3A_695 = arith.constant 9.99999971E-10 : f32
        %add3A_696 = vector.broadcast %add3A_695 : f32 to vector<16xf32>
        %add3A_697 = arith.addf %sub3A_694, %add3A_696 : vector<16xf32>
        %div3A_698 = arith.divf %mul3A_691, %add3A_697 : vector<16xf32>
        %gt3A_699 = arith.constant 5.000000e-01 : f32
        %gt3A_700 = vector.broadcast %gt3A_699 : f32 to vector<16xf32>
        %gt3A_701 = arith.cmpf ogt, %div3A_674, %gt3A_700 : vector<16xf32>
        %gt3A_702 = arith.constant 5.000000e-01 : f32
        %gt3A_703 = vector.broadcast %gt3A_702 : f32 to vector<16xf32>
        %gt3A_704 = arith.cmpf ogt, %div3A_698, %gt3A_703 : vector<16xf32>
        %or3A_705 = arith.ori %gt3A_701, %gt3A_704 : vector<16xi1>
        %get3A_706 = arith.constant 64 : index
        %get3A_707 = tpu.vector_load %arg12[%get3A_706] {strides = array<i32>} : memref<320xf32, #tpu.memory_space<vmem>>, vector<16xf32>,
        %jit3A_708 = arith.constant -1.000000e+09 : f32
        %broadcast_in_dim3A_709 = vector.broadcast %jit3A_708 : f32 to vector<16xf32>
        %select_n3A_710 = arith.select %or3A_705, %broadcast_in_dim3A_709, %get3A_707 : vector<16xi1>, vector<16xf32>
        %swap3A_711 = arith.constant 64 : index
        %swap3A_712 = tpu.vector_load %arg12[%swap3A_711] {strides = array<i32>} : memref<320xf32, #tpu.memory_space<vmem>>, vector<16xf32>,
        tpu.vector_store %arg12[%swap3A_711], %select_n3A_710 {strides = array<i32>} : memref<320xf32, #tpu.memory_space<vmem>>, vector<16xf32>,
        %add3A_713 = arith.constant 64 : i32
        %add3A_714 = arith.addi %mul3A_2, %add3A_713 : i32
        %add3A_715 = vector.broadcast %add3A_714 : i32 to vector<16xi32>
        %add3A_716 = arith.addi %add3A_715, %iota3A : vector<16xi32>
        %convert_element_type3A_717 = arith.sitofp %add3A_716 : vector<16xi32> to vector<16xf32>
        %gt3A_718 = arith.cmpf ogt, %select_n3A_710, %select_n3A_639 : vector<16xf32>
        %not3A_719 = arith.constant dense<true> : vector<16xi1>
        %not3A_720 = arith.xori %gt3A_718, %not3A_719 : vector<16xi1>
        %gt3A_721 = arith.cmpf ogt, %select_n3A_710, %select_n3A_636 : vector<16xf32>
        %and3A_722 = arith.andi %not3A_720, %gt3A_721 : vector<16xi1>
        %select_n3A_723 = arith.select %and3A_722, %select_n3A_710, %select_n3A_636 : vector<16xi1>, vector<16xf32>
        %select_n3A_724 = arith.select %gt3A_718, %select_n3A_639, %select_n3A_723 : vector<16xi1>, vector<16xf32>
        %select_n3A_725 = arith.select %and3A_722, %convert_element_type3A_717, %select_n3A_638 : vector<16xi1>, vector<16xf32>
        %select_n3A_726 = arith.select %gt3A_718, %select_n3A_640, %select_n3A_725 : vector<16xi1>, vector<16xf32>
        %select_n3A_727 = arith.select %gt3A_718, %select_n3A_710, %select_n3A_639 : vector<16xi1>, vector<16xf32>
        %select_n3A_728 = arith.select %gt3A_718, %convert_element_type3A_717, %select_n3A_640 : vector<16xi1>, vector<16xf32>
        %get3A_729 = arith.constant 80 : index
        %get3A_730 = tpu.vector_load %arg8[%get3A_729] {strides = array<i32>} : memref<320xf32, #tpu.memory_space<vmem>>, vector<16xf32>,
        %get3A_731 = arith.constant 80 : index
        %get3A_732 = tpu.vector_load %arg9[%get3A_731] {strides = array<i32>} : memref<320xf32, #tpu.memory_space<vmem>>, vector<16xf32>,
        %get3A_733 = arith.constant 80 : index
        %get3A_734 = tpu.vector_load %arg10[%get3A_733] {strides = array<i32>} : memref<320xf32, #tpu.memory_space<vmem>>, vector<16xf32>,
        %get3A_735 = arith.constant 80 : index
        %get3A_736 = tpu.vector_load %arg11[%get3A_735] {strides = array<i32>} : memref<320xf32, #tpu.memory_space<vmem>>, vector<16xf32>,
        %get3A_737 = arith.constant 80 : index
        %get3A_738 = tpu.vector_load %arg13[%get3A_737] {strides = array<i32>} : memref<320xf32, #tpu.memory_space<vmem>>, vector<16xf32>,
        %max3A_739 = vector.broadcast %squeeze3A : f32 to vector<16xf32>
        %max3A_740 = arith.maximumf %max3A_739, %get3A_730 : vector<16xf32>
        %max3A_741 = vector.broadcast %squeeze3A_282 : f32 to vector<16xf32>
        %max3A_742 = arith.maximumf %max3A_741, %get3A_732 : vector<16xf32>
        %min3A_743 = vector.broadcast %squeeze3A_284 : f32 to vector<16xf32>
        %min3A_744 = arith.minimumf %min3A_743, %get3A_734 : vector<16xf32>
        %min3A_745 = vector.broadcast %squeeze3A_286 : f32 to vector<16xf32>
        %min3A_746 = arith.minimumf %min3A_745, %get3A_736 : vector<16xf32>
        %sub3A_747 = arith.subf %min3A_744, %max3A_740 : vector<16xf32>
        %max3A_748 = arith.constant 0.000000e+00 : f32
        %max3A_749 = vector.broadcast %max3A_748 : f32 to vector<16xf32>
        %max3A_750 = arith.maximumf %sub3A_747, %max3A_749 : vector<16xf32>
        %sub3A_751 = arith.subf %min3A_746, %max3A_742 : vector<16xf32>
        %max3A_752 = arith.constant 0.000000e+00 : f32
        %max3A_753 = vector.broadcast %max3A_752 : f32 to vector<16xf32>
        %max3A_754 = arith.maximumf %sub3A_751, %max3A_753 : vector<16xf32>
        %mul3A_755 = arith.mulf %max3A_750, %max3A_754 : vector<16xf32>
        %add3A_756 = vector.broadcast %squeeze3A_288 : f32 to vector<16xf32>
        %add3A_757 = arith.addf %add3A_756, %get3A_738 : vector<16xf32>
        %sub3A_758 = arith.subf %add3A_757, %mul3A_755 : vector<16xf32>
        %add3A_759 = arith.constant 9.99999971E-10 : f32
        %add3A_760 = vector.broadcast %add3A_759 : f32 to vector<16xf32>
        %add3A_761 = arith.addf %sub3A_758, %add3A_760 : vector<16xf32>
        %div3A_762 = arith.divf %mul3A_755, %add3A_761 : vector<16xf32>
        %max3A_763 = vector.broadcast %squeeze3A_290 : f32 to vector<16xf32>
        %max3A_764 = arith.maximumf %max3A_763, %get3A_730 : vector<16xf32>
        %max3A_765 = vector.broadcast %squeeze3A_292 : f32 to vector<16xf32>
        %max3A_766 = arith.maximumf %max3A_765, %get3A_732 : vector<16xf32>
        %min3A_767 = vector.broadcast %squeeze3A_294 : f32 to vector<16xf32>
        %min3A_768 = arith.minimumf %min3A_767, %get3A_734 : vector<16xf32>
        %min3A_769 = vector.broadcast %squeeze3A_296 : f32 to vector<16xf32>
        %min3A_770 = arith.minimumf %min3A_769, %get3A_736 : vector<16xf32>
        %sub3A_771 = arith.subf %min3A_768, %max3A_764 : vector<16xf32>
        %max3A_772 = arith.constant 0.000000e+00 : f32
        %max3A_773 = vector.broadcast %max3A_772 : f32 to vector<16xf32>
        %max3A_774 = arith.maximumf %sub3A_771, %max3A_773 : vector<16xf32>
        %sub3A_775 = arith.subf %min3A_770, %max3A_766 : vector<16xf32>
        %max3A_776 = arith.constant 0.000000e+00 : f32
        %max3A_777 = vector.broadcast %max3A_776 : f32 to vector<16xf32>
        %max3A_778 = arith.maximumf %sub3A_775, %max3A_777 : vector<16xf32>
        %mul3A_779 = arith.mulf %max3A_774, %max3A_778 : vector<16xf32>
        %add3A_780 = vector.broadcast %squeeze3A_298 : f32 to vector<16xf32>
        %add3A_781 = arith.addf %add3A_780, %get3A_738 : vector<16xf32>
        %sub3A_782 = arith.subf %add3A_781, %mul3A_779 : vector<16xf32>
        %add3A_783 = arith.constant 9.99999971E-10 : f32
        %add3A_784 = vector.broadcast %add3A_783 : f32 to vector<16xf32>
        %add3A_785 = arith.addf %sub3A_782, %add3A_784 : vector<16xf32>
        %div3A_786 = arith.divf %mul3A_779, %add3A_785 : vector<16xf32>
        %gt3A_787 = arith.constant 5.000000e-01 : f32
        %gt3A_788 = vector.broadcast %gt3A_787 : f32 to vector<16xf32>
        %gt3A_789 = arith.cmpf ogt, %div3A_762, %gt3A_788 : vector<16xf32>
        %gt3A_790 = arith.constant 5.000000e-01 : f32
        %gt3A_791 = vector.broadcast %gt3A_790 : f32 to vector<16xf32>
        %gt3A_792 = arith.cmpf ogt, %div3A_786, %gt3A_791 : vector<16xf32>
        %or3A_793 = arith.ori %gt3A_789, %gt3A_792 : vector<16xi1>
        %get3A_794 = arith.constant 80 : index
        %get3A_795 = tpu.vector_load %arg12[%get3A_794] {strides = array<i32>} : memref<320xf32, #tpu.memory_space<vmem>>, vector<16xf32>,
        %jit3A_796 = arith.constant -1.000000e+09 : f32
        %broadcast_in_dim3A_797 = vector.broadcast %jit3A_796 : f32 to vector<16xf32>
        %select_n3A_798 = arith.select %or3A_793, %broadcast_in_dim3A_797, %get3A_795 : vector<16xi1>, vector<16xf32>
        %swap3A_799 = arith.constant 80 : index
        %swap3A_800 = tpu.vector_load %arg12[%swap3A_799] {strides = array<i32>} : memref<320xf32, #tpu.memory_space<vmem>>, vector<16xf32>,
        tpu.vector_store %arg12[%swap3A_799], %select_n3A_798 {strides = array<i32>} : memref<320xf32, #tpu.memory_space<vmem>>, vector<16xf32>,
        %add3A_801 = arith.constant 80 : i32
        %add3A_802 = arith.addi %mul3A_2, %add3A_801 : i32
        %add3A_803 = vector.broadcast %add3A_802 : i32 to vector<16xi32>
        %add3A_804 = arith.addi %add3A_803, %iota3A : vector<16xi32>
        %convert_element_type3A_805 = arith.sitofp %add3A_804 : vector<16xi32> to vector<16xf32>
        %gt3A_806 = arith.cmpf ogt, %select_n3A_798, %select_n3A_727 : vector<16xf32>
        %not3A_807 = arith.constant dense<true> : vector<16xi1>
        %not3A_808 = arith.xori %gt3A_806, %not3A_807 : vector<16xi1>
        %gt3A_809 = arith.cmpf ogt, %select_n3A_798, %select_n3A_724 : vector<16xf32>
        %and3A_810 = arith.andi %not3A_808, %gt3A_809 : vector<16xi1>
        %select_n3A_811 = arith.select %and3A_810, %select_n3A_798, %select_n3A_724 : vector<16xi1>, vector<16xf32>
        %select_n3A_812 = arith.select %gt3A_806, %select_n3A_727, %select_n3A_811 : vector<16xi1>, vector<16xf32>
        %select_n3A_813 = arith.select %and3A_810, %convert_element_type3A_805, %select_n3A_726 : vector<16xi1>, vector<16xf32>
        %select_n3A_814 = arith.select %gt3A_806, %select_n3A_728, %select_n3A_813 : vector<16xi1>, vector<16xf32>
        %select_n3A_815 = arith.select %gt3A_806, %select_n3A_798, %select_n3A_727 : vector<16xi1>, vector<16xf32>
        %select_n3A_816 = arith.select %gt3A_806, %convert_element_type3A_805, %select_n3A_728 : vector<16xi1>, vector<16xf32>
        %get3A_817 = arith.constant 96 : index
        %get3A_818 = tpu.vector_load %arg8[%get3A_817] {strides = array<i32>} : memref<320xf32, #tpu.memory_space<vmem>>, vector<16xf32>,
        %get3A_819 = arith.constant 96 : index
        %get3A_820 = tpu.vector_load %arg9[%get3A_819] {strides = array<i32>} : memref<320xf32, #tpu.memory_space<vmem>>, vector<16xf32>,
        %get3A_821 = arith.constant 96 : index
        %get3A_822 = tpu.vector_load %arg10[%get3A_821] {strides = array<i32>} : memref<320xf32, #tpu.memory_space<vmem>>, vector<16xf32>,
        %get3A_823 = arith.constant 96 : index
        %get3A_824 = tpu.vector_load %arg11[%get3A_823] {strides = array<i32>} : memref<320xf32, #tpu.memory_space<vmem>>, vector<16xf32>,
        %get3A_825 = arith.constant 96 : index
        %get3A_826 = tpu.vector_load %arg13[%get3A_825] {strides = array<i32>} : memref<320xf32, #tpu.memory_space<vmem>>, vector<16xf32>,
        %max3A_827 = vector.broadcast %squeeze3A : f32 to vector<16xf32>
        %max3A_828 = arith.maximumf %max3A_827, %get3A_818 : vector<16xf32>
        %max3A_829 = vector.broadcast %squeeze3A_282 : f32 to vector<16xf32>
        %max3A_830 = arith.maximumf %max3A_829, %get3A_820 : vector<16xf32>
        %min3A_831 = vector.broadcast %squeeze3A_284 : f32 to vector<16xf32>
        %min3A_832 = arith.minimumf %min3A_831, %get3A_822 : vector<16xf32>
        %min3A_833 = vector.broadcast %squeeze3A_286 : f32 to vector<16xf32>
        %min3A_834 = arith.minimumf %min3A_833, %get3A_824 : vector<16xf32>
        %sub3A_835 = arith.subf %min3A_832, %max3A_828 : vector<16xf32>
        %max3A_836 = arith.constant 0.000000e+00 : f32
        %max3A_837 = vector.broadcast %max3A_836 : f32 to vector<16xf32>
        %max3A_838 = arith.maximumf %sub3A_835, %max3A_837 : vector<16xf32>
        %sub3A_839 = arith.subf %min3A_834, %max3A_830 : vector<16xf32>
        %max3A_840 = arith.constant 0.000000e+00 : f32
        %max3A_841 = vector.broadcast %max3A_840 : f32 to vector<16xf32>
        %max3A_842 = arith.maximumf %sub3A_839, %max3A_841 : vector<16xf32>
        %mul3A_843 = arith.mulf %max3A_838, %max3A_842 : vector<16xf32>
        %add3A_844 = vector.broadcast %squeeze3A_288 : f32 to vector<16xf32>
        %add3A_845 = arith.addf %add3A_844, %get3A_826 : vector<16xf32>
        %sub3A_846 = arith.subf %add3A_845, %mul3A_843 : vector<16xf32>
        %add3A_847 = arith.constant 9.99999971E-10 : f32
        %add3A_848 = vector.broadcast %add3A_847 : f32 to vector<16xf32>
        %add3A_849 = arith.addf %sub3A_846, %add3A_848 : vector<16xf32>
        %div3A_850 = arith.divf %mul3A_843, %add3A_849 : vector<16xf32>
        %max3A_851 = vector.broadcast %squeeze3A_290 : f32 to vector<16xf32>
        %max3A_852 = arith.maximumf %max3A_851, %get3A_818 : vector<16xf32>
        %max3A_853 = vector.broadcast %squeeze3A_292 : f32 to vector<16xf32>
        %max3A_854 = arith.maximumf %max3A_853, %get3A_820 : vector<16xf32>
        %min3A_855 = vector.broadcast %squeeze3A_294 : f32 to vector<16xf32>
        %min3A_856 = arith.minimumf %min3A_855, %get3A_822 : vector<16xf32>
        %min3A_857 = vector.broadcast %squeeze3A_296 : f32 to vector<16xf32>
        %min3A_858 = arith.minimumf %min3A_857, %get3A_824 : vector<16xf32>
        %sub3A_859 = arith.subf %min3A_856, %max3A_852 : vector<16xf32>
        %max3A_860 = arith.constant 0.000000e+00 : f32
        %max3A_861 = vector.broadcast %max3A_860 : f32 to vector<16xf32>
        %max3A_862 = arith.maximumf %sub3A_859, %max3A_861 : vector<16xf32>
        %sub3A_863 = arith.subf %min3A_858, %max3A_854 : vector<16xf32>
        %max3A_864 = arith.constant 0.000000e+00 : f32
        %max3A_865 = vector.broadcast %max3A_864 : f32 to vector<16xf32>
        %max3A_866 = arith.maximumf %sub3A_863, %max3A_865 : vector<16xf32>
        %mul3A_867 = arith.mulf %max3A_862, %max3A_866 : vector<16xf32>
        %add3A_868 = vector.broadcast %squeeze3A_298 : f32 to vector<16xf32>
        %add3A_869 = arith.addf %add3A_868, %get3A_826 : vector<16xf32>
        %sub3A_870 = arith.subf %add3A_869, %mul3A_867 : vector<16xf32>
        %add3A_871 = arith.constant 9.99999971E-10 : f32
        %add3A_872 = vector.broadcast %add3A_871 : f32 to vector<16xf32>
        %add3A_873 = arith.addf %sub3A_870, %add3A_872 : vector<16xf32>
        %div3A_874 = arith.divf %mul3A_867, %add3A_873 : vector<16xf32>
        %gt3A_875 = arith.constant 5.000000e-01 : f32
        %gt3A_876 = vector.broadcast %gt3A_875 : f32 to vector<16xf32>
        %gt3A_877 = arith.cmpf ogt, %div3A_850, %gt3A_876 : vector<16xf32>
        %gt3A_878 = arith.constant 5.000000e-01 : f32
        %gt3A_879 = vector.broadcast %gt3A_878 : f32 to vector<16xf32>
        %gt3A_880 = arith.cmpf ogt, %div3A_874, %gt3A_879 : vector<16xf32>
        %or3A_881 = arith.ori %gt3A_877, %gt3A_880 : vector<16xi1>
        %get3A_882 = arith.constant 96 : index
        %get3A_883 = tpu.vector_load %arg12[%get3A_882] {strides = array<i32>} : memref<320xf32, #tpu.memory_space<vmem>>, vector<16xf32>,
        %jit3A_884 = arith.constant -1.000000e+09 : f32
        %broadcast_in_dim3A_885 = vector.broadcast %jit3A_884 : f32 to vector<16xf32>
        %select_n3A_886 = arith.select %or3A_881, %broadcast_in_dim3A_885, %get3A_883 : vector<16xi1>, vector<16xf32>
        %swap3A_887 = arith.constant 96 : index
        %swap3A_888 = tpu.vector_load %arg12[%swap3A_887] {strides = array<i32>} : memref<320xf32, #tpu.memory_space<vmem>>, vector<16xf32>,
        tpu.vector_store %arg12[%swap3A_887], %select_n3A_886 {strides = array<i32>} : memref<320xf32, #tpu.memory_space<vmem>>, vector<16xf32>,
        %add3A_889 = arith.constant 96 : i32
        %add3A_890 = arith.addi %mul3A_2, %add3A_889 : i32
        %add3A_891 = vector.broadcast %add3A_890 : i32 to vector<16xi32>
        %add3A_892 = arith.addi %add3A_891, %iota3A : vector<16xi32>
        %convert_element_type3A_893 = arith.sitofp %add3A_892 : vector<16xi32> to vector<16xf32>
        %gt3A_894 = arith.cmpf ogt, %select_n3A_886, %select_n3A_815 : vector<16xf32>
        %not3A_895 = arith.constant dense<true> : vector<16xi1>
        %not3A_896 = arith.xori %gt3A_894, %not3A_895 : vector<16xi1>
        %gt3A_897 = arith.cmpf ogt, %select_n3A_886, %select_n3A_812 : vector<16xf32>
        %and3A_898 = arith.andi %not3A_896, %gt3A_897 : vector<16xi1>
        %select_n3A_899 = arith.select %and3A_898, %select_n3A_886, %select_n3A_812 : vector<16xi1>, vector<16xf32>
        %select_n3A_900 = arith.select %gt3A_894, %select_n3A_815, %select_n3A_899 : vector<16xi1>, vector<16xf32>
        %select_n3A_901 = arith.select %and3A_898, %convert_element_type3A_893, %select_n3A_814 : vector<16xi1>, vector<16xf32>
        %select_n3A_902 = arith.select %gt3A_894, %select_n3A_816, %select_n3A_901 : vector<16xi1>, vector<16xf32>
        %select_n3A_903 = arith.select %gt3A_894, %select_n3A_886, %select_n3A_815 : vector<16xi1>, vector<16xf32>
        %select_n3A_904 = arith.select %gt3A_894, %convert_element_type3A_893, %select_n3A_816 : vector<16xi1>, vector<16xf32>
        %get3A_905 = arith.constant 112 : index
        %get3A_906 = tpu.vector_load %arg8[%get3A_905] {strides = array<i32>} : memref<320xf32, #tpu.memory_space<vmem>>, vector<16xf32>,
        %get3A_907 = arith.constant 112 : index
        %get3A_908 = tpu.vector_load %arg9[%get3A_907] {strides = array<i32>} : memref<320xf32, #tpu.memory_space<vmem>>, vector<16xf32>,
        %get3A_909 = arith.constant 112 : index
        %get3A_910 = tpu.vector_load %arg10[%get3A_909] {strides = array<i32>} : memref<320xf32, #tpu.memory_space<vmem>>, vector<16xf32>,
        %get3A_911 = arith.constant 112 : index
        %get3A_912 = tpu.vector_load %arg11[%get3A_911] {strides = array<i32>} : memref<320xf32, #tpu.memory_space<vmem>>, vector<16xf32>,
        %get3A_913 = arith.constant 112 : index
        %get3A_914 = tpu.vector_load %arg13[%get3A_913] {strides = array<i32>} : memref<320xf32, #tpu.memory_space<vmem>>, vector<16xf32>,
        %max3A_915 = vector.broadcast %squeeze3A : f32 to vector<16xf32>
        %max3A_916 = arith.maximumf %max3A_915, %get3A_906 : vector<16xf32>
        %max3A_917 = vector.broadcast %squeeze3A_282 : f32 to vector<16xf32>
        %max3A_918 = arith.maximumf %max3A_917, %get3A_908 : vector<16xf32>
        %min3A_919 = vector.broadcast %squeeze3A_284 : f32 to vector<16xf32>
        %min3A_920 = arith.minimumf %min3A_919, %get3A_910 : vector<16xf32>
        %min3A_921 = vector.broadcast %squeeze3A_286 : f32 to vector<16xf32>
        %min3A_922 = arith.minimumf %min3A_921, %get3A_912 : vector<16xf32>
        %sub3A_923 = arith.subf %min3A_920, %max3A_916 : vector<16xf32>
        %max3A_924 = arith.constant 0.000000e+00 : f32
        %max3A_925 = vector.broadcast %max3A_924 : f32 to vector<16xf32>
        %max3A_926 = arith.maximumf %sub3A_923, %max3A_925 : vector<16xf32>
        %sub3A_927 = arith.subf %min3A_922, %max3A_918 : vector<16xf32>
        %max3A_928 = arith.constant 0.000000e+00 : f32
        %max3A_929 = vector.broadcast %max3A_928 : f32 to vector<16xf32>
        %max3A_930 = arith.maximumf %sub3A_927, %max3A_929 : vector<16xf32>
        %mul3A_931 = arith.mulf %max3A_926, %max3A_930 : vector<16xf32>
        %add3A_932 = vector.broadcast %squeeze3A_288 : f32 to vector<16xf32>
        %add3A_933 = arith.addf %add3A_932, %get3A_914 : vector<16xf32>
        %sub3A_934 = arith.subf %add3A_933, %mul3A_931 : vector<16xf32>
        %add3A_935 = arith.constant 9.99999971E-10 : f32
        %add3A_936 = vector.broadcast %add3A_935 : f32 to vector<16xf32>
        %add3A_937 = arith.addf %sub3A_934, %add3A_936 : vector<16xf32>
        %div3A_938 = arith.divf %mul3A_931, %add3A_937 : vector<16xf32>
        %max3A_939 = vector.broadcast %squeeze3A_290 : f32 to vector<16xf32>
        %max3A_940 = arith.maximumf %max3A_939, %get3A_906 : vector<16xf32>
        %max3A_941 = vector.broadcast %squeeze3A_292 : f32 to vector<16xf32>
        %max3A_942 = arith.maximumf %max3A_941, %get3A_908 : vector<16xf32>
        %min3A_943 = vector.broadcast %squeeze3A_294 : f32 to vector<16xf32>
        %min3A_944 = arith.minimumf %min3A_943, %get3A_910 : vector<16xf32>
        %min3A_945 = vector.broadcast %squeeze3A_296 : f32 to vector<16xf32>
        %min3A_946 = arith.minimumf %min3A_945, %get3A_912 : vector<16xf32>
        %sub3A_947 = arith.subf %min3A_944, %max3A_940 : vector<16xf32>
        %max3A_948 = arith.constant 0.000000e+00 : f32
        %max3A_949 = vector.broadcast %max3A_948 : f32 to vector<16xf32>
        %max3A_950 = arith.maximumf %sub3A_947, %max3A_949 : vector<16xf32>
        %sub3A_951 = arith.subf %min3A_946, %max3A_942 : vector<16xf32>
        %max3A_952 = arith.constant 0.000000e+00 : f32
        %max3A_953 = vector.broadcast %max3A_952 : f32 to vector<16xf32>
        %max3A_954 = arith.maximumf %sub3A_951, %max3A_953 : vector<16xf32>
        %mul3A_955 = arith.mulf %max3A_950, %max3A_954 : vector<16xf32>
        %add3A_956 = vector.broadcast %squeeze3A_298 : f32 to vector<16xf32>
        %add3A_957 = arith.addf %add3A_956, %get3A_914 : vector<16xf32>
        %sub3A_958 = arith.subf %add3A_957, %mul3A_955 : vector<16xf32>
        %add3A_959 = arith.constant 9.99999971E-10 : f32
        %add3A_960 = vector.broadcast %add3A_959 : f32 to vector<16xf32>
        %add3A_961 = arith.addf %sub3A_958, %add3A_960 : vector<16xf32>
        %div3A_962 = arith.divf %mul3A_955, %add3A_961 : vector<16xf32>
        %gt3A_963 = arith.constant 5.000000e-01 : f32
        %gt3A_964 = vector.broadcast %gt3A_963 : f32 to vector<16xf32>
        %gt3A_965 = arith.cmpf ogt, %div3A_938, %gt3A_964 : vector<16xf32>
        %gt3A_966 = arith.constant 5.000000e-01 : f32
        %gt3A_967 = vector.broadcast %gt3A_966 : f32 to vector<16xf32>
        %gt3A_968 = arith.cmpf ogt, %div3A_962, %gt3A_967 : vector<16xf32>
        %or3A_969 = arith.ori %gt3A_965, %gt3A_968 : vector<16xi1>
        %get3A_970 = arith.constant 112 : index
        %get3A_971 = tpu.vector_load %arg12[%get3A_970] {strides = array<i32>} : memref<320xf32, #tpu.memory_space<vmem>>, vector<16xf32>,
        %jit3A_972 = arith.constant -1.000000e+09 : f32
        %broadcast_in_dim3A_973 = vector.broadcast %jit3A_972 : f32 to vector<16xf32>
        %select_n3A_974 = arith.select %or3A_969, %broadcast_in_dim3A_973, %get3A_971 : vector<16xi1>, vector<16xf32>
        %swap3A_975 = arith.constant 112 : index
        %swap3A_976 = tpu.vector_load %arg12[%swap3A_975] {strides = array<i32>} : memref<320xf32, #tpu.memory_space<vmem>>, vector<16xf32>,
        tpu.vector_store %arg12[%swap3A_975], %select_n3A_974 {strides = array<i32>} : memref<320xf32, #tpu.memory_space<vmem>>, vector<16xf32>,
        %add3A_977 = arith.constant 112 : i32
        %add3A_978 = arith.addi %mul3A_2, %add3A_977 : i32
        %add3A_979 = vector.broadcast %add3A_978 : i32 to vector<16xi32>
        %add3A_980 = arith.addi %add3A_979, %iota3A : vector<16xi32>
        %convert_element_type3A_981 = arith.sitofp %add3A_980 : vector<16xi32> to vector<16xf32>
        %gt3A_982 = arith.cmpf ogt, %select_n3A_974, %select_n3A_903 : vector<16xf32>
        %not3A_983 = arith.constant dense<true> : vector<16xi1>
        %not3A_984 = arith.xori %gt3A_982, %not3A_983 : vector<16xi1>
        %gt3A_985 = arith.cmpf ogt, %select_n3A_974, %select_n3A_900 : vector<16xf32>
        %and3A_986 = arith.andi %not3A_984, %gt3A_985 : vector<16xi1>
        %select_n3A_987 = arith.select %and3A_986, %select_n3A_974, %select_n3A_900 : vector<16xi1>, vector<16xf32>
        %select_n3A_988 = arith.select %gt3A_982, %select_n3A_903, %select_n3A_987 : vector<16xi1>, vector<16xf32>
        %select_n3A_989 = arith.select %and3A_986, %convert_element_type3A_981, %select_n3A_902 : vector<16xi1>, vector<16xf32>
        %select_n3A_990 = arith.select %gt3A_982, %select_n3A_904, %select_n3A_989 : vector<16xi1>, vector<16xf32>
        %select_n3A_991 = arith.select %gt3A_982, %select_n3A_974, %select_n3A_903 : vector<16xi1>, vector<16xf32>
        %select_n3A_992 = arith.select %gt3A_982, %convert_element_type3A_981, %select_n3A_904 : vector<16xi1>, vector<16xf32>
        %get3A_993 = arith.constant 128 : index
        %get3A_994 = tpu.vector_load %arg8[%get3A_993] {strides = array<i32>} : memref<320xf32, #tpu.memory_space<vmem>>, vector<16xf32>,
        %get3A_995 = arith.constant 128 : index
        %get3A_996 = tpu.vector_load %arg9[%get3A_995] {strides = array<i32>} : memref<320xf32, #tpu.memory_space<vmem>>, vector<16xf32>,
        %get3A_997 = arith.constant 128 : index
        %get3A_998 = tpu.vector_load %arg10[%get3A_997] {strides = array<i32>} : memref<320xf32, #tpu.memory_space<vmem>>, vector<16xf32>,
        %get3A_999 = arith.constant 128 : index
        %get3A_1000 = tpu.vector_load %arg11[%get3A_999] {strides = array<i32>} : memref<320xf32, #tpu.memory_space<vmem>>, vector<16xf32>,
        %get3A_1001 = arith.constant 128 : index
        %get3A_1002 = tpu.vector_load %arg13[%get3A_1001] {strides = array<i32>} : memref<320xf32, #tpu.memory_space<vmem>>, vector<16xf32>,
        %max3A_1003 = vector.broadcast %squeeze3A : f32 to vector<16xf32>
        %max3A_1004 = arith.maximumf %max3A_1003, %get3A_994 : vector<16xf32>
        %max3A_1005 = vector.broadcast %squeeze3A_282 : f32 to vector<16xf32>
        %max3A_1006 = arith.maximumf %max3A_1005, %get3A_996 : vector<16xf32>
        %min3A_1007 = vector.broadcast %squeeze3A_284 : f32 to vector<16xf32>
        %min3A_1008 = arith.minimumf %min3A_1007, %get3A_998 : vector<16xf32>
        %min3A_1009 = vector.broadcast %squeeze3A_286 : f32 to vector<16xf32>
        %min3A_1010 = arith.minimumf %min3A_1009, %get3A_1000 : vector<16xf32>
        %sub3A_1011 = arith.subf %min3A_1008, %max3A_1004 : vector<16xf32>
        %max3A_1012 = arith.constant 0.000000e+00 : f32
        %max3A_1013 = vector.broadcast %max3A_1012 : f32 to vector<16xf32>
        %max3A_1014 = arith.maximumf %sub3A_1011, %max3A_1013 : vector<16xf32>
        %sub3A_1015 = arith.subf %min3A_1010, %max3A_1006 : vector<16xf32>
        %max3A_1016 = arith.constant 0.000000e+00 : f32
        %max3A_1017 = vector.broadcast %max3A_1016 : f32 to vector<16xf32>
        %max3A_1018 = arith.maximumf %sub3A_1015, %max3A_1017 : vector<16xf32>
        %mul3A_1019 = arith.mulf %max3A_1014, %max3A_1018 : vector<16xf32>
        %add3A_1020 = vector.broadcast %squeeze3A_288 : f32 to vector<16xf32>
        %add3A_1021 = arith.addf %add3A_1020, %get3A_1002 : vector<16xf32>
        %sub3A_1022 = arith.subf %add3A_1021, %mul3A_1019 : vector<16xf32>
        %add3A_1023 = arith.constant 9.99999971E-10 : f32
        %add3A_1024 = vector.broadcast %add3A_1023 : f32 to vector<16xf32>
        %add3A_1025 = arith.addf %sub3A_1022, %add3A_1024 : vector<16xf32>
        %div3A_1026 = arith.divf %mul3A_1019, %add3A_1025 : vector<16xf32>
        %max3A_1027 = vector.broadcast %squeeze3A_290 : f32 to vector<16xf32>
        %max3A_1028 = arith.maximumf %max3A_1027, %get3A_994 : vector<16xf32>
        %max3A_1029 = vector.broadcast %squeeze3A_292 : f32 to vector<16xf32>
        %max3A_1030 = arith.maximumf %max3A_1029, %get3A_996 : vector<16xf32>
        %min3A_1031 = vector.broadcast %squeeze3A_294 : f32 to vector<16xf32>
        %min3A_1032 = arith.minimumf %min3A_1031, %get3A_998 : vector<16xf32>
        %min3A_1033 = vector.broadcast %squeeze3A_296 : f32 to vector<16xf32>
        %min3A_1034 = arith.minimumf %min3A_1033, %get3A_1000 : vector<16xf32>
        %sub3A_1035 = arith.subf %min3A_1032, %max3A_1028 : vector<16xf32>
        %max3A_1036 = arith.constant 0.000000e+00 : f32
        %max3A_1037 = vector.broadcast %max3A_1036 : f32 to vector<16xf32>
        %max3A_1038 = arith.maximumf %sub3A_1035, %max3A_1037 : vector<16xf32>
        %sub3A_1039 = arith.subf %min3A_1034, %max3A_1030 : vector<16xf32>
        %max3A_1040 = arith.constant 0.000000e+00 : f32
        %max3A_1041 = vector.broadcast %max3A_1040 : f32 to vector<16xf32>
        %max3A_1042 = arith.maximumf %sub3A_1039, %max3A_1041 : vector<16xf32>
        %mul3A_1043 = arith.mulf %max3A_1038, %max3A_1042 : vector<16xf32>
        %add3A_1044 = vector.broadcast %squeeze3A_298 : f32 to vector<16xf32>
        %add3A_1045 = arith.addf %add3A_1044, %get3A_1002 : vector<16xf32>
        %sub3A_1046 = arith.subf %add3A_1045, %mul3A_1043 : vector<16xf32>
        %add3A_1047 = arith.constant 9.99999971E-10 : f32
        %add3A_1048 = vector.broadcast %add3A_1047 : f32 to vector<16xf32>
        %add3A_1049 = arith.addf %sub3A_1046, %add3A_1048 : vector<16xf32>
        %div3A_1050 = arith.divf %mul3A_1043, %add3A_1049 : vector<16xf32>
        %gt3A_1051 = arith.constant 5.000000e-01 : f32
        %gt3A_1052 = vector.broadcast %gt3A_1051 : f32 to vector<16xf32>
        %gt3A_1053 = arith.cmpf ogt, %div3A_1026, %gt3A_1052 : vector<16xf32>
        %gt3A_1054 = arith.constant 5.000000e-01 : f32
        %gt3A_1055 = vector.broadcast %gt3A_1054 : f32 to vector<16xf32>
        %gt3A_1056 = arith.cmpf ogt, %div3A_1050, %gt3A_1055 : vector<16xf32>
        %or3A_1057 = arith.ori %gt3A_1053, %gt3A_1056 : vector<16xi1>
        %get3A_1058 = arith.constant 128 : index
        %get3A_1059 = tpu.vector_load %arg12[%get3A_1058] {strides = array<i32>} : memref<320xf32, #tpu.memory_space<vmem>>, vector<16xf32>,
        %jit3A_1060 = arith.constant -1.000000e+09 : f32
        %broadcast_in_dim3A_1061 = vector.broadcast %jit3A_1060 : f32 to vector<16xf32>
        %select_n3A_1062 = arith.select %or3A_1057, %broadcast_in_dim3A_1061, %get3A_1059 : vector<16xi1>, vector<16xf32>
        %swap3A_1063 = arith.constant 128 : index
        %swap3A_1064 = tpu.vector_load %arg12[%swap3A_1063] {strides = array<i32>} : memref<320xf32, #tpu.memory_space<vmem>>, vector<16xf32>,
        tpu.vector_store %arg12[%swap3A_1063], %select_n3A_1062 {strides = array<i32>} : memref<320xf32, #tpu.memory_space<vmem>>, vector<16xf32>,
        %add3A_1065 = arith.constant 128 : i32
        %add3A_1066 = arith.addi %mul3A_2, %add3A_1065 : i32
        %add3A_1067 = vector.broadcast %add3A_1066 : i32 to vector<16xi32>
        %add3A_1068 = arith.addi %add3A_1067, %iota3A : vector<16xi32>
        %convert_element_type3A_1069 = arith.sitofp %add3A_1068 : vector<16xi32> to vector<16xf32>
        %gt3A_1070 = arith.cmpf ogt, %select_n3A_1062, %select_n3A_991 : vector<16xf32>
        %not3A_1071 = arith.constant dense<true> : vector<16xi1>
        %not3A_1072 = arith.xori %gt3A_1070, %not3A_1071 : vector<16xi1>
        %gt3A_1073 = arith.cmpf ogt, %select_n3A_1062, %select_n3A_988 : vector<16xf32>
        %and3A_1074 = arith.andi %not3A_1072, %gt3A_1073 : vector<16xi1>
        %select_n3A_1075 = arith.select %and3A_1074, %select_n3A_1062, %select_n3A_988 : vector<16xi1>, vector<16xf32>
        %select_n3A_1076 = arith.select %gt3A_1070, %select_n3A_991, %select_n3A_1075 : vector<16xi1>, vector<16xf32>
        %select_n3A_1077 = arith.select %and3A_1074, %convert_element_type3A_1069, %select_n3A_990 : vector<16xi1>, vector<16xf32>
        %select_n3A_1078 = arith.select %gt3A_1070, %select_n3A_992, %select_n3A_1077 : vector<16xi1>, vector<16xf32>
        %select_n3A_1079 = arith.select %gt3A_1070, %select_n3A_1062, %select_n3A_991 : vector<16xi1>, vector<16xf32>
        %select_n3A_1080 = arith.select %gt3A_1070, %convert_element_type3A_1069, %select_n3A_992 : vector<16xi1>, vector<16xf32>
        %get3A_1081 = arith.constant 144 : index
        %get3A_1082 = tpu.vector_load %arg8[%get3A_1081] {strides = array<i32>} : memref<320xf32, #tpu.memory_space<vmem>>, vector<16xf32>,
        %get3A_1083 = arith.constant 144 : index
        %get3A_1084 = tpu.vector_load %arg9[%get3A_1083] {strides = array<i32>} : memref<320xf32, #tpu.memory_space<vmem>>, vector<16xf32>,
        %get3A_1085 = arith.constant 144 : index
        %get3A_1086 = tpu.vector_load %arg10[%get3A_1085] {strides = array<i32>} : memref<320xf32, #tpu.memory_space<vmem>>, vector<16xf32>,
        %get3A_1087 = arith.constant 144 : index
        %get3A_1088 = tpu.vector_load %arg11[%get3A_1087] {strides = array<i32>} : memref<320xf32, #tpu.memory_space<vmem>>, vector<16xf32>,
        %get3A_1089 = arith.constant 144 : index
        %get3A_1090 = tpu.vector_load %arg13[%get3A_1089] {strides = array<i32>} : memref<320xf32, #tpu.memory_space<vmem>>, vector<16xf32>,
        %max3A_1091 = vector.broadcast %squeeze3A : f32 to vector<16xf32>
        %max3A_1092 = arith.maximumf %max3A_1091, %get3A_1082 : vector<16xf32>
        %max3A_1093 = vector.broadcast %squeeze3A_282 : f32 to vector<16xf32>
        %max3A_1094 = arith.maximumf %max3A_1093, %get3A_1084 : vector<16xf32>
        %min3A_1095 = vector.broadcast %squeeze3A_284 : f32 to vector<16xf32>
        %min3A_1096 = arith.minimumf %min3A_1095, %get3A_1086 : vector<16xf32>
        %min3A_1097 = vector.broadcast %squeeze3A_286 : f32 to vector<16xf32>
        %min3A_1098 = arith.minimumf %min3A_1097, %get3A_1088 : vector<16xf32>
        %sub3A_1099 = arith.subf %min3A_1096, %max3A_1092 : vector<16xf32>
        %max3A_1100 = arith.constant 0.000000e+00 : f32
        %max3A_1101 = vector.broadcast %max3A_1100 : f32 to vector<16xf32>
        %max3A_1102 = arith.maximumf %sub3A_1099, %max3A_1101 : vector<16xf32>
        %sub3A_1103 = arith.subf %min3A_1098, %max3A_1094 : vector<16xf32>
        %max3A_1104 = arith.constant 0.000000e+00 : f32
        %max3A_1105 = vector.broadcast %max3A_1104 : f32 to vector<16xf32>
        %max3A_1106 = arith.maximumf %sub3A_1103, %max3A_1105 : vector<16xf32>
        %mul3A_1107 = arith.mulf %max3A_1102, %max3A_1106 : vector<16xf32>
        %add3A_1108 = vector.broadcast %squeeze3A_288 : f32 to vector<16xf32>
        %add3A_1109 = arith.addf %add3A_1108, %get3A_1090 : vector<16xf32>
        %sub3A_1110 = arith.subf %add3A_1109, %mul3A_1107 : vector<16xf32>
        %add3A_1111 = arith.constant 9.99999971E-10 : f32
        %add3A_1112 = vector.broadcast %add3A_1111 : f32 to vector<16xf32>
        %add3A_1113 = arith.addf %sub3A_1110, %add3A_1112 : vector<16xf32>
        %div3A_1114 = arith.divf %mul3A_1107, %add3A_1113 : vector<16xf32>
        %max3A_1115 = vector.broadcast %squeeze3A_290 : f32 to vector<16xf32>
        %max3A_1116 = arith.maximumf %max3A_1115, %get3A_1082 : vector<16xf32>
        %max3A_1117 = vector.broadcast %squeeze3A_292 : f32 to vector<16xf32>
        %max3A_1118 = arith.maximumf %max3A_1117, %get3A_1084 : vector<16xf32>
        %min3A_1119 = vector.broadcast %squeeze3A_294 : f32 to vector<16xf32>
        %min3A_1120 = arith.minimumf %min3A_1119, %get3A_1086 : vector<16xf32>
        %min3A_1121 = vector.broadcast %squeeze3A_296 : f32 to vector<16xf32>
        %min3A_1122 = arith.minimumf %min3A_1121, %get3A_1088 : vector<16xf32>
        %sub3A_1123 = arith.subf %min3A_1120, %max3A_1116 : vector<16xf32>
        %max3A_1124 = arith.constant 0.000000e+00 : f32
        %max3A_1125 = vector.broadcast %max3A_1124 : f32 to vector<16xf32>
        %max3A_1126 = arith.maximumf %sub3A_1123, %max3A_1125 : vector<16xf32>
        %sub3A_1127 = arith.subf %min3A_1122, %max3A_1118 : vector<16xf32>
        %max3A_1128 = arith.constant 0.000000e+00 : f32
        %max3A_1129 = vector.broadcast %max3A_1128 : f32 to vector<16xf32>
        %max3A_1130 = arith.maximumf %sub3A_1127, %max3A_1129 : vector<16xf32>
        %mul3A_1131 = arith.mulf %max3A_1126, %max3A_1130 : vector<16xf32>
        %add3A_1132 = vector.broadcast %squeeze3A_298 : f32 to vector<16xf32>
        %add3A_1133 = arith.addf %add3A_1132, %get3A_1090 : vector<16xf32>
        %sub3A_1134 = arith.subf %add3A_1133, %mul3A_1131 : vector<16xf32>
        %add3A_1135 = arith.constant 9.99999971E-10 : f32
        %add3A_1136 = vector.broadcast %add3A_1135 : f32 to vector<16xf32>
        %add3A_1137 = arith.addf %sub3A_1134, %add3A_1136 : vector<16xf32>
        %div3A_1138 = arith.divf %mul3A_1131, %add3A_1137 : vector<16xf32>
        %gt3A_1139 = arith.constant 5.000000e-01 : f32
        %gt3A_1140 = vector.broadcast %gt3A_1139 : f32 to vector<16xf32>
        %gt3A_1141 = arith.cmpf ogt, %div3A_1114, %gt3A_1140 : vector<16xf32>
        %gt3A_1142 = arith.constant 5.000000e-01 : f32
        %gt3A_1143 = vector.broadcast %gt3A_1142 : f32 to vector<16xf32>
        %gt3A_1144 = arith.cmpf ogt, %div3A_1138, %gt3A_1143 : vector<16xf32>
        %or3A_1145 = arith.ori %gt3A_1141, %gt3A_1144 : vector<16xi1>
        %get3A_1146 = arith.constant 144 : index
        %get3A_1147 = tpu.vector_load %arg12[%get3A_1146] {strides = array<i32>} : memref<320xf32, #tpu.memory_space<vmem>>, vector<16xf32>,
        %jit3A_1148 = arith.constant -1.000000e+09 : f32
        %broadcast_in_dim3A_1149 = vector.broadcast %jit3A_1148 : f32 to vector<16xf32>
        %select_n3A_1150 = arith.select %or3A_1145, %broadcast_in_dim3A_1149, %get3A_1147 : vector<16xi1>, vector<16xf32>
        %swap3A_1151 = arith.constant 144 : index
        %swap3A_1152 = tpu.vector_load %arg12[%swap3A_1151] {strides = array<i32>} : memref<320xf32, #tpu.memory_space<vmem>>, vector<16xf32>,
        tpu.vector_store %arg12[%swap3A_1151], %select_n3A_1150 {strides = array<i32>} : memref<320xf32, #tpu.memory_space<vmem>>, vector<16xf32>,
        %add3A_1153 = arith.constant 144 : i32
        %add3A_1154 = arith.addi %mul3A_2, %add3A_1153 : i32
        %add3A_1155 = vector.broadcast %add3A_1154 : i32 to vector<16xi32>
        %add3A_1156 = arith.addi %add3A_1155, %iota3A : vector<16xi32>
        %convert_element_type3A_1157 = arith.sitofp %add3A_1156 : vector<16xi32> to vector<16xf32>
        %gt3A_1158 = arith.cmpf ogt, %select_n3A_1150, %select_n3A_1079 : vector<16xf32>
        %not3A_1159 = arith.constant dense<true> : vector<16xi1>
        %not3A_1160 = arith.xori %gt3A_1158, %not3A_1159 : vector<16xi1>
        %gt3A_1161 = arith.cmpf ogt, %select_n3A_1150, %select_n3A_1076 : vector<16xf32>
        %and3A_1162 = arith.andi %not3A_1160, %gt3A_1161 : vector<16xi1>
        %select_n3A_1163 = arith.select %and3A_1162, %select_n3A_1150, %select_n3A_1076 : vector<16xi1>, vector<16xf32>
        %select_n3A_1164 = arith.select %gt3A_1158, %select_n3A_1079, %select_n3A_1163 : vector<16xi1>, vector<16xf32>
        %select_n3A_1165 = arith.select %and3A_1162, %convert_element_type3A_1157, %select_n3A_1078 : vector<16xi1>, vector<16xf32>
        %select_n3A_1166 = arith.select %gt3A_1158, %select_n3A_1080, %select_n3A_1165 : vector<16xi1>, vector<16xf32>
        %select_n3A_1167 = arith.select %gt3A_1158, %select_n3A_1150, %select_n3A_1079 : vector<16xi1>, vector<16xf32>
        %select_n3A_1168 = arith.select %gt3A_1158, %convert_element_type3A_1157, %select_n3A_1080 : vector<16xi1>, vector<16xf32>
        %get3A_1169 = arith.constant 160 : index
        %get3A_1170 = tpu.vector_load %arg8[%get3A_1169] {strides = array<i32>} : memref<320xf32, #tpu.memory_space<vmem>>, vector<16xf32>,
        %get3A_1171 = arith.constant 160 : index
        %get3A_1172 = tpu.vector_load %arg9[%get3A_1171] {strides = array<i32>} : memref<320xf32, #tpu.memory_space<vmem>>, vector<16xf32>,
        %get3A_1173 = arith.constant 160 : index
        %get3A_1174 = tpu.vector_load %arg10[%get3A_1173] {strides = array<i32>} : memref<320xf32, #tpu.memory_space<vmem>>, vector<16xf32>,
        %get3A_1175 = arith.constant 160 : index
        %get3A_1176 = tpu.vector_load %arg11[%get3A_1175] {strides = array<i32>} : memref<320xf32, #tpu.memory_space<vmem>>, vector<16xf32>,
        %get3A_1177 = arith.constant 160 : index
        %get3A_1178 = tpu.vector_load %arg13[%get3A_1177] {strides = array<i32>} : memref<320xf32, #tpu.memory_space<vmem>>, vector<16xf32>,
        %max3A_1179 = vector.broadcast %squeeze3A : f32 to vector<16xf32>
        %max3A_1180 = arith.maximumf %max3A_1179, %get3A_1170 : vector<16xf32>
        %max3A_1181 = vector.broadcast %squeeze3A_282 : f32 to vector<16xf32>
        %max3A_1182 = arith.maximumf %max3A_1181, %get3A_1172 : vector<16xf32>
        %min3A_1183 = vector.broadcast %squeeze3A_284 : f32 to vector<16xf32>
        %min3A_1184 = arith.minimumf %min3A_1183, %get3A_1174 : vector<16xf32>
        %min3A_1185 = vector.broadcast %squeeze3A_286 : f32 to vector<16xf32>
        %min3A_1186 = arith.minimumf %min3A_1185, %get3A_1176 : vector<16xf32>
        %sub3A_1187 = arith.subf %min3A_1184, %max3A_1180 : vector<16xf32>
        %max3A_1188 = arith.constant 0.000000e+00 : f32
        %max3A_1189 = vector.broadcast %max3A_1188 : f32 to vector<16xf32>
        %max3A_1190 = arith.maximumf %sub3A_1187, %max3A_1189 : vector<16xf32>
        %sub3A_1191 = arith.subf %min3A_1186, %max3A_1182 : vector<16xf32>
        %max3A_1192 = arith.constant 0.000000e+00 : f32
        %max3A_1193 = vector.broadcast %max3A_1192 : f32 to vector<16xf32>
        %max3A_1194 = arith.maximumf %sub3A_1191, %max3A_1193 : vector<16xf32>
        %mul3A_1195 = arith.mulf %max3A_1190, %max3A_1194 : vector<16xf32>
        %add3A_1196 = vector.broadcast %squeeze3A_288 : f32 to vector<16xf32>
        %add3A_1197 = arith.addf %add3A_1196, %get3A_1178 : vector<16xf32>
        %sub3A_1198 = arith.subf %add3A_1197, %mul3A_1195 : vector<16xf32>
        %add3A_1199 = arith.constant 9.99999971E-10 : f32
        %add3A_1200 = vector.broadcast %add3A_1199 : f32 to vector<16xf32>
        %add3A_1201 = arith.addf %sub3A_1198, %add3A_1200 : vector<16xf32>
        %div3A_1202 = arith.divf %mul3A_1195, %add3A_1201 : vector<16xf32>
        %max3A_1203 = vector.broadcast %squeeze3A_290 : f32 to vector<16xf32>
        %max3A_1204 = arith.maximumf %max3A_1203, %get3A_1170 : vector<16xf32>
        %max3A_1205 = vector.broadcast %squeeze3A_292 : f32 to vector<16xf32>
        %max3A_1206 = arith.maximumf %max3A_1205, %get3A_1172 : vector<16xf32>
        %min3A_1207 = vector.broadcast %squeeze3A_294 : f32 to vector<16xf32>
        %min3A_1208 = arith.minimumf %min3A_1207, %get3A_1174 : vector<16xf32>
        %min3A_1209 = vector.broadcast %squeeze3A_296 : f32 to vector<16xf32>
        %min3A_1210 = arith.minimumf %min3A_1209, %get3A_1176 : vector<16xf32>
        %sub3A_1211 = arith.subf %min3A_1208, %max3A_1204 : vector<16xf32>
        %max3A_1212 = arith.constant 0.000000e+00 : f32
        %max3A_1213 = vector.broadcast %max3A_1212 : f32 to vector<16xf32>
        %max3A_1214 = arith.maximumf %sub3A_1211, %max3A_1213 : vector<16xf32>
        %sub3A_1215 = arith.subf %min3A_1210, %max3A_1206 : vector<16xf32>
        %max3A_1216 = arith.constant 0.000000e+00 : f32
        %max3A_1217 = vector.broadcast %max3A_1216 : f32 to vector<16xf32>
        %max3A_1218 = arith.maximumf %sub3A_1215, %max3A_1217 : vector<16xf32>
        %mul3A_1219 = arith.mulf %max3A_1214, %max3A_1218 : vector<16xf32>
        %add3A_1220 = vector.broadcast %squeeze3A_298 : f32 to vector<16xf32>
        %add3A_1221 = arith.addf %add3A_1220, %get3A_1178 : vector<16xf32>
        %sub3A_1222 = arith.subf %add3A_1221, %mul3A_1219 : vector<16xf32>
        %add3A_1223 = arith.constant 9.99999971E-10 : f32
        %add3A_1224 = vector.broadcast %add3A_1223 : f32 to vector<16xf32>
        %add3A_1225 = arith.addf %sub3A_1222, %add3A_1224 : vector<16xf32>
        %div3A_1226 = arith.divf %mul3A_1219, %add3A_1225 : vector<16xf32>
        %gt3A_1227 = arith.constant 5.000000e-01 : f32
        %gt3A_1228 = vector.broadcast %gt3A_1227 : f32 to vector<16xf32>
        %gt3A_1229 = arith.cmpf ogt, %div3A_1202, %gt3A_1228 : vector<16xf32>
        %gt3A_1230 = arith.constant 5.000000e-01 : f32
        %gt3A_1231 = vector.broadcast %gt3A_1230 : f32 to vector<16xf32>
        %gt3A_1232 = arith.cmpf ogt, %div3A_1226, %gt3A_1231 : vector<16xf32>
        %or3A_1233 = arith.ori %gt3A_1229, %gt3A_1232 : vector<16xi1>
        %get3A_1234 = arith.constant 160 : index
        %get3A_1235 = tpu.vector_load %arg12[%get3A_1234] {strides = array<i32>} : memref<320xf32, #tpu.memory_space<vmem>>, vector<16xf32>,
        %jit3A_1236 = arith.constant -1.000000e+09 : f32
        %broadcast_in_dim3A_1237 = vector.broadcast %jit3A_1236 : f32 to vector<16xf32>
        %select_n3A_1238 = arith.select %or3A_1233, %broadcast_in_dim3A_1237, %get3A_1235 : vector<16xi1>, vector<16xf32>
        %swap3A_1239 = arith.constant 160 : index
        %swap3A_1240 = tpu.vector_load %arg12[%swap3A_1239] {strides = array<i32>} : memref<320xf32, #tpu.memory_space<vmem>>, vector<16xf32>,
        tpu.vector_store %arg12[%swap3A_1239], %select_n3A_1238 {strides = array<i32>} : memref<320xf32, #tpu.memory_space<vmem>>, vector<16xf32>,
        %add3A_1241 = arith.constant 160 : i32
        %add3A_1242 = arith.addi %mul3A_2, %add3A_1241 : i32
        %add3A_1243 = vector.broadcast %add3A_1242 : i32 to vector<16xi32>
        %add3A_1244 = arith.addi %add3A_1243, %iota3A : vector<16xi32>
        %convert_element_type3A_1245 = arith.sitofp %add3A_1244 : vector<16xi32> to vector<16xf32>
        %gt3A_1246 = arith.cmpf ogt, %select_n3A_1238, %select_n3A_1167 : vector<16xf32>
        %not3A_1247 = arith.constant dense<true> : vector<16xi1>
        %not3A_1248 = arith.xori %gt3A_1246, %not3A_1247 : vector<16xi1>
        %gt3A_1249 = arith.cmpf ogt, %select_n3A_1238, %select_n3A_1164 : vector<16xf32>
        %and3A_1250 = arith.andi %not3A_1248, %gt3A_1249 : vector<16xi1>
        %select_n3A_1251 = arith.select %and3A_1250, %select_n3A_1238, %select_n3A_1164 : vector<16xi1>, vector<16xf32>
        %select_n3A_1252 = arith.select %gt3A_1246, %select_n3A_1167, %select_n3A_1251 : vector<16xi1>, vector<16xf32>
        %select_n3A_1253 = arith.select %and3A_1250, %convert_element_type3A_1245, %select_n3A_1166 : vector<16xi1>, vector<16xf32>
        %select_n3A_1254 = arith.select %gt3A_1246, %select_n3A_1168, %select_n3A_1253 : vector<16xi1>, vector<16xf32>
        %select_n3A_1255 = arith.select %gt3A_1246, %select_n3A_1238, %select_n3A_1167 : vector<16xi1>, vector<16xf32>
        %select_n3A_1256 = arith.select %gt3A_1246, %convert_element_type3A_1245, %select_n3A_1168 : vector<16xi1>, vector<16xf32>
        %get3A_1257 = arith.constant 176 : index
        %get3A_1258 = tpu.vector_load %arg8[%get3A_1257] {strides = array<i32>} : memref<320xf32, #tpu.memory_space<vmem>>, vector<16xf32>,
        %get3A_1259 = arith.constant 176 : index
        %get3A_1260 = tpu.vector_load %arg9[%get3A_1259] {strides = array<i32>} : memref<320xf32, #tpu.memory_space<vmem>>, vector<16xf32>,
        %get3A_1261 = arith.constant 176 : index
        %get3A_1262 = tpu.vector_load %arg10[%get3A_1261] {strides = array<i32>} : memref<320xf32, #tpu.memory_space<vmem>>, vector<16xf32>,
        %get3A_1263 = arith.constant 176 : index
        %get3A_1264 = tpu.vector_load %arg11[%get3A_1263] {strides = array<i32>} : memref<320xf32, #tpu.memory_space<vmem>>, vector<16xf32>,
        %get3A_1265 = arith.constant 176 : index
        %get3A_1266 = tpu.vector_load %arg13[%get3A_1265] {strides = array<i32>} : memref<320xf32, #tpu.memory_space<vmem>>, vector<16xf32>,
        %max3A_1267 = vector.broadcast %squeeze3A : f32 to vector<16xf32>
        %max3A_1268 = arith.maximumf %max3A_1267, %get3A_1258 : vector<16xf32>
        %max3A_1269 = vector.broadcast %squeeze3A_282 : f32 to vector<16xf32>
        %max3A_1270 = arith.maximumf %max3A_1269, %get3A_1260 : vector<16xf32>
        %min3A_1271 = vector.broadcast %squeeze3A_284 : f32 to vector<16xf32>
        %min3A_1272 = arith.minimumf %min3A_1271, %get3A_1262 : vector<16xf32>
        %min3A_1273 = vector.broadcast %squeeze3A_286 : f32 to vector<16xf32>
        %min3A_1274 = arith.minimumf %min3A_1273, %get3A_1264 : vector<16xf32>
        %sub3A_1275 = arith.subf %min3A_1272, %max3A_1268 : vector<16xf32>
        %max3A_1276 = arith.constant 0.000000e+00 : f32
        %max3A_1277 = vector.broadcast %max3A_1276 : f32 to vector<16xf32>
        %max3A_1278 = arith.maximumf %sub3A_1275, %max3A_1277 : vector<16xf32>
        %sub3A_1279 = arith.subf %min3A_1274, %max3A_1270 : vector<16xf32>
        %max3A_1280 = arith.constant 0.000000e+00 : f32
        %max3A_1281 = vector.broadcast %max3A_1280 : f32 to vector<16xf32>
        %max3A_1282 = arith.maximumf %sub3A_1279, %max3A_1281 : vector<16xf32>
        %mul3A_1283 = arith.mulf %max3A_1278, %max3A_1282 : vector<16xf32>
        %add3A_1284 = vector.broadcast %squeeze3A_288 : f32 to vector<16xf32>
        %add3A_1285 = arith.addf %add3A_1284, %get3A_1266 : vector<16xf32>
        %sub3A_1286 = arith.subf %add3A_1285, %mul3A_1283 : vector<16xf32>
        %add3A_1287 = arith.constant 9.99999971E-10 : f32
        %add3A_1288 = vector.broadcast %add3A_1287 : f32 to vector<16xf32>
        %add3A_1289 = arith.addf %sub3A_1286, %add3A_1288 : vector<16xf32>
        %div3A_1290 = arith.divf %mul3A_1283, %add3A_1289 : vector<16xf32>
        %max3A_1291 = vector.broadcast %squeeze3A_290 : f32 to vector<16xf32>
        %max3A_1292 = arith.maximumf %max3A_1291, %get3A_1258 : vector<16xf32>
        %max3A_1293 = vector.broadcast %squeeze3A_292 : f32 to vector<16xf32>
        %max3A_1294 = arith.maximumf %max3A_1293, %get3A_1260 : vector<16xf32>
        %min3A_1295 = vector.broadcast %squeeze3A_294 : f32 to vector<16xf32>
        %min3A_1296 = arith.minimumf %min3A_1295, %get3A_1262 : vector<16xf32>
        %min3A_1297 = vector.broadcast %squeeze3A_296 : f32 to vector<16xf32>
        %min3A_1298 = arith.minimumf %min3A_1297, %get3A_1264 : vector<16xf32>
        %sub3A_1299 = arith.subf %min3A_1296, %max3A_1292 : vector<16xf32>
        %max3A_1300 = arith.constant 0.000000e+00 : f32
        %max3A_1301 = vector.broadcast %max3A_1300 : f32 to vector<16xf32>
        %max3A_1302 = arith.maximumf %sub3A_1299, %max3A_1301 : vector<16xf32>
        %sub3A_1303 = arith.subf %min3A_1298, %max3A_1294 : vector<16xf32>
        %max3A_1304 = arith.constant 0.000000e+00 : f32
        %max3A_1305 = vector.broadcast %max3A_1304 : f32 to vector<16xf32>
        %max3A_1306 = arith.maximumf %sub3A_1303, %max3A_1305 : vector<16xf32>
        %mul3A_1307 = arith.mulf %max3A_1302, %max3A_1306 : vector<16xf32>
        %add3A_1308 = vector.broadcast %squeeze3A_298 : f32 to vector<16xf32>
        %add3A_1309 = arith.addf %add3A_1308, %get3A_1266 : vector<16xf32>
        %sub3A_1310 = arith.subf %add3A_1309, %mul3A_1307 : vector<16xf32>
        %add3A_1311 = arith.constant 9.99999971E-10 : f32
        %add3A_1312 = vector.broadcast %add3A_1311 : f32 to vector<16xf32>
        %add3A_1313 = arith.addf %sub3A_1310, %add3A_1312 : vector<16xf32>
        %div3A_1314 = arith.divf %mul3A_1307, %add3A_1313 : vector<16xf32>
        %gt3A_1315 = arith.constant 5.000000e-01 : f32
        %gt3A_1316 = vector.broadcast %gt3A_1315 : f32 to vector<16xf32>
        %gt3A_1317 = arith.cmpf ogt, %div3A_1290, %gt3A_1316 : vector<16xf32>
        %gt3A_1318 = arith.constant 5.000000e-01 : f32
        %gt3A_1319 = vector.broadcast %gt3A_1318 : f32 to vector<16xf32>
        %gt3A_1320 = arith.cmpf ogt, %div3A_1314, %gt3A_1319 : vector<16xf32>
        %or3A_1321 = arith.ori %gt3A_1317, %gt3A_1320 : vector<16xi1>
        %get3A_1322 = arith.constant 176 : index
        %get3A_1323 = tpu.vector_load %arg12[%get3A_1322] {strides = array<i32>} : memref<320xf32, #tpu.memory_space<vmem>>, vector<16xf32>,
        %jit3A_1324 = arith.constant -1.000000e+09 : f32
        %broadcast_in_dim3A_1325 = vector.broadcast %jit3A_1324 : f32 to vector<16xf32>
        %select_n3A_1326 = arith.select %or3A_1321, %broadcast_in_dim3A_1325, %get3A_1323 : vector<16xi1>, vector<16xf32>
        %swap3A_1327 = arith.constant 176 : index
        %swap3A_1328 = tpu.vector_load %arg12[%swap3A_1327] {strides = array<i32>} : memref<320xf32, #tpu.memory_space<vmem>>, vector<16xf32>,
        tpu.vector_store %arg12[%swap3A_1327], %select_n3A_1326 {strides = array<i32>} : memref<320xf32, #tpu.memory_space<vmem>>, vector<16xf32>,
        %add3A_1329 = arith.constant 176 : i32
        %add3A_1330 = arith.addi %mul3A_2, %add3A_1329 : i32
        %add3A_1331 = vector.broadcast %add3A_1330 : i32 to vector<16xi32>
        %add3A_1332 = arith.addi %add3A_1331, %iota3A : vector<16xi32>
        %convert_element_type3A_1333 = arith.sitofp %add3A_1332 : vector<16xi32> to vector<16xf32>
        %gt3A_1334 = arith.cmpf ogt, %select_n3A_1326, %select_n3A_1255 : vector<16xf32>
        %not3A_1335 = arith.constant dense<true> : vector<16xi1>
        %not3A_1336 = arith.xori %gt3A_1334, %not3A_1335 : vector<16xi1>
        %gt3A_1337 = arith.cmpf ogt, %select_n3A_1326, %select_n3A_1252 : vector<16xf32>
        %and3A_1338 = arith.andi %not3A_1336, %gt3A_1337 : vector<16xi1>
        %select_n3A_1339 = arith.select %and3A_1338, %select_n3A_1326, %select_n3A_1252 : vector<16xi1>, vector<16xf32>
        %select_n3A_1340 = arith.select %gt3A_1334, %select_n3A_1255, %select_n3A_1339 : vector<16xi1>, vector<16xf32>
        %select_n3A_1341 = arith.select %and3A_1338, %convert_element_type3A_1333, %select_n3A_1254 : vector<16xi1>, vector<16xf32>
        %select_n3A_1342 = arith.select %gt3A_1334, %select_n3A_1256, %select_n3A_1341 : vector<16xi1>, vector<16xf32>
        %select_n3A_1343 = arith.select %gt3A_1334, %select_n3A_1326, %select_n3A_1255 : vector<16xi1>, vector<16xf32>
        %select_n3A_1344 = arith.select %gt3A_1334, %convert_element_type3A_1333, %select_n3A_1256 : vector<16xi1>, vector<16xf32>
        %get3A_1345 = arith.constant 192 : index
        %get3A_1346 = tpu.vector_load %arg8[%get3A_1345] {strides = array<i32>} : memref<320xf32, #tpu.memory_space<vmem>>, vector<16xf32>,
        %get3A_1347 = arith.constant 192 : index
        %get3A_1348 = tpu.vector_load %arg9[%get3A_1347] {strides = array<i32>} : memref<320xf32, #tpu.memory_space<vmem>>, vector<16xf32>,
        %get3A_1349 = arith.constant 192 : index
        %get3A_1350 = tpu.vector_load %arg10[%get3A_1349] {strides = array<i32>} : memref<320xf32, #tpu.memory_space<vmem>>, vector<16xf32>,
        %get3A_1351 = arith.constant 192 : index
        %get3A_1352 = tpu.vector_load %arg11[%get3A_1351] {strides = array<i32>} : memref<320xf32, #tpu.memory_space<vmem>>, vector<16xf32>,
        %get3A_1353 = arith.constant 192 : index
        %get3A_1354 = tpu.vector_load %arg13[%get3A_1353] {strides = array<i32>} : memref<320xf32, #tpu.memory_space<vmem>>, vector<16xf32>,
        %max3A_1355 = vector.broadcast %squeeze3A : f32 to vector<16xf32>
        %max3A_1356 = arith.maximumf %max3A_1355, %get3A_1346 : vector<16xf32>
        %max3A_1357 = vector.broadcast %squeeze3A_282 : f32 to vector<16xf32>
        %max3A_1358 = arith.maximumf %max3A_1357, %get3A_1348 : vector<16xf32>
        %min3A_1359 = vector.broadcast %squeeze3A_284 : f32 to vector<16xf32>
        %min3A_1360 = arith.minimumf %min3A_1359, %get3A_1350 : vector<16xf32>
        %min3A_1361 = vector.broadcast %squeeze3A_286 : f32 to vector<16xf32>
        %min3A_1362 = arith.minimumf %min3A_1361, %get3A_1352 : vector<16xf32>
        %sub3A_1363 = arith.subf %min3A_1360, %max3A_1356 : vector<16xf32>
        %max3A_1364 = arith.constant 0.000000e+00 : f32
        %max3A_1365 = vector.broadcast %max3A_1364 : f32 to vector<16xf32>
        %max3A_1366 = arith.maximumf %sub3A_1363, %max3A_1365 : vector<16xf32>
        %sub3A_1367 = arith.subf %min3A_1362, %max3A_1358 : vector<16xf32>
        %max3A_1368 = arith.constant 0.000000e+00 : f32
        %max3A_1369 = vector.broadcast %max3A_1368 : f32 to vector<16xf32>
        %max3A_1370 = arith.maximumf %sub3A_1367, %max3A_1369 : vector<16xf32>
        %mul3A_1371 = arith.mulf %max3A_1366, %max3A_1370 : vector<16xf32>
        %add3A_1372 = vector.broadcast %squeeze3A_288 : f32 to vector<16xf32>
        %add3A_1373 = arith.addf %add3A_1372, %get3A_1354 : vector<16xf32>
        %sub3A_1374 = arith.subf %add3A_1373, %mul3A_1371 : vector<16xf32>
        %add3A_1375 = arith.constant 9.99999971E-10 : f32
        %add3A_1376 = vector.broadcast %add3A_1375 : f32 to vector<16xf32>
        %add3A_1377 = arith.addf %sub3A_1374, %add3A_1376 : vector<16xf32>
        %div3A_1378 = arith.divf %mul3A_1371, %add3A_1377 : vector<16xf32>
        %max3A_1379 = vector.broadcast %squeeze3A_290 : f32 to vector<16xf32>
        %max3A_1380 = arith.maximumf %max3A_1379, %get3A_1346 : vector<16xf32>
        %max3A_1381 = vector.broadcast %squeeze3A_292 : f32 to vector<16xf32>
        %max3A_1382 = arith.maximumf %max3A_1381, %get3A_1348 : vector<16xf32>
        %min3A_1383 = vector.broadcast %squeeze3A_294 : f32 to vector<16xf32>
        %min3A_1384 = arith.minimumf %min3A_1383, %get3A_1350 : vector<16xf32>
        %min3A_1385 = vector.broadcast %squeeze3A_296 : f32 to vector<16xf32>
        %min3A_1386 = arith.minimumf %min3A_1385, %get3A_1352 : vector<16xf32>
        %sub3A_1387 = arith.subf %min3A_1384, %max3A_1380 : vector<16xf32>
        %max3A_1388 = arith.constant 0.000000e+00 : f32
        %max3A_1389 = vector.broadcast %max3A_1388 : f32 to vector<16xf32>
        %max3A_1390 = arith.maximumf %sub3A_1387, %max3A_1389 : vector<16xf32>
        %sub3A_1391 = arith.subf %min3A_1386, %max3A_1382 : vector<16xf32>
        %max3A_1392 = arith.constant 0.000000e+00 : f32
        %max3A_1393 = vector.broadcast %max3A_1392 : f32 to vector<16xf32>
        %max3A_1394 = arith.maximumf %sub3A_1391, %max3A_1393 : vector<16xf32>
        %mul3A_1395 = arith.mulf %max3A_1390, %max3A_1394 : vector<16xf32>
        %add3A_1396 = vector.broadcast %squeeze3A_298 : f32 to vector<16xf32>
        %add3A_1397 = arith.addf %add3A_1396, %get3A_1354 : vector<16xf32>
        %sub3A_1398 = arith.subf %add3A_1397, %mul3A_1395 : vector<16xf32>
        %add3A_1399 = arith.constant 9.99999971E-10 : f32
        %add3A_1400 = vector.broadcast %add3A_1399 : f32 to vector<16xf32>
        %add3A_1401 = arith.addf %sub3A_1398, %add3A_1400 : vector<16xf32>
        %div3A_1402 = arith.divf %mul3A_1395, %add3A_1401 : vector<16xf32>
        %gt3A_1403 = arith.constant 5.000000e-01 : f32
        %gt3A_1404 = vector.broadcast %gt3A_1403 : f32 to vector<16xf32>
        %gt3A_1405 = arith.cmpf ogt, %div3A_1378, %gt3A_1404 : vector<16xf32>
        %gt3A_1406 = arith.constant 5.000000e-01 : f32
        %gt3A_1407 = vector.broadcast %gt3A_1406 : f32 to vector<16xf32>
        %gt3A_1408 = arith.cmpf ogt, %div3A_1402, %gt3A_1407 : vector<16xf32>
        %or3A_1409 = arith.ori %gt3A_1405, %gt3A_1408 : vector<16xi1>
        %get3A_1410 = arith.constant 192 : index
        %get3A_1411 = tpu.vector_load %arg12[%get3A_1410] {strides = array<i32>} : memref<320xf32, #tpu.memory_space<vmem>>, vector<16xf32>,
        %jit3A_1412 = arith.constant -1.000000e+09 : f32
        %broadcast_in_dim3A_1413 = vector.broadcast %jit3A_1412 : f32 to vector<16xf32>
        %select_n3A_1414 = arith.select %or3A_1409, %broadcast_in_dim3A_1413, %get3A_1411 : vector<16xi1>, vector<16xf32>
        %swap3A_1415 = arith.constant 192 : index
        %swap3A_1416 = tpu.vector_load %arg12[%swap3A_1415] {strides = array<i32>} : memref<320xf32, #tpu.memory_space<vmem>>, vector<16xf32>,
        tpu.vector_store %arg12[%swap3A_1415], %select_n3A_1414 {strides = array<i32>} : memref<320xf32, #tpu.memory_space<vmem>>, vector<16xf32>,
        %add3A_1417 = arith.constant 192 : i32
        %add3A_1418 = arith.addi %mul3A_2, %add3A_1417 : i32
        %add3A_1419 = vector.broadcast %add3A_1418 : i32 to vector<16xi32>
        %add3A_1420 = arith.addi %add3A_1419, %iota3A : vector<16xi32>
        %convert_element_type3A_1421 = arith.sitofp %add3A_1420 : vector<16xi32> to vector<16xf32>
        %gt3A_1422 = arith.cmpf ogt, %select_n3A_1414, %select_n3A_1343 : vector<16xf32>
        %not3A_1423 = arith.constant dense<true> : vector<16xi1>
        %not3A_1424 = arith.xori %gt3A_1422, %not3A_1423 : vector<16xi1>
        %gt3A_1425 = arith.cmpf ogt, %select_n3A_1414, %select_n3A_1340 : vector<16xf32>
        %and3A_1426 = arith.andi %not3A_1424, %gt3A_1425 : vector<16xi1>
        %select_n3A_1427 = arith.select %and3A_1426, %select_n3A_1414, %select_n3A_1340 : vector<16xi1>, vector<16xf32>
        %select_n3A_1428 = arith.select %gt3A_1422, %select_n3A_1343, %select_n3A_1427 : vector<16xi1>, vector<16xf32>
        %select_n3A_1429 = arith.select %and3A_1426, %convert_element_type3A_1421, %select_n3A_1342 : vector<16xi1>, vector<16xf32>
        %select_n3A_1430 = arith.select %gt3A_1422, %select_n3A_1344, %select_n3A_1429 : vector<16xi1>, vector<16xf32>
        %select_n3A_1431 = arith.select %gt3A_1422, %select_n3A_1414, %select_n3A_1343 : vector<16xi1>, vector<16xf32>
        %select_n3A_1432 = arith.select %gt3A_1422, %convert_element_type3A_1421, %select_n3A_1344 : vector<16xi1>, vector<16xf32>
        %get3A_1433 = arith.constant 208 : index
        %get3A_1434 = tpu.vector_load %arg8[%get3A_1433] {strides = array<i32>} : memref<320xf32, #tpu.memory_space<vmem>>, vector<16xf32>,
        %get3A_1435 = arith.constant 208 : index
        %get3A_1436 = tpu.vector_load %arg9[%get3A_1435] {strides = array<i32>} : memref<320xf32, #tpu.memory_space<vmem>>, vector<16xf32>,
        %get3A_1437 = arith.constant 208 : index
        %get3A_1438 = tpu.vector_load %arg10[%get3A_1437] {strides = array<i32>} : memref<320xf32, #tpu.memory_space<vmem>>, vector<16xf32>,
        %get3A_1439 = arith.constant 208 : index
        %get3A_1440 = tpu.vector_load %arg11[%get3A_1439] {strides = array<i32>} : memref<320xf32, #tpu.memory_space<vmem>>, vector<16xf32>,
        %get3A_1441 = arith.constant 208 : index
        %get3A_1442 = tpu.vector_load %arg13[%get3A_1441] {strides = array<i32>} : memref<320xf32, #tpu.memory_space<vmem>>, vector<16xf32>,
        %max3A_1443 = vector.broadcast %squeeze3A : f32 to vector<16xf32>
        %max3A_1444 = arith.maximumf %max3A_1443, %get3A_1434 : vector<16xf32>
        %max3A_1445 = vector.broadcast %squeeze3A_282 : f32 to vector<16xf32>
        %max3A_1446 = arith.maximumf %max3A_1445, %get3A_1436 : vector<16xf32>
        %min3A_1447 = vector.broadcast %squeeze3A_284 : f32 to vector<16xf32>
        %min3A_1448 = arith.minimumf %min3A_1447, %get3A_1438 : vector<16xf32>
        %min3A_1449 = vector.broadcast %squeeze3A_286 : f32 to vector<16xf32>
        %min3A_1450 = arith.minimumf %min3A_1449, %get3A_1440 : vector<16xf32>
        %sub3A_1451 = arith.subf %min3A_1448, %max3A_1444 : vector<16xf32>
        %max3A_1452 = arith.constant 0.000000e+00 : f32
        %max3A_1453 = vector.broadcast %max3A_1452 : f32 to vector<16xf32>
        %max3A_1454 = arith.maximumf %sub3A_1451, %max3A_1453 : vector<16xf32>
        %sub3A_1455 = arith.subf %min3A_1450, %max3A_1446 : vector<16xf32>
        %max3A_1456 = arith.constant 0.000000e+00 : f32
        %max3A_1457 = vector.broadcast %max3A_1456 : f32 to vector<16xf32>
        %max3A_1458 = arith.maximumf %sub3A_1455, %max3A_1457 : vector<16xf32>
        %mul3A_1459 = arith.mulf %max3A_1454, %max3A_1458 : vector<16xf32>
        %add3A_1460 = vector.broadcast %squeeze3A_288 : f32 to vector<16xf32>
        %add3A_1461 = arith.addf %add3A_1460, %get3A_1442 : vector<16xf32>
        %sub3A_1462 = arith.subf %add3A_1461, %mul3A_1459 : vector<16xf32>
        %add3A_1463 = arith.constant 9.99999971E-10 : f32
        %add3A_1464 = vector.broadcast %add3A_1463 : f32 to vector<16xf32>
        %add3A_1465 = arith.addf %sub3A_1462, %add3A_1464 : vector<16xf32>
        %div3A_1466 = arith.divf %mul3A_1459, %add3A_1465 : vector<16xf32>
        %max3A_1467 = vector.broadcast %squeeze3A_290 : f32 to vector<16xf32>
        %max3A_1468 = arith.maximumf %max3A_1467, %get3A_1434 : vector<16xf32>
        %max3A_1469 = vector.broadcast %squeeze3A_292 : f32 to vector<16xf32>
        %max3A_1470 = arith.maximumf %max3A_1469, %get3A_1436 : vector<16xf32>
        %min3A_1471 = vector.broadcast %squeeze3A_294 : f32 to vector<16xf32>
        %min3A_1472 = arith.minimumf %min3A_1471, %get3A_1438 : vector<16xf32>
        %min3A_1473 = vector.broadcast %squeeze3A_296 : f32 to vector<16xf32>
        %min3A_1474 = arith.minimumf %min3A_1473, %get3A_1440 : vector<16xf32>
        %sub3A_1475 = arith.subf %min3A_1472, %max3A_1468 : vector<16xf32>
        %max3A_1476 = arith.constant 0.000000e+00 : f32
        %max3A_1477 = vector.broadcast %max3A_1476 : f32 to vector<16xf32>
        %max3A_1478 = arith.maximumf %sub3A_1475, %max3A_1477 : vector<16xf32>
        %sub3A_1479 = arith.subf %min3A_1474, %max3A_1470 : vector<16xf32>
        %max3A_1480 = arith.constant 0.000000e+00 : f32
        %max3A_1481 = vector.broadcast %max3A_1480 : f32 to vector<16xf32>
        %max3A_1482 = arith.maximumf %sub3A_1479, %max3A_1481 : vector<16xf32>
        %mul3A_1483 = arith.mulf %max3A_1478, %max3A_1482 : vector<16xf32>
        %add3A_1484 = vector.broadcast %squeeze3A_298 : f32 to vector<16xf32>
        %add3A_1485 = arith.addf %add3A_1484, %get3A_1442 : vector<16xf32>
        %sub3A_1486 = arith.subf %add3A_1485, %mul3A_1483 : vector<16xf32>
        %add3A_1487 = arith.constant 9.99999971E-10 : f32
        %add3A_1488 = vector.broadcast %add3A_1487 : f32 to vector<16xf32>
        %add3A_1489 = arith.addf %sub3A_1486, %add3A_1488 : vector<16xf32>
        %div3A_1490 = arith.divf %mul3A_1483, %add3A_1489 : vector<16xf32>
        %gt3A_1491 = arith.constant 5.000000e-01 : f32
        %gt3A_1492 = vector.broadcast %gt3A_1491 : f32 to vector<16xf32>
        %gt3A_1493 = arith.cmpf ogt, %div3A_1466, %gt3A_1492 : vector<16xf32>
        %gt3A_1494 = arith.constant 5.000000e-01 : f32
        %gt3A_1495 = vector.broadcast %gt3A_1494 : f32 to vector<16xf32>
        %gt3A_1496 = arith.cmpf ogt, %div3A_1490, %gt3A_1495 : vector<16xf32>
        %or3A_1497 = arith.ori %gt3A_1493, %gt3A_1496 : vector<16xi1>
        %get3A_1498 = arith.constant 208 : index
        %get3A_1499 = tpu.vector_load %arg12[%get3A_1498] {strides = array<i32>} : memref<320xf32, #tpu.memory_space<vmem>>, vector<16xf32>,
        %jit3A_1500 = arith.constant -1.000000e+09 : f32
        %broadcast_in_dim3A_1501 = vector.broadcast %jit3A_1500 : f32 to vector<16xf32>
        %select_n3A_1502 = arith.select %or3A_1497, %broadcast_in_dim3A_1501, %get3A_1499 : vector<16xi1>, vector<16xf32>
        %swap3A_1503 = arith.constant 208 : index
        %swap3A_1504 = tpu.vector_load %arg12[%swap3A_1503] {strides = array<i32>} : memref<320xf32, #tpu.memory_space<vmem>>, vector<16xf32>,
        tpu.vector_store %arg12[%swap3A_1503], %select_n3A_1502 {strides = array<i32>} : memref<320xf32, #tpu.memory_space<vmem>>, vector<16xf32>,
        %add3A_1505 = arith.constant 208 : i32
        %add3A_1506 = arith.addi %mul3A_2, %add3A_1505 : i32
        %add3A_1507 = vector.broadcast %add3A_1506 : i32 to vector<16xi32>
        %add3A_1508 = arith.addi %add3A_1507, %iota3A : vector<16xi32>
        %convert_element_type3A_1509 = arith.sitofp %add3A_1508 : vector<16xi32> to vector<16xf32>
        %gt3A_1510 = arith.cmpf ogt, %select_n3A_1502, %select_n3A_1431 : vector<16xf32>
        %not3A_1511 = arith.constant dense<true> : vector<16xi1>
        %not3A_1512 = arith.xori %gt3A_1510, %not3A_1511 : vector<16xi1>
        %gt3A_1513 = arith.cmpf ogt, %select_n3A_1502, %select_n3A_1428 : vector<16xf32>
        %and3A_1514 = arith.andi %not3A_1512, %gt3A_1513 : vector<16xi1>
        %select_n3A_1515 = arith.select %and3A_1514, %select_n3A_1502, %select_n3A_1428 : vector<16xi1>, vector<16xf32>
        %select_n3A_1516 = arith.select %gt3A_1510, %select_n3A_1431, %select_n3A_1515 : vector<16xi1>, vector<16xf32>
        %select_n3A_1517 = arith.select %and3A_1514, %convert_element_type3A_1509, %select_n3A_1430 : vector<16xi1>, vector<16xf32>
        %select_n3A_1518 = arith.select %gt3A_1510, %select_n3A_1432, %select_n3A_1517 : vector<16xi1>, vector<16xf32>
        %select_n3A_1519 = arith.select %gt3A_1510, %select_n3A_1502, %select_n3A_1431 : vector<16xi1>, vector<16xf32>
        %select_n3A_1520 = arith.select %gt3A_1510, %convert_element_type3A_1509, %select_n3A_1432 : vector<16xi1>, vector<16xf32>
        %get3A_1521 = arith.constant 224 : index
        %get3A_1522 = tpu.vector_load %arg8[%get3A_1521] {strides = array<i32>} : memref<320xf32, #tpu.memory_space<vmem>>, vector<16xf32>,
        %get3A_1523 = arith.constant 224 : index
        %get3A_1524 = tpu.vector_load %arg9[%get3A_1523] {strides = array<i32>} : memref<320xf32, #tpu.memory_space<vmem>>, vector<16xf32>,
        %get3A_1525 = arith.constant 224 : index
        %get3A_1526 = tpu.vector_load %arg10[%get3A_1525] {strides = array<i32>} : memref<320xf32, #tpu.memory_space<vmem>>, vector<16xf32>,
        %get3A_1527 = arith.constant 224 : index
        %get3A_1528 = tpu.vector_load %arg11[%get3A_1527] {strides = array<i32>} : memref<320xf32, #tpu.memory_space<vmem>>, vector<16xf32>,
        %get3A_1529 = arith.constant 224 : index
        %get3A_1530 = tpu.vector_load %arg13[%get3A_1529] {strides = array<i32>} : memref<320xf32, #tpu.memory_space<vmem>>, vector<16xf32>,
        %max3A_1531 = vector.broadcast %squeeze3A : f32 to vector<16xf32>
        %max3A_1532 = arith.maximumf %max3A_1531, %get3A_1522 : vector<16xf32>
        %max3A_1533 = vector.broadcast %squeeze3A_282 : f32 to vector<16xf32>
        %max3A_1534 = arith.maximumf %max3A_1533, %get3A_1524 : vector<16xf32>
        %min3A_1535 = vector.broadcast %squeeze3A_284 : f32 to vector<16xf32>
        %min3A_1536 = arith.minimumf %min3A_1535, %get3A_1526 : vector<16xf32>
        %min3A_1537 = vector.broadcast %squeeze3A_286 : f32 to vector<16xf32>
        %min3A_1538 = arith.minimumf %min3A_1537, %get3A_1528 : vector<16xf32>
        %sub3A_1539 = arith.subf %min3A_1536, %max3A_1532 : vector<16xf32>
        %max3A_1540 = arith.constant 0.000000e+00 : f32
        %max3A_1541 = vector.broadcast %max3A_1540 : f32 to vector<16xf32>
        %max3A_1542 = arith.maximumf %sub3A_1539, %max3A_1541 : vector<16xf32>
        %sub3A_1543 = arith.subf %min3A_1538, %max3A_1534 : vector<16xf32>
        %max3A_1544 = arith.constant 0.000000e+00 : f32
        %max3A_1545 = vector.broadcast %max3A_1544 : f32 to vector<16xf32>
        %max3A_1546 = arith.maximumf %sub3A_1543, %max3A_1545 : vector<16xf32>
        %mul3A_1547 = arith.mulf %max3A_1542, %max3A_1546 : vector<16xf32>
        %add3A_1548 = vector.broadcast %squeeze3A_288 : f32 to vector<16xf32>
        %add3A_1549 = arith.addf %add3A_1548, %get3A_1530 : vector<16xf32>
        %sub3A_1550 = arith.subf %add3A_1549, %mul3A_1547 : vector<16xf32>
        %add3A_1551 = arith.constant 9.99999971E-10 : f32
        %add3A_1552 = vector.broadcast %add3A_1551 : f32 to vector<16xf32>
        %add3A_1553 = arith.addf %sub3A_1550, %add3A_1552 : vector<16xf32>
        %div3A_1554 = arith.divf %mul3A_1547, %add3A_1553 : vector<16xf32>
        %max3A_1555 = vector.broadcast %squeeze3A_290 : f32 to vector<16xf32>
        %max3A_1556 = arith.maximumf %max3A_1555, %get3A_1522 : vector<16xf32>
        %max3A_1557 = vector.broadcast %squeeze3A_292 : f32 to vector<16xf32>
        %max3A_1558 = arith.maximumf %max3A_1557, %get3A_1524 : vector<16xf32>
        %min3A_1559 = vector.broadcast %squeeze3A_294 : f32 to vector<16xf32>
        %min3A_1560 = arith.minimumf %min3A_1559, %get3A_1526 : vector<16xf32>
        %min3A_1561 = vector.broadcast %squeeze3A_296 : f32 to vector<16xf32>
        %min3A_1562 = arith.minimumf %min3A_1561, %get3A_1528 : vector<16xf32>
        %sub3A_1563 = arith.subf %min3A_1560, %max3A_1556 : vector<16xf32>
        %max3A_1564 = arith.constant 0.000000e+00 : f32
        %max3A_1565 = vector.broadcast %max3A_1564 : f32 to vector<16xf32>
        %max3A_1566 = arith.maximumf %sub3A_1563, %max3A_1565 : vector<16xf32>
        %sub3A_1567 = arith.subf %min3A_1562, %max3A_1558 : vector<16xf32>
        %max3A_1568 = arith.constant 0.000000e+00 : f32
        %max3A_1569 = vector.broadcast %max3A_1568 : f32 to vector<16xf32>
        %max3A_1570 = arith.maximumf %sub3A_1567, %max3A_1569 : vector<16xf32>
        %mul3A_1571 = arith.mulf %max3A_1566, %max3A_1570 : vector<16xf32>
        %add3A_1572 = vector.broadcast %squeeze3A_298 : f32 to vector<16xf32>
        %add3A_1573 = arith.addf %add3A_1572, %get3A_1530 : vector<16xf32>
        %sub3A_1574 = arith.subf %add3A_1573, %mul3A_1571 : vector<16xf32>
        %add3A_1575 = arith.constant 9.99999971E-10 : f32
        %add3A_1576 = vector.broadcast %add3A_1575 : f32 to vector<16xf32>
        %add3A_1577 = arith.addf %sub3A_1574, %add3A_1576 : vector<16xf32>
        %div3A_1578 = arith.divf %mul3A_1571, %add3A_1577 : vector<16xf32>
        %gt3A_1579 = arith.constant 5.000000e-01 : f32
        %gt3A_1580 = vector.broadcast %gt3A_1579 : f32 to vector<16xf32>
        %gt3A_1581 = arith.cmpf ogt, %div3A_1554, %gt3A_1580 : vector<16xf32>
        %gt3A_1582 = arith.constant 5.000000e-01 : f32
        %gt3A_1583 = vector.broadcast %gt3A_1582 : f32 to vector<16xf32>
        %gt3A_1584 = arith.cmpf ogt, %div3A_1578, %gt3A_1583 : vector<16xf32>
        %or3A_1585 = arith.ori %gt3A_1581, %gt3A_1584 : vector<16xi1>
        %get3A_1586 = arith.constant 224 : index
        %get3A_1587 = tpu.vector_load %arg12[%get3A_1586] {strides = array<i32>} : memref<320xf32, #tpu.memory_space<vmem>>, vector<16xf32>,
        %jit3A_1588 = arith.constant -1.000000e+09 : f32
        %broadcast_in_dim3A_1589 = vector.broadcast %jit3A_1588 : f32 to vector<16xf32>
        %select_n3A_1590 = arith.select %or3A_1585, %broadcast_in_dim3A_1589, %get3A_1587 : vector<16xi1>, vector<16xf32>
        %swap3A_1591 = arith.constant 224 : index
        %swap3A_1592 = tpu.vector_load %arg12[%swap3A_1591] {strides = array<i32>} : memref<320xf32, #tpu.memory_space<vmem>>, vector<16xf32>,
        tpu.vector_store %arg12[%swap3A_1591], %select_n3A_1590 {strides = array<i32>} : memref<320xf32, #tpu.memory_space<vmem>>, vector<16xf32>,
        %add3A_1593 = arith.constant 224 : i32
        %add3A_1594 = arith.addi %mul3A_2, %add3A_1593 : i32
        %add3A_1595 = vector.broadcast %add3A_1594 : i32 to vector<16xi32>
        %add3A_1596 = arith.addi %add3A_1595, %iota3A : vector<16xi32>
        %convert_element_type3A_1597 = arith.sitofp %add3A_1596 : vector<16xi32> to vector<16xf32>
        %gt3A_1598 = arith.cmpf ogt, %select_n3A_1590, %select_n3A_1519 : vector<16xf32>
        %not3A_1599 = arith.constant dense<true> : vector<16xi1>
        %not3A_1600 = arith.xori %gt3A_1598, %not3A_1599 : vector<16xi1>
        %gt3A_1601 = arith.cmpf ogt, %select_n3A_1590, %select_n3A_1516 : vector<16xf32>
        %and3A_1602 = arith.andi %not3A_1600, %gt3A_1601 : vector<16xi1>
        %select_n3A_1603 = arith.select %and3A_1602, %select_n3A_1590, %select_n3A_1516 : vector<16xi1>, vector<16xf32>
        %select_n3A_1604 = arith.select %gt3A_1598, %select_n3A_1519, %select_n3A_1603 : vector<16xi1>, vector<16xf32>
        %select_n3A_1605 = arith.select %and3A_1602, %convert_element_type3A_1597, %select_n3A_1518 : vector<16xi1>, vector<16xf32>
        %select_n3A_1606 = arith.select %gt3A_1598, %select_n3A_1520, %select_n3A_1605 : vector<16xi1>, vector<16xf32>
        %select_n3A_1607 = arith.select %gt3A_1598, %select_n3A_1590, %select_n3A_1519 : vector<16xi1>, vector<16xf32>
        %select_n3A_1608 = arith.select %gt3A_1598, %convert_element_type3A_1597, %select_n3A_1520 : vector<16xi1>, vector<16xf32>
        %get3A_1609 = arith.constant 240 : index
        %get3A_1610 = tpu.vector_load %arg8[%get3A_1609] {strides = array<i32>} : memref<320xf32, #tpu.memory_space<vmem>>, vector<16xf32>,
        %get3A_1611 = arith.constant 240 : index
        %get3A_1612 = tpu.vector_load %arg9[%get3A_1611] {strides = array<i32>} : memref<320xf32, #tpu.memory_space<vmem>>, vector<16xf32>,
        %get3A_1613 = arith.constant 240 : index
        %get3A_1614 = tpu.vector_load %arg10[%get3A_1613] {strides = array<i32>} : memref<320xf32, #tpu.memory_space<vmem>>, vector<16xf32>,
        %get3A_1615 = arith.constant 240 : index
        %get3A_1616 = tpu.vector_load %arg11[%get3A_1615] {strides = array<i32>} : memref<320xf32, #tpu.memory_space<vmem>>, vector<16xf32>,
        %get3A_1617 = arith.constant 240 : index
        %get3A_1618 = tpu.vector_load %arg13[%get3A_1617] {strides = array<i32>} : memref<320xf32, #tpu.memory_space<vmem>>, vector<16xf32>,
        %max3A_1619 = vector.broadcast %squeeze3A : f32 to vector<16xf32>
        %max3A_1620 = arith.maximumf %max3A_1619, %get3A_1610 : vector<16xf32>
        %max3A_1621 = vector.broadcast %squeeze3A_282 : f32 to vector<16xf32>
        %max3A_1622 = arith.maximumf %max3A_1621, %get3A_1612 : vector<16xf32>
        %min3A_1623 = vector.broadcast %squeeze3A_284 : f32 to vector<16xf32>
        %min3A_1624 = arith.minimumf %min3A_1623, %get3A_1614 : vector<16xf32>
        %min3A_1625 = vector.broadcast %squeeze3A_286 : f32 to vector<16xf32>
        %min3A_1626 = arith.minimumf %min3A_1625, %get3A_1616 : vector<16xf32>
        %sub3A_1627 = arith.subf %min3A_1624, %max3A_1620 : vector<16xf32>
        %max3A_1628 = arith.constant 0.000000e+00 : f32
        %max3A_1629 = vector.broadcast %max3A_1628 : f32 to vector<16xf32>
        %max3A_1630 = arith.maximumf %sub3A_1627, %max3A_1629 : vector<16xf32>
        %sub3A_1631 = arith.subf %min3A_1626, %max3A_1622 : vector<16xf32>
        %max3A_1632 = arith.constant 0.000000e+00 : f32
        %max3A_1633 = vector.broadcast %max3A_1632 : f32 to vector<16xf32>
        %max3A_1634 = arith.maximumf %sub3A_1631, %max3A_1633 : vector<16xf32>
        %mul3A_1635 = arith.mulf %max3A_1630, %max3A_1634 : vector<16xf32>
        %add3A_1636 = vector.broadcast %squeeze3A_288 : f32 to vector<16xf32>
        %add3A_1637 = arith.addf %add3A_1636, %get3A_1618 : vector<16xf32>
        %sub3A_1638 = arith.subf %add3A_1637, %mul3A_1635 : vector<16xf32>
        %add3A_1639 = arith.constant 9.99999971E-10 : f32
        %add3A_1640 = vector.broadcast %add3A_1639 : f32 to vector<16xf32>
        %add3A_1641 = arith.addf %sub3A_1638, %add3A_1640 : vector<16xf32>
        %div3A_1642 = arith.divf %mul3A_1635, %add3A_1641 : vector<16xf32>
        %max3A_1643 = vector.broadcast %squeeze3A_290 : f32 to vector<16xf32>
        %max3A_1644 = arith.maximumf %max3A_1643, %get3A_1610 : vector<16xf32>
        %max3A_1645 = vector.broadcast %squeeze3A_292 : f32 to vector<16xf32>
        %max3A_1646 = arith.maximumf %max3A_1645, %get3A_1612 : vector<16xf32>
        %min3A_1647 = vector.broadcast %squeeze3A_294 : f32 to vector<16xf32>
        %min3A_1648 = arith.minimumf %min3A_1647, %get3A_1614 : vector<16xf32>
        %min3A_1649 = vector.broadcast %squeeze3A_296 : f32 to vector<16xf32>
        %min3A_1650 = arith.minimumf %min3A_1649, %get3A_1616 : vector<16xf32>
        %sub3A_1651 = arith.subf %min3A_1648, %max3A_1644 : vector<16xf32>
        %max3A_1652 = arith.constant 0.000000e+00 : f32
        %max3A_1653 = vector.broadcast %max3A_1652 : f32 to vector<16xf32>
        %max3A_1654 = arith.maximumf %sub3A_1651, %max3A_1653 : vector<16xf32>
        %sub3A_1655 = arith.subf %min3A_1650, %max3A_1646 : vector<16xf32>
        %max3A_1656 = arith.constant 0.000000e+00 : f32
        %max3A_1657 = vector.broadcast %max3A_1656 : f32 to vector<16xf32>
        %max3A_1658 = arith.maximumf %sub3A_1655, %max3A_1657 : vector<16xf32>
        %mul3A_1659 = arith.mulf %max3A_1654, %max3A_1658 : vector<16xf32>
        %add3A_1660 = vector.broadcast %squeeze3A_298 : f32 to vector<16xf32>
        %add3A_1661 = arith.addf %add3A_1660, %get3A_1618 : vector<16xf32>
        %sub3A_1662 = arith.subf %add3A_1661, %mul3A_1659 : vector<16xf32>
        %add3A_1663 = arith.constant 9.99999971E-10 : f32
        %add3A_1664 = vector.broadcast %add3A_1663 : f32 to vector<16xf32>
        %add3A_1665 = arith.addf %sub3A_1662, %add3A_1664 : vector<16xf32>
        %div3A_1666 = arith.divf %mul3A_1659, %add3A_1665 : vector<16xf32>
        %gt3A_1667 = arith.constant 5.000000e-01 : f32
        %gt3A_1668 = vector.broadcast %gt3A_1667 : f32 to vector<16xf32>
        %gt3A_1669 = arith.cmpf ogt, %div3A_1642, %gt3A_1668 : vector<16xf32>
        %gt3A_1670 = arith.constant 5.000000e-01 : f32
        %gt3A_1671 = vector.broadcast %gt3A_1670 : f32 to vector<16xf32>
        %gt3A_1672 = arith.cmpf ogt, %div3A_1666, %gt3A_1671 : vector<16xf32>
        %or3A_1673 = arith.ori %gt3A_1669, %gt3A_1672 : vector<16xi1>
        %get3A_1674 = arith.constant 240 : index
        %get3A_1675 = tpu.vector_load %arg12[%get3A_1674] {strides = array<i32>} : memref<320xf32, #tpu.memory_space<vmem>>, vector<16xf32>,
        %jit3A_1676 = arith.constant -1.000000e+09 : f32
        %broadcast_in_dim3A_1677 = vector.broadcast %jit3A_1676 : f32 to vector<16xf32>
        %select_n3A_1678 = arith.select %or3A_1673, %broadcast_in_dim3A_1677, %get3A_1675 : vector<16xi1>, vector<16xf32>
        %swap3A_1679 = arith.constant 240 : index
        %swap3A_1680 = tpu.vector_load %arg12[%swap3A_1679] {strides = array<i32>} : memref<320xf32, #tpu.memory_space<vmem>>, vector<16xf32>,
        tpu.vector_store %arg12[%swap3A_1679], %select_n3A_1678 {strides = array<i32>} : memref<320xf32, #tpu.memory_space<vmem>>, vector<16xf32>,
        %add3A_1681 = arith.constant 240 : i32
        %add3A_1682 = arith.addi %mul3A_2, %add3A_1681 : i32
        %add3A_1683 = vector.broadcast %add3A_1682 : i32 to vector<16xi32>
        %add3A_1684 = arith.addi %add3A_1683, %iota3A : vector<16xi32>
        %convert_element_type3A_1685 = arith.sitofp %add3A_1684 : vector<16xi32> to vector<16xf32>
        %gt3A_1686 = arith.cmpf ogt, %select_n3A_1678, %select_n3A_1607 : vector<16xf32>
        %not3A_1687 = arith.constant dense<true> : vector<16xi1>
        %not3A_1688 = arith.xori %gt3A_1686, %not3A_1687 : vector<16xi1>
        %gt3A_1689 = arith.cmpf ogt, %select_n3A_1678, %select_n3A_1604 : vector<16xf32>
        %and3A_1690 = arith.andi %not3A_1688, %gt3A_1689 : vector<16xi1>
        %select_n3A_1691 = arith.select %and3A_1690, %select_n3A_1678, %select_n3A_1604 : vector<16xi1>, vector<16xf32>
        %select_n3A_1692 = arith.select %gt3A_1686, %select_n3A_1607, %select_n3A_1691 : vector<16xi1>, vector<16xf32>
        %select_n3A_1693 = arith.select %and3A_1690, %convert_element_type3A_1685, %select_n3A_1606 : vector<16xi1>, vector<16xf32>
        %select_n3A_1694 = arith.select %gt3A_1686, %select_n3A_1608, %select_n3A_1693 : vector<16xi1>, vector<16xf32>
        %select_n3A_1695 = arith.select %gt3A_1686, %select_n3A_1678, %select_n3A_1607 : vector<16xi1>, vector<16xf32>
        %select_n3A_1696 = arith.select %gt3A_1686, %convert_element_type3A_1685, %select_n3A_1608 : vector<16xi1>, vector<16xf32>
        %get3A_1697 = arith.constant 256 : index
        %get3A_1698 = tpu.vector_load %arg8[%get3A_1697] {strides = array<i32>} : memref<320xf32, #tpu.memory_space<vmem>>, vector<16xf32>,
        %get3A_1699 = arith.constant 256 : index
        %get3A_1700 = tpu.vector_load %arg9[%get3A_1699] {strides = array<i32>} : memref<320xf32, #tpu.memory_space<vmem>>, vector<16xf32>,
        %get3A_1701 = arith.constant 256 : index
        %get3A_1702 = tpu.vector_load %arg10[%get3A_1701] {strides = array<i32>} : memref<320xf32, #tpu.memory_space<vmem>>, vector<16xf32>,
        %get3A_1703 = arith.constant 256 : index
        %get3A_1704 = tpu.vector_load %arg11[%get3A_1703] {strides = array<i32>} : memref<320xf32, #tpu.memory_space<vmem>>, vector<16xf32>,
        %get3A_1705 = arith.constant 256 : index
        %get3A_1706 = tpu.vector_load %arg13[%get3A_1705] {strides = array<i32>} : memref<320xf32, #tpu.memory_space<vmem>>, vector<16xf32>,
        %max3A_1707 = vector.broadcast %squeeze3A : f32 to vector<16xf32>
        %max3A_1708 = arith.maximumf %max3A_1707, %get3A_1698 : vector<16xf32>
        %max3A_1709 = vector.broadcast %squeeze3A_282 : f32 to vector<16xf32>
        %max3A_1710 = arith.maximumf %max3A_1709, %get3A_1700 : vector<16xf32>
        %min3A_1711 = vector.broadcast %squeeze3A_284 : f32 to vector<16xf32>
        %min3A_1712 = arith.minimumf %min3A_1711, %get3A_1702 : vector<16xf32>
        %min3A_1713 = vector.broadcast %squeeze3A_286 : f32 to vector<16xf32>
        %min3A_1714 = arith.minimumf %min3A_1713, %get3A_1704 : vector<16xf32>
        %sub3A_1715 = arith.subf %min3A_1712, %max3A_1708 : vector<16xf32>
        %max3A_1716 = arith.constant 0.000000e+00 : f32
        %max3A_1717 = vector.broadcast %max3A_1716 : f32 to vector<16xf32>
        %max3A_1718 = arith.maximumf %sub3A_1715, %max3A_1717 : vector<16xf32>
        %sub3A_1719 = arith.subf %min3A_1714, %max3A_1710 : vector<16xf32>
        %max3A_1720 = arith.constant 0.000000e+00 : f32
        %max3A_1721 = vector.broadcast %max3A_1720 : f32 to vector<16xf32>
        %max3A_1722 = arith.maximumf %sub3A_1719, %max3A_1721 : vector<16xf32>
        %mul3A_1723 = arith.mulf %max3A_1718, %max3A_1722 : vector<16xf32>
        %add3A_1724 = vector.broadcast %squeeze3A_288 : f32 to vector<16xf32>
        %add3A_1725 = arith.addf %add3A_1724, %get3A_1706 : vector<16xf32>
        %sub3A_1726 = arith.subf %add3A_1725, %mul3A_1723 : vector<16xf32>
        %add3A_1727 = arith.constant 9.99999971E-10 : f32
        %add3A_1728 = vector.broadcast %add3A_1727 : f32 to vector<16xf32>
        %add3A_1729 = arith.addf %sub3A_1726, %add3A_1728 : vector<16xf32>
        %div3A_1730 = arith.divf %mul3A_1723, %add3A_1729 : vector<16xf32>
        %max3A_1731 = vector.broadcast %squeeze3A_290 : f32 to vector<16xf32>
        %max3A_1732 = arith.maximumf %max3A_1731, %get3A_1698 : vector<16xf32>
        %max3A_1733 = vector.broadcast %squeeze3A_292 : f32 to vector<16xf32>
        %max3A_1734 = arith.maximumf %max3A_1733, %get3A_1700 : vector<16xf32>
        %min3A_1735 = vector.broadcast %squeeze3A_294 : f32 to vector<16xf32>
        %min3A_1736 = arith.minimumf %min3A_1735, %get3A_1702 : vector<16xf32>
        %min3A_1737 = vector.broadcast %squeeze3A_296 : f32 to vector<16xf32>
        %min3A_1738 = arith.minimumf %min3A_1737, %get3A_1704 : vector<16xf32>
        %sub3A_1739 = arith.subf %min3A_1736, %max3A_1732 : vector<16xf32>
        %max3A_1740 = arith.constant 0.000000e+00 : f32
        %max3A_1741 = vector.broadcast %max3A_1740 : f32 to vector<16xf32>
        %max3A_1742 = arith.maximumf %sub3A_1739, %max3A_1741 : vector<16xf32>
        %sub3A_1743 = arith.subf %min3A_1738, %max3A_1734 : vector<16xf32>
        %max3A_1744 = arith.constant 0.000000e+00 : f32
        %max3A_1745 = vector.broadcast %max3A_1744 : f32 to vector<16xf32>
        %max3A_1746 = arith.maximumf %sub3A_1743, %max3A_1745 : vector<16xf32>
        %mul3A_1747 = arith.mulf %max3A_1742, %max3A_1746 : vector<16xf32>
        %add3A_1748 = vector.broadcast %squeeze3A_298 : f32 to vector<16xf32>
        %add3A_1749 = arith.addf %add3A_1748, %get3A_1706 : vector<16xf32>
        %sub3A_1750 = arith.subf %add3A_1749, %mul3A_1747 : vector<16xf32>
        %add3A_1751 = arith.constant 9.99999971E-10 : f32
        %add3A_1752 = vector.broadcast %add3A_1751 : f32 to vector<16xf32>
        %add3A_1753 = arith.addf %sub3A_1750, %add3A_1752 : vector<16xf32>
        %div3A_1754 = arith.divf %mul3A_1747, %add3A_1753 : vector<16xf32>
        %gt3A_1755 = arith.constant 5.000000e-01 : f32
        %gt3A_1756 = vector.broadcast %gt3A_1755 : f32 to vector<16xf32>
        %gt3A_1757 = arith.cmpf ogt, %div3A_1730, %gt3A_1756 : vector<16xf32>
        %gt3A_1758 = arith.constant 5.000000e-01 : f32
        %gt3A_1759 = vector.broadcast %gt3A_1758 : f32 to vector<16xf32>
        %gt3A_1760 = arith.cmpf ogt, %div3A_1754, %gt3A_1759 : vector<16xf32>
        %or3A_1761 = arith.ori %gt3A_1757, %gt3A_1760 : vector<16xi1>
        %get3A_1762 = arith.constant 256 : index
        %get3A_1763 = tpu.vector_load %arg12[%get3A_1762] {strides = array<i32>} : memref<320xf32, #tpu.memory_space<vmem>>, vector<16xf32>,
        %jit3A_1764 = arith.constant -1.000000e+09 : f32
        %broadcast_in_dim3A_1765 = vector.broadcast %jit3A_1764 : f32 to vector<16xf32>
        %select_n3A_1766 = arith.select %or3A_1761, %broadcast_in_dim3A_1765, %get3A_1763 : vector<16xi1>, vector<16xf32>
        %swap3A_1767 = arith.constant 256 : index
        %swap3A_1768 = tpu.vector_load %arg12[%swap3A_1767] {strides = array<i32>} : memref<320xf32, #tpu.memory_space<vmem>>, vector<16xf32>,
        tpu.vector_store %arg12[%swap3A_1767], %select_n3A_1766 {strides = array<i32>} : memref<320xf32, #tpu.memory_space<vmem>>, vector<16xf32>,
        %add3A_1769 = arith.constant 256 : i32
        %add3A_1770 = arith.addi %mul3A_2, %add3A_1769 : i32
        %add3A_1771 = vector.broadcast %add3A_1770 : i32 to vector<16xi32>
        %add3A_1772 = arith.addi %add3A_1771, %iota3A : vector<16xi32>
        %convert_element_type3A_1773 = arith.sitofp %add3A_1772 : vector<16xi32> to vector<16xf32>
        %gt3A_1774 = arith.cmpf ogt, %select_n3A_1766, %select_n3A_1695 : vector<16xf32>
        %not3A_1775 = arith.constant dense<true> : vector<16xi1>
        %not3A_1776 = arith.xori %gt3A_1774, %not3A_1775 : vector<16xi1>
        %gt3A_1777 = arith.cmpf ogt, %select_n3A_1766, %select_n3A_1692 : vector<16xf32>
        %and3A_1778 = arith.andi %not3A_1776, %gt3A_1777 : vector<16xi1>
        %select_n3A_1779 = arith.select %and3A_1778, %select_n3A_1766, %select_n3A_1692 : vector<16xi1>, vector<16xf32>
        %select_n3A_1780 = arith.select %gt3A_1774, %select_n3A_1695, %select_n3A_1779 : vector<16xi1>, vector<16xf32>
        %select_n3A_1781 = arith.select %and3A_1778, %convert_element_type3A_1773, %select_n3A_1694 : vector<16xi1>, vector<16xf32>
        %select_n3A_1782 = arith.select %gt3A_1774, %select_n3A_1696, %select_n3A_1781 : vector<16xi1>, vector<16xf32>
        %select_n3A_1783 = arith.select %gt3A_1774, %select_n3A_1766, %select_n3A_1695 : vector<16xi1>, vector<16xf32>
        %select_n3A_1784 = arith.select %gt3A_1774, %convert_element_type3A_1773, %select_n3A_1696 : vector<16xi1>, vector<16xf32>
        %get3A_1785 = arith.constant 272 : index
        %get3A_1786 = tpu.vector_load %arg8[%get3A_1785] {strides = array<i32>} : memref<320xf32, #tpu.memory_space<vmem>>, vector<16xf32>,
        %get3A_1787 = arith.constant 272 : index
        %get3A_1788 = tpu.vector_load %arg9[%get3A_1787] {strides = array<i32>} : memref<320xf32, #tpu.memory_space<vmem>>, vector<16xf32>,
        %get3A_1789 = arith.constant 272 : index
        %get3A_1790 = tpu.vector_load %arg10[%get3A_1789] {strides = array<i32>} : memref<320xf32, #tpu.memory_space<vmem>>, vector<16xf32>,
        %get3A_1791 = arith.constant 272 : index
        %get3A_1792 = tpu.vector_load %arg11[%get3A_1791] {strides = array<i32>} : memref<320xf32, #tpu.memory_space<vmem>>, vector<16xf32>,
        %get3A_1793 = arith.constant 272 : index
        %get3A_1794 = tpu.vector_load %arg13[%get3A_1793] {strides = array<i32>} : memref<320xf32, #tpu.memory_space<vmem>>, vector<16xf32>,
        %max3A_1795 = vector.broadcast %squeeze3A : f32 to vector<16xf32>
        %max3A_1796 = arith.maximumf %max3A_1795, %get3A_1786 : vector<16xf32>
        %max3A_1797 = vector.broadcast %squeeze3A_282 : f32 to vector<16xf32>
        %max3A_1798 = arith.maximumf %max3A_1797, %get3A_1788 : vector<16xf32>
        %min3A_1799 = vector.broadcast %squeeze3A_284 : f32 to vector<16xf32>
        %min3A_1800 = arith.minimumf %min3A_1799, %get3A_1790 : vector<16xf32>
        %min3A_1801 = vector.broadcast %squeeze3A_286 : f32 to vector<16xf32>
        %min3A_1802 = arith.minimumf %min3A_1801, %get3A_1792 : vector<16xf32>
        %sub3A_1803 = arith.subf %min3A_1800, %max3A_1796 : vector<16xf32>
        %max3A_1804 = arith.constant 0.000000e+00 : f32
        %max3A_1805 = vector.broadcast %max3A_1804 : f32 to vector<16xf32>
        %max3A_1806 = arith.maximumf %sub3A_1803, %max3A_1805 : vector<16xf32>
        %sub3A_1807 = arith.subf %min3A_1802, %max3A_1798 : vector<16xf32>
        %max3A_1808 = arith.constant 0.000000e+00 : f32
        %max3A_1809 = vector.broadcast %max3A_1808 : f32 to vector<16xf32>
        %max3A_1810 = arith.maximumf %sub3A_1807, %max3A_1809 : vector<16xf32>
        %mul3A_1811 = arith.mulf %max3A_1806, %max3A_1810 : vector<16xf32>
        %add3A_1812 = vector.broadcast %squeeze3A_288 : f32 to vector<16xf32>
        %add3A_1813 = arith.addf %add3A_1812, %get3A_1794 : vector<16xf32>
        %sub3A_1814 = arith.subf %add3A_1813, %mul3A_1811 : vector<16xf32>
        %add3A_1815 = arith.constant 9.99999971E-10 : f32
        %add3A_1816 = vector.broadcast %add3A_1815 : f32 to vector<16xf32>
        %add3A_1817 = arith.addf %sub3A_1814, %add3A_1816 : vector<16xf32>
        %div3A_1818 = arith.divf %mul3A_1811, %add3A_1817 : vector<16xf32>
        %max3A_1819 = vector.broadcast %squeeze3A_290 : f32 to vector<16xf32>
        %max3A_1820 = arith.maximumf %max3A_1819, %get3A_1786 : vector<16xf32>
        %max3A_1821 = vector.broadcast %squeeze3A_292 : f32 to vector<16xf32>
        %max3A_1822 = arith.maximumf %max3A_1821, %get3A_1788 : vector<16xf32>
        %min3A_1823 = vector.broadcast %squeeze3A_294 : f32 to vector<16xf32>
        %min3A_1824 = arith.minimumf %min3A_1823, %get3A_1790 : vector<16xf32>
        %min3A_1825 = vector.broadcast %squeeze3A_296 : f32 to vector<16xf32>
        %min3A_1826 = arith.minimumf %min3A_1825, %get3A_1792 : vector<16xf32>
        %sub3A_1827 = arith.subf %min3A_1824, %max3A_1820 : vector<16xf32>
        %max3A_1828 = arith.constant 0.000000e+00 : f32
        %max3A_1829 = vector.broadcast %max3A_1828 : f32 to vector<16xf32>
        %max3A_1830 = arith.maximumf %sub3A_1827, %max3A_1829 : vector<16xf32>
        %sub3A_1831 = arith.subf %min3A_1826, %max3A_1822 : vector<16xf32>
        %max3A_1832 = arith.constant 0.000000e+00 : f32
        %max3A_1833 = vector.broadcast %max3A_1832 : f32 to vector<16xf32>
        %max3A_1834 = arith.maximumf %sub3A_1831, %max3A_1833 : vector<16xf32>
        %mul3A_1835 = arith.mulf %max3A_1830, %max3A_1834 : vector<16xf32>
        %add3A_1836 = vector.broadcast %squeeze3A_298 : f32 to vector<16xf32>
        %add3A_1837 = arith.addf %add3A_1836, %get3A_1794 : vector<16xf32>
        %sub3A_1838 = arith.subf %add3A_1837, %mul3A_1835 : vector<16xf32>
        %add3A_1839 = arith.constant 9.99999971E-10 : f32
        %add3A_1840 = vector.broadcast %add3A_1839 : f32 to vector<16xf32>
        %add3A_1841 = arith.addf %sub3A_1838, %add3A_1840 : vector<16xf32>
        %div3A_1842 = arith.divf %mul3A_1835, %add3A_1841 : vector<16xf32>
        %gt3A_1843 = arith.constant 5.000000e-01 : f32
        %gt3A_1844 = vector.broadcast %gt3A_1843 : f32 to vector<16xf32>
        %gt3A_1845 = arith.cmpf ogt, %div3A_1818, %gt3A_1844 : vector<16xf32>
        %gt3A_1846 = arith.constant 5.000000e-01 : f32
        %gt3A_1847 = vector.broadcast %gt3A_1846 : f32 to vector<16xf32>
        %gt3A_1848 = arith.cmpf ogt, %div3A_1842, %gt3A_1847 : vector<16xf32>
        %or3A_1849 = arith.ori %gt3A_1845, %gt3A_1848 : vector<16xi1>
        %get3A_1850 = arith.constant 272 : index
        %get3A_1851 = tpu.vector_load %arg12[%get3A_1850] {strides = array<i32>} : memref<320xf32, #tpu.memory_space<vmem>>, vector<16xf32>,
        %jit3A_1852 = arith.constant -1.000000e+09 : f32
        %broadcast_in_dim3A_1853 = vector.broadcast %jit3A_1852 : f32 to vector<16xf32>
        %select_n3A_1854 = arith.select %or3A_1849, %broadcast_in_dim3A_1853, %get3A_1851 : vector<16xi1>, vector<16xf32>
        %swap3A_1855 = arith.constant 272 : index
        %swap3A_1856 = tpu.vector_load %arg12[%swap3A_1855] {strides = array<i32>} : memref<320xf32, #tpu.memory_space<vmem>>, vector<16xf32>,
        tpu.vector_store %arg12[%swap3A_1855], %select_n3A_1854 {strides = array<i32>} : memref<320xf32, #tpu.memory_space<vmem>>, vector<16xf32>,
        %add3A_1857 = arith.constant 272 : i32
        %add3A_1858 = arith.addi %mul3A_2, %add3A_1857 : i32
        %add3A_1859 = vector.broadcast %add3A_1858 : i32 to vector<16xi32>
        %add3A_1860 = arith.addi %add3A_1859, %iota3A : vector<16xi32>
        %convert_element_type3A_1861 = arith.sitofp %add3A_1860 : vector<16xi32> to vector<16xf32>
        %gt3A_1862 = arith.cmpf ogt, %select_n3A_1854, %select_n3A_1783 : vector<16xf32>
        %not3A_1863 = arith.constant dense<true> : vector<16xi1>
        %not3A_1864 = arith.xori %gt3A_1862, %not3A_1863 : vector<16xi1>
        %gt3A_1865 = arith.cmpf ogt, %select_n3A_1854, %select_n3A_1780 : vector<16xf32>
        %and3A_1866 = arith.andi %not3A_1864, %gt3A_1865 : vector<16xi1>
        %select_n3A_1867 = arith.select %and3A_1866, %select_n3A_1854, %select_n3A_1780 : vector<16xi1>, vector<16xf32>
        %select_n3A_1868 = arith.select %gt3A_1862, %select_n3A_1783, %select_n3A_1867 : vector<16xi1>, vector<16xf32>
        %select_n3A_1869 = arith.select %and3A_1866, %convert_element_type3A_1861, %select_n3A_1782 : vector<16xi1>, vector<16xf32>
        %select_n3A_1870 = arith.select %gt3A_1862, %select_n3A_1784, %select_n3A_1869 : vector<16xi1>, vector<16xf32>
        %select_n3A_1871 = arith.select %gt3A_1862, %select_n3A_1854, %select_n3A_1783 : vector<16xi1>, vector<16xf32>
        %select_n3A_1872 = arith.select %gt3A_1862, %convert_element_type3A_1861, %select_n3A_1784 : vector<16xi1>, vector<16xf32>
        %get3A_1873 = arith.constant 288 : index
        %get3A_1874 = tpu.vector_load %arg8[%get3A_1873] {strides = array<i32>} : memref<320xf32, #tpu.memory_space<vmem>>, vector<16xf32>,
        %get3A_1875 = arith.constant 288 : index
        %get3A_1876 = tpu.vector_load %arg9[%get3A_1875] {strides = array<i32>} : memref<320xf32, #tpu.memory_space<vmem>>, vector<16xf32>,
        %get3A_1877 = arith.constant 288 : index
        %get3A_1878 = tpu.vector_load %arg10[%get3A_1877] {strides = array<i32>} : memref<320xf32, #tpu.memory_space<vmem>>, vector<16xf32>,
        %get3A_1879 = arith.constant 288 : index
        %get3A_1880 = tpu.vector_load %arg11[%get3A_1879] {strides = array<i32>} : memref<320xf32, #tpu.memory_space<vmem>>, vector<16xf32>,
        %get3A_1881 = arith.constant 288 : index
        %get3A_1882 = tpu.vector_load %arg13[%get3A_1881] {strides = array<i32>} : memref<320xf32, #tpu.memory_space<vmem>>, vector<16xf32>,
        %max3A_1883 = vector.broadcast %squeeze3A : f32 to vector<16xf32>
        %max3A_1884 = arith.maximumf %max3A_1883, %get3A_1874 : vector<16xf32>
        %max3A_1885 = vector.broadcast %squeeze3A_282 : f32 to vector<16xf32>
        %max3A_1886 = arith.maximumf %max3A_1885, %get3A_1876 : vector<16xf32>
        %min3A_1887 = vector.broadcast %squeeze3A_284 : f32 to vector<16xf32>
        %min3A_1888 = arith.minimumf %min3A_1887, %get3A_1878 : vector<16xf32>
        %min3A_1889 = vector.broadcast %squeeze3A_286 : f32 to vector<16xf32>
        %min3A_1890 = arith.minimumf %min3A_1889, %get3A_1880 : vector<16xf32>
        %sub3A_1891 = arith.subf %min3A_1888, %max3A_1884 : vector<16xf32>
        %max3A_1892 = arith.constant 0.000000e+00 : f32
        %max3A_1893 = vector.broadcast %max3A_1892 : f32 to vector<16xf32>
        %max3A_1894 = arith.maximumf %sub3A_1891, %max3A_1893 : vector<16xf32>
        %sub3A_1895 = arith.subf %min3A_1890, %max3A_1886 : vector<16xf32>
        %max3A_1896 = arith.constant 0.000000e+00 : f32
        %max3A_1897 = vector.broadcast %max3A_1896 : f32 to vector<16xf32>
        %max3A_1898 = arith.maximumf %sub3A_1895, %max3A_1897 : vector<16xf32>
        %mul3A_1899 = arith.mulf %max3A_1894, %max3A_1898 : vector<16xf32>
        %add3A_1900 = vector.broadcast %squeeze3A_288 : f32 to vector<16xf32>
        %add3A_1901 = arith.addf %add3A_1900, %get3A_1882 : vector<16xf32>
        %sub3A_1902 = arith.subf %add3A_1901, %mul3A_1899 : vector<16xf32>
        %add3A_1903 = arith.constant 9.99999971E-10 : f32
        %add3A_1904 = vector.broadcast %add3A_1903 : f32 to vector<16xf32>
        %add3A_1905 = arith.addf %sub3A_1902, %add3A_1904 : vector<16xf32>
        %div3A_1906 = arith.divf %mul3A_1899, %add3A_1905 : vector<16xf32>
        %max3A_1907 = vector.broadcast %squeeze3A_290 : f32 to vector<16xf32>
        %max3A_1908 = arith.maximumf %max3A_1907, %get3A_1874 : vector<16xf32>
        %max3A_1909 = vector.broadcast %squeeze3A_292 : f32 to vector<16xf32>
        %max3A_1910 = arith.maximumf %max3A_1909, %get3A_1876 : vector<16xf32>
        %min3A_1911 = vector.broadcast %squeeze3A_294 : f32 to vector<16xf32>
        %min3A_1912 = arith.minimumf %min3A_1911, %get3A_1878 : vector<16xf32>
        %min3A_1913 = vector.broadcast %squeeze3A_296 : f32 to vector<16xf32>
        %min3A_1914 = arith.minimumf %min3A_1913, %get3A_1880 : vector<16xf32>
        %sub3A_1915 = arith.subf %min3A_1912, %max3A_1908 : vector<16xf32>
        %max3A_1916 = arith.constant 0.000000e+00 : f32
        %max3A_1917 = vector.broadcast %max3A_1916 : f32 to vector<16xf32>
        %max3A_1918 = arith.maximumf %sub3A_1915, %max3A_1917 : vector<16xf32>
        %sub3A_1919 = arith.subf %min3A_1914, %max3A_1910 : vector<16xf32>
        %max3A_1920 = arith.constant 0.000000e+00 : f32
        %max3A_1921 = vector.broadcast %max3A_1920 : f32 to vector<16xf32>
        %max3A_1922 = arith.maximumf %sub3A_1919, %max3A_1921 : vector<16xf32>
        %mul3A_1923 = arith.mulf %max3A_1918, %max3A_1922 : vector<16xf32>
        %add3A_1924 = vector.broadcast %squeeze3A_298 : f32 to vector<16xf32>
        %add3A_1925 = arith.addf %add3A_1924, %get3A_1882 : vector<16xf32>
        %sub3A_1926 = arith.subf %add3A_1925, %mul3A_1923 : vector<16xf32>
        %add3A_1927 = arith.constant 9.99999971E-10 : f32
        %add3A_1928 = vector.broadcast %add3A_1927 : f32 to vector<16xf32>
        %add3A_1929 = arith.addf %sub3A_1926, %add3A_1928 : vector<16xf32>
        %div3A_1930 = arith.divf %mul3A_1923, %add3A_1929 : vector<16xf32>
        %gt3A_1931 = arith.constant 5.000000e-01 : f32
        %gt3A_1932 = vector.broadcast %gt3A_1931 : f32 to vector<16xf32>
        %gt3A_1933 = arith.cmpf ogt, %div3A_1906, %gt3A_1932 : vector<16xf32>
        %gt3A_1934 = arith.constant 5.000000e-01 : f32
        %gt3A_1935 = vector.broadcast %gt3A_1934 : f32 to vector<16xf32>
        %gt3A_1936 = arith.cmpf ogt, %div3A_1930, %gt3A_1935 : vector<16xf32>
        %or3A_1937 = arith.ori %gt3A_1933, %gt3A_1936 : vector<16xi1>
        %get3A_1938 = arith.constant 288 : index
        %get3A_1939 = tpu.vector_load %arg12[%get3A_1938] {strides = array<i32>} : memref<320xf32, #tpu.memory_space<vmem>>, vector<16xf32>,
        %jit3A_1940 = arith.constant -1.000000e+09 : f32
        %broadcast_in_dim3A_1941 = vector.broadcast %jit3A_1940 : f32 to vector<16xf32>
        %select_n3A_1942 = arith.select %or3A_1937, %broadcast_in_dim3A_1941, %get3A_1939 : vector<16xi1>, vector<16xf32>
        %swap3A_1943 = arith.constant 288 : index
        %swap3A_1944 = tpu.vector_load %arg12[%swap3A_1943] {strides = array<i32>} : memref<320xf32, #tpu.memory_space<vmem>>, vector<16xf32>,
        tpu.vector_store %arg12[%swap3A_1943], %select_n3A_1942 {strides = array<i32>} : memref<320xf32, #tpu.memory_space<vmem>>, vector<16xf32>,
        %add3A_1945 = arith.constant 288 : i32
        %add3A_1946 = arith.addi %mul3A_2, %add3A_1945 : i32
        %add3A_1947 = vector.broadcast %add3A_1946 : i32 to vector<16xi32>
        %add3A_1948 = arith.addi %add3A_1947, %iota3A : vector<16xi32>
        %convert_element_type3A_1949 = arith.sitofp %add3A_1948 : vector<16xi32> to vector<16xf32>
        %gt3A_1950 = arith.cmpf ogt, %select_n3A_1942, %select_n3A_1871 : vector<16xf32>
        %not3A_1951 = arith.constant dense<true> : vector<16xi1>
        %not3A_1952 = arith.xori %gt3A_1950, %not3A_1951 : vector<16xi1>
        %gt3A_1953 = arith.cmpf ogt, %select_n3A_1942, %select_n3A_1868 : vector<16xf32>
        %and3A_1954 = arith.andi %not3A_1952, %gt3A_1953 : vector<16xi1>
        %select_n3A_1955 = arith.select %and3A_1954, %select_n3A_1942, %select_n3A_1868 : vector<16xi1>, vector<16xf32>
        %select_n3A_1956 = arith.select %gt3A_1950, %select_n3A_1871, %select_n3A_1955 : vector<16xi1>, vector<16xf32>
        %select_n3A_1957 = arith.select %and3A_1954, %convert_element_type3A_1949, %select_n3A_1870 : vector<16xi1>, vector<16xf32>
        %select_n3A_1958 = arith.select %gt3A_1950, %select_n3A_1872, %select_n3A_1957 : vector<16xi1>, vector<16xf32>
        %select_n3A_1959 = arith.select %gt3A_1950, %select_n3A_1942, %select_n3A_1871 : vector<16xi1>, vector<16xf32>
        %select_n3A_1960 = arith.select %gt3A_1950, %convert_element_type3A_1949, %select_n3A_1872 : vector<16xi1>, vector<16xf32>
        %get3A_1961 = arith.constant 304 : index
        %get3A_1962 = tpu.vector_load %arg8[%get3A_1961] {strides = array<i32>} : memref<320xf32, #tpu.memory_space<vmem>>, vector<16xf32>,
        %get3A_1963 = arith.constant 304 : index
        %get3A_1964 = tpu.vector_load %arg9[%get3A_1963] {strides = array<i32>} : memref<320xf32, #tpu.memory_space<vmem>>, vector<16xf32>,
        %get3A_1965 = arith.constant 304 : index
        %get3A_1966 = tpu.vector_load %arg10[%get3A_1965] {strides = array<i32>} : memref<320xf32, #tpu.memory_space<vmem>>, vector<16xf32>,
        %get3A_1967 = arith.constant 304 : index
        %get3A_1968 = tpu.vector_load %arg11[%get3A_1967] {strides = array<i32>} : memref<320xf32, #tpu.memory_space<vmem>>, vector<16xf32>,
        %get3A_1969 = arith.constant 304 : index
        %get3A_1970 = tpu.vector_load %arg13[%get3A_1969] {strides = array<i32>} : memref<320xf32, #tpu.memory_space<vmem>>, vector<16xf32>,
        %max3A_1971 = vector.broadcast %squeeze3A : f32 to vector<16xf32>
        %max3A_1972 = arith.maximumf %max3A_1971, %get3A_1962 : vector<16xf32>
        %max3A_1973 = vector.broadcast %squeeze3A_282 : f32 to vector<16xf32>
        %max3A_1974 = arith.maximumf %max3A_1973, %get3A_1964 : vector<16xf32>
        %min3A_1975 = vector.broadcast %squeeze3A_284 : f32 to vector<16xf32>
        %min3A_1976 = arith.minimumf %min3A_1975, %get3A_1966 : vector<16xf32>
        %min3A_1977 = vector.broadcast %squeeze3A_286 : f32 to vector<16xf32>
        %min3A_1978 = arith.minimumf %min3A_1977, %get3A_1968 : vector<16xf32>
        %sub3A_1979 = arith.subf %min3A_1976, %max3A_1972 : vector<16xf32>
        %max3A_1980 = arith.constant 0.000000e+00 : f32
        %max3A_1981 = vector.broadcast %max3A_1980 : f32 to vector<16xf32>
        %max3A_1982 = arith.maximumf %sub3A_1979, %max3A_1981 : vector<16xf32>
        %sub3A_1983 = arith.subf %min3A_1978, %max3A_1974 : vector<16xf32>
        %max3A_1984 = arith.constant 0.000000e+00 : f32
        %max3A_1985 = vector.broadcast %max3A_1984 : f32 to vector<16xf32>
        %max3A_1986 = arith.maximumf %sub3A_1983, %max3A_1985 : vector<16xf32>
        %mul3A_1987 = arith.mulf %max3A_1982, %max3A_1986 : vector<16xf32>
        %add3A_1988 = vector.broadcast %squeeze3A_288 : f32 to vector<16xf32>
        %add3A_1989 = arith.addf %add3A_1988, %get3A_1970 : vector<16xf32>
        %sub3A_1990 = arith.subf %add3A_1989, %mul3A_1987 : vector<16xf32>
        %add3A_1991 = arith.constant 9.99999971E-10 : f32
        %add3A_1992 = vector.broadcast %add3A_1991 : f32 to vector<16xf32>
        %add3A_1993 = arith.addf %sub3A_1990, %add3A_1992 : vector<16xf32>
        %div3A_1994 = arith.divf %mul3A_1987, %add3A_1993 : vector<16xf32>
        %max3A_1995 = vector.broadcast %squeeze3A_290 : f32 to vector<16xf32>
        %max3A_1996 = arith.maximumf %max3A_1995, %get3A_1962 : vector<16xf32>
        %max3A_1997 = vector.broadcast %squeeze3A_292 : f32 to vector<16xf32>
        %max3A_1998 = arith.maximumf %max3A_1997, %get3A_1964 : vector<16xf32>
        %min3A_1999 = vector.broadcast %squeeze3A_294 : f32 to vector<16xf32>
        %min3A_2000 = arith.minimumf %min3A_1999, %get3A_1966 : vector<16xf32>
        %min3A_2001 = vector.broadcast %squeeze3A_296 : f32 to vector<16xf32>
        %min3A_2002 = arith.minimumf %min3A_2001, %get3A_1968 : vector<16xf32>
        %sub3A_2003 = arith.subf %min3A_2000, %max3A_1996 : vector<16xf32>
        %max3A_2004 = arith.constant 0.000000e+00 : f32
        %max3A_2005 = vector.broadcast %max3A_2004 : f32 to vector<16xf32>
        %max3A_2006 = arith.maximumf %sub3A_2003, %max3A_2005 : vector<16xf32>
        %sub3A_2007 = arith.subf %min3A_2002, %max3A_1998 : vector<16xf32>
        %max3A_2008 = arith.constant 0.000000e+00 : f32
        %max3A_2009 = vector.broadcast %max3A_2008 : f32 to vector<16xf32>
        %max3A_2010 = arith.maximumf %sub3A_2007, %max3A_2009 : vector<16xf32>
        %mul3A_2011 = arith.mulf %max3A_2006, %max3A_2010 : vector<16xf32>
        %add3A_2012 = vector.broadcast %squeeze3A_298 : f32 to vector<16xf32>
        %add3A_2013 = arith.addf %add3A_2012, %get3A_1970 : vector<16xf32>
        %sub3A_2014 = arith.subf %add3A_2013, %mul3A_2011 : vector<16xf32>
        %add3A_2015 = arith.constant 9.99999971E-10 : f32
        %add3A_2016 = vector.broadcast %add3A_2015 : f32 to vector<16xf32>
        %add3A_2017 = arith.addf %sub3A_2014, %add3A_2016 : vector<16xf32>
        %div3A_2018 = arith.divf %mul3A_2011, %add3A_2017 : vector<16xf32>
        %gt3A_2019 = arith.constant 5.000000e-01 : f32
        %gt3A_2020 = vector.broadcast %gt3A_2019 : f32 to vector<16xf32>
        %gt3A_2021 = arith.cmpf ogt, %div3A_1994, %gt3A_2020 : vector<16xf32>
        %gt3A_2022 = arith.constant 5.000000e-01 : f32
        %gt3A_2023 = vector.broadcast %gt3A_2022 : f32 to vector<16xf32>
        %gt3A_2024 = arith.cmpf ogt, %div3A_2018, %gt3A_2023 : vector<16xf32>
        %or3A_2025 = arith.ori %gt3A_2021, %gt3A_2024 : vector<16xi1>
        %get3A_2026 = arith.constant 304 : index
        %get3A_2027 = tpu.vector_load %arg12[%get3A_2026] {strides = array<i32>} : memref<320xf32, #tpu.memory_space<vmem>>, vector<16xf32>,
        %jit3A_2028 = arith.constant -1.000000e+09 : f32
        %broadcast_in_dim3A_2029 = vector.broadcast %jit3A_2028 : f32 to vector<16xf32>
        %select_n3A_2030 = arith.select %or3A_2025, %broadcast_in_dim3A_2029, %get3A_2027 : vector<16xi1>, vector<16xf32>
        %swap3A_2031 = arith.constant 304 : index
        %swap3A_2032 = tpu.vector_load %arg12[%swap3A_2031] {strides = array<i32>} : memref<320xf32, #tpu.memory_space<vmem>>, vector<16xf32>,
        tpu.vector_store %arg12[%swap3A_2031], %select_n3A_2030 {strides = array<i32>} : memref<320xf32, #tpu.memory_space<vmem>>, vector<16xf32>,
        %add3A_2033 = arith.constant 304 : i32
        %add3A_2034 = arith.addi %mul3A_2, %add3A_2033 : i32
        %add3A_2035 = vector.broadcast %add3A_2034 : i32 to vector<16xi32>
        %add3A_2036 = arith.addi %add3A_2035, %iota3A : vector<16xi32>
        %convert_element_type3A_2037 = arith.sitofp %add3A_2036 : vector<16xi32> to vector<16xf32>
        %gt3A_2038 = arith.cmpf ogt, %select_n3A_2030, %select_n3A_1959 : vector<16xf32>
        %not3A_2039 = arith.constant dense<true> : vector<16xi1>
        %not3A_2040 = arith.xori %gt3A_2038, %not3A_2039 : vector<16xi1>
        %gt3A_2041 = arith.cmpf ogt, %select_n3A_2030, %select_n3A_1956 : vector<16xf32>
        %and3A_2042 = arith.andi %not3A_2040, %gt3A_2041 : vector<16xi1>
        %select_n3A_2043 = arith.select %and3A_2042, %select_n3A_2030, %select_n3A_1956 : vector<16xi1>, vector<16xf32>
        %select_n3A_2044 = arith.select %gt3A_2038, %select_n3A_1959, %select_n3A_2043 : vector<16xi1>, vector<16xf32>
        %select_n3A_2045 = arith.select %and3A_2042, %convert_element_type3A_2037, %select_n3A_1958 : vector<16xi1>, vector<16xf32>
        %select_n3A_2046 = arith.select %gt3A_2038, %select_n3A_1960, %select_n3A_2045 : vector<16xi1>, vector<16xf32>
        %select_n3A_2047 = arith.select %gt3A_2038, %select_n3A_2030, %select_n3A_1959 : vector<16xi1>, vector<16xf32>
        %select_n3A_2048 = arith.select %gt3A_2038, %convert_element_type3A_2037, %select_n3A_1960 : vector<16xi1>, vector<16xf32>
        %reduce_max3A = arith.constant true
        %reduce_max3A_2049 = vector.broadcast %reduce_max3A : i1 to vector<16xi1>
        %reduce_max3A_2050 = tpu.scan <max>, %select_n3A_2047 masked %reduce_max3A_2049 : vector<16xf32>, vector<16xi1> -> vector<16xf32>
        %reduce_max3A_2051 = vector.extract %reduce_max3A_2050[15] : f32 from vector<16xf32>
        %eq3A_2052 = vector.broadcast %reduce_max3A_2051 : f32 to vector<16xf32>
        %eq3A_2053 = arith.cmpf oeq, %select_n3A_2047, %eq3A_2052 : vector<16xf32>
        %select_n3A_2054 = arith.select %eq3A_2053, %select_n3A_2048, %broadcast_in_dim3A_5 : vector<16xi1>, vector<16xf32>
        %reduce_min3A = arith.constant true
        %reduce_min3A_2055 = vector.broadcast %reduce_min3A : i1 to vector<16xi1>
        %reduce_min3A_2056 = tpu.scan <min>, %select_n3A_2054 masked %reduce_min3A_2055 : vector<16xf32>, vector<16xi1> -> vector<16xf32>
        %reduce_min3A_2057 = vector.extract %reduce_min3A_2056[15] : f32 from vector<16xf32>
        %eq3A_2058 = vector.broadcast %reduce_max3A_2051 : f32 to vector<16xf32>
        %eq3A_2059 = arith.cmpf oeq, %select_n3A_2047, %eq3A_2058 : vector<16xf32>
        %eq3A_2060 = vector.broadcast %reduce_min3A_2057 : f32 to vector<16xf32>
        %eq3A_2061 = arith.cmpf oeq, %select_n3A_2048, %eq3A_2060 : vector<16xf32>
        %and3A_2062 = arith.andi %eq3A_2059, %eq3A_2061 : vector<16xi1>
        %select_n3A_2063 = arith.select %and3A_2062, %select_n3A_2044, %select_n3A_2047 : vector<16xi1>, vector<16xf32>
        %select_n3A_2064 = arith.select %and3A_2062, %select_n3A_2046, %select_n3A_2048 : vector<16xi1>, vector<16xf32>
        %reduce_max3A_2065 = arith.constant true
        %reduce_max3A_2066 = vector.broadcast %reduce_max3A_2065 : i1 to vector<16xi1>
        %reduce_max3A_2067 = tpu.scan <max>, %select_n3A_2063 masked %reduce_max3A_2066 : vector<16xf32>, vector<16xi1> -> vector<16xf32>
        %reduce_max3A_2068 = vector.extract %reduce_max3A_2067[15] : f32 from vector<16xf32>
        %eq3A_2069 = vector.broadcast %reduce_max3A_2068 : f32 to vector<16xf32>
        %eq3A_2070 = arith.cmpf oeq, %select_n3A_2063, %eq3A_2069 : vector<16xf32>
        %select_n3A_2071 = arith.select %eq3A_2070, %select_n3A_2064, %broadcast_in_dim3A_5 : vector<16xi1>, vector<16xf32>
        %reduce_min3A_2072 = arith.constant true
        %reduce_min3A_2073 = vector.broadcast %reduce_min3A_2072 : i1 to vector<16xi1>
        %reduce_min3A_2074 = tpu.scan <min>, %select_n3A_2071 masked %reduce_min3A_2073 : vector<16xf32>, vector<16xi1> -> vector<16xf32>
        %reduce_min3A_2075 = vector.extract %reduce_min3A_2074[15] : f32 from vector<16xf32>
        %convert_element_type3A_2076 = arith.fptosi %reduce_min3A_2057 : f32 to i32
        %sub3A_2077 = arith.subi %convert_element_type3A_2076, %mul3A_2 : i32
        %convert_element_type3A_2078 = arith.fptosi %reduce_min3A_2075 : f32 to i32
        %sub3A_2079 = arith.subi %convert_element_type3A_2078, %mul3A_2 : i32
        %lt3A = arith.constant 8 : i32
        %lt3A_2080 = vector.broadcast %lt3A : i32 to vector<16xi32>
        %lt3A_2081 = arith.cmpi slt, %iota3A, %lt3A_2080 : vector<16xi32>
        %broadcast_in_dim3A_2082 = vector.broadcast %sub3A_2077 : i32 to vector<16xi32>
        %broadcast_in_dim3A_2083 = vector.broadcast %sub3A_2079 : i32 to vector<16xi32>
        %select_n3A_2084 = arith.select %lt3A_2081, %broadcast_in_dim3A_2082, %broadcast_in_dim3A_2083 : vector<16xi1>, vector<16xi32>
        %gather3A = tpu.vector_load_idx %arg8[%select_n3A_2084] : memref<320xf32, #tpu.memory_space<vmem>>[vector<16xi32>], vector<16xf32>,
        %gather3A_2085 = tpu.vector_load_idx %arg9[%select_n3A_2084] : memref<320xf32, #tpu.memory_space<vmem>>[vector<16xi32>], vector<16xf32>,
        %gather3A_2086 = tpu.vector_load_idx %arg10[%select_n3A_2084] : memref<320xf32, #tpu.memory_space<vmem>>[vector<16xi32>], vector<16xf32>,
        %gather3A_2087 = tpu.vector_load_idx %arg11[%select_n3A_2084] : memref<320xf32, #tpu.memory_space<vmem>>[vector<16xi32>], vector<16xf32>,
        %gather3A_2088 = tpu.vector_load_idx %arg13[%select_n3A_2084] : memref<320xf32, #tpu.memory_space<vmem>>[vector<16xi32>], vector<16xf32>,
        %and3A_2089 = arith.constant 7 : i32
        %and3A_2090 = vector.broadcast %and3A_2089 : i32 to vector<16xi32>
        %and3A_2091 = arith.andi %iota3A, %and3A_2090 : vector<16xi32>
        %lt3A_2092 = arith.constant 8 : i32
        %lt3A_2093 = vector.broadcast %lt3A_2092 : i32 to vector<16xi32>
        %lt3A_2094 = arith.cmpi slt, %iota3A, %lt3A_2093 : vector<16xi32>
        %broadcast_in_dim3A_2095 = vector.broadcast %reduce_max3A_2051 : f32 to vector<16xf32>
        %broadcast_in_dim3A_2096 = vector.broadcast %reduce_max3A_2068 : f32 to vector<16xf32>
        %select_n3A_2097 = arith.select %lt3A_2094, %broadcast_in_dim3A_2095, %broadcast_in_dim3A_2096 : vector<16xi1>, vector<16xf32>
        %lt3A_2098 = arith.constant 8 : i32
        %lt3A_2099 = vector.broadcast %lt3A_2098 : i32 to vector<16xi32>
        %lt3A_2100 = arith.cmpi slt, %iota3A, %lt3A_2099 : vector<16xi32>
        %broadcast_in_dim3A_2101 = vector.broadcast %reduce_min3A_2057 : f32 to vector<16xf32>
        %broadcast_in_dim3A_2102 = vector.broadcast %reduce_min3A_2075 : f32 to vector<16xf32>
        %select_n3A_2103 = arith.select %lt3A_2100, %broadcast_in_dim3A_2101, %broadcast_in_dim3A_2102 : vector<16xi1>, vector<16xf32>
        %eq3A_2104 = arith.constant 0 : i32
        %eq3A_2105 = vector.broadcast %eq3A_2104 : i32 to vector<16xi32>
        %eq3A_2106 = arith.cmpi eq, %and3A_2091, %eq3A_2105 : vector<16xi32>
        %eq3A_2107 = arith.constant 1 : i32
        %eq3A_2108 = vector.broadcast %eq3A_2107 : i32 to vector<16xi32>
        %eq3A_2109 = arith.cmpi eq, %and3A_2091, %eq3A_2108 : vector<16xi32>
        %eq3A_2110 = arith.constant 2 : i32
        %eq3A_2111 = vector.broadcast %eq3A_2110 : i32 to vector<16xi32>
        %eq3A_2112 = arith.cmpi eq, %and3A_2091, %eq3A_2111 : vector<16xi32>
        %eq3A_2113 = arith.constant 3 : i32
        %eq3A_2114 = vector.broadcast %eq3A_2113 : i32 to vector<16xi32>
        %eq3A_2115 = arith.cmpi eq, %and3A_2091, %eq3A_2114 : vector<16xi32>
        %eq3A_2116 = arith.constant 4 : i32
        %eq3A_2117 = vector.broadcast %eq3A_2116 : i32 to vector<16xi32>
        %eq3A_2118 = arith.cmpi eq, %and3A_2091, %eq3A_2117 : vector<16xi32>
        %eq3A_2119 = arith.constant 5 : i32
        %eq3A_2120 = vector.broadcast %eq3A_2119 : i32 to vector<16xi32>
        %eq3A_2121 = arith.cmpi eq, %and3A_2091, %eq3A_2120 : vector<16xi32>
        %select_n3A_2122 = arith.select %eq3A_2121, %select_n3A_2103, %gather3A_2088 : vector<16xi1>, vector<16xf32>
        %select_n3A_2123 = arith.select %eq3A_2118, %select_n3A_2097, %select_n3A_2122 : vector<16xi1>, vector<16xf32>
        %select_n3A_2124 = arith.select %eq3A_2115, %gather3A_2087, %select_n3A_2123 : vector<16xi1>, vector<16xf32>
        %select_n3A_2125 = arith.select %eq3A_2112, %gather3A_2086, %select_n3A_2124 : vector<16xi1>, vector<16xf32>
        %select_n3A_2126 = arith.select %eq3A_2109, %gather3A_2085, %select_n3A_2125 : vector<16xi1>, vector<16xf32>
        %select_n3A_2127 = arith.select %eq3A_2106, %gather3A, %select_n3A_2126 : vector<16xi1>, vector<16xf32>
        %and3A_2128 = arith.constant 1 : i32
        %and3A_2129 = arith.andi %while3A_277, %and3A_2128 : i32
        %swap3A_2130 = arith.constant 0 : index
        %swap3A_2131 = tpu.vector_load %arg14[%swap3A_2130] {strides = array<i32>} : memref<128xf32, #tpu.memory_space<vmem>>, vector<16xf32>,
        tpu.vector_store %arg14[%swap3A_2130], %select_n3A_2127 {strides = array<i32>} : memref<128xf32, #tpu.memory_space<vmem>>, vector<16xf32>,
        "tpu.region"() ({
          %run_scoped3A = tpu.sem_alloc : memref<!tpu.dma_semaphore, #tpu.memory_space<semaphore_mem>>
          %dma_start3A = arith.constant 0 : i32
          %dma_start3A_2375 = tpu.memref_slice %arg18[%and3A_2129, %arg1, %dma_start3A] : memref<2x16x128xf32, #tpu.memory_space<vmem_shared>> -> memref<1x1x128xf32, #tpu.memory_space<vmem_shared>>
          %dma_start3A_2376 = tpu.memref_squeeze %dma_start3A_2375 : memref<1x1x128xf32, #tpu.memory_space<vmem_shared>> -> memref<128xf32, #tpu.memory_space<vmem_shared>>
          %dma_start3A_2377 = arith.constant 0 : i32
          %dma_start3A_2378 = tpu.memref_slice %arg18[%and3A_2129, %arg1, %dma_start3A_2377] : memref<2x16x128xf32, #tpu.memory_space<vmem_shared>> -> memref<1x1x128xf32, #tpu.memory_space<vmem_shared>>
          %dma_start3A_2379 = tpu.memref_squeeze %dma_start3A_2378 : memref<1x1x128xf32, #tpu.memory_space<vmem_shared>> -> memref<128xf32, #tpu.memory_space<vmem_shared>>
          tpu.enqueue_dma source(%arg14 : memref<128xf32, #tpu.memory_space<vmem>>) target(%dma_start3A_2379 : memref<128xf32, #tpu.memory_space<vmem_shared>>) target_semaphore(%run_scoped3A : memref<!tpu.dma_semaphore, #tpu.memory_space<semaphore_mem>>)
          %dma_wait3A = arith.constant 0 : i32
          %dma_wait3A_2380 = tpu.memref_slice %arg18[%and3A_2129, %arg1, %dma_wait3A] : memref<2x16x128xf32, #tpu.memory_space<vmem_shared>> -> memref<1x1x128xf32, #tpu.memory_space<vmem_shared>>
          %dma_wait3A_2381 = tpu.memref_squeeze %dma_wait3A_2380 : memref<1x1x128xf32, #tpu.memory_space<vmem_shared>> -> memref<128xf32, #tpu.memory_space<vmem_shared>>
          %dma_wait3A_2382 = arith.constant 0 : i32
          %dma_wait3A_2383 = tpu.memref_slice %arg18[%and3A_2129, %arg1, %dma_wait3A_2382] : memref<2x16x128xf32, #tpu.memory_space<vmem_shared>> -> memref<1x1x128xf32, #tpu.memory_space<vmem_shared>>
          %dma_wait3A_2384 = tpu.memref_squeeze %dma_wait3A_2383 : memref<1x1x128xf32, #tpu.memory_space<vmem_shared>> -> memref<128xf32, #tpu.memory_space<vmem_shared>>
          tpu.wait_dma2 semaphore(%run_scoped3A : memref<!tpu.dma_semaphore, #tpu.memory_space<semaphore_mem>>) src(%arg14 : memref<128xf32, #tpu.memory_space<vmem>>) dst(%dma_wait3A_2384 : memref<128xf32, #tpu.memory_space<vmem_shared>>)
          tpu.yield
        }) : () -> ()
        %barrier3A = arith.constant 0 : index
        tpu.barrier barrier_id(%barrier3A)
        "tpu.region"() ({
          %run_scoped3A = tpu.sem_alloc : memref<!tpu.dma_semaphore, #tpu.memory_space<semaphore_mem>>
          %dma_start3A = arith.constant 0 : i32
          %dma_start3A_2375 = arith.constant 0 : i32
          %dma_start3A_2376 = tpu.memref_slice %arg18[%and3A_2129, %dma_start3A, %dma_start3A_2375] : memref<2x16x128xf32, #tpu.memory_space<vmem_shared>> -> memref<1x16x128xf32, #tpu.memory_space<vmem_shared>>
          %dma_start3A_2377 = tpu.memref_squeeze %dma_start3A_2376 : memref<1x16x128xf32, #tpu.memory_space<vmem_shared>> -> memref<16x128xf32, #tpu.memory_space<vmem_shared>>
          %dma_start3A_2378 = arith.constant 0 : i32
          %dma_start3A_2379 = arith.constant 0 : i32
          %dma_start3A_2380 = tpu.memref_slice %arg18[%and3A_2129, %dma_start3A_2378, %dma_start3A_2379] : memref<2x16x128xf32, #tpu.memory_space<vmem_shared>> -> memref<1x16x128xf32, #tpu.memory_space<vmem_shared>>
          %dma_start3A_2381 = tpu.memref_squeeze %dma_start3A_2380 : memref<1x16x128xf32, #tpu.memory_space<vmem_shared>> -> memref<16x128xf32, #tpu.memory_space<vmem_shared>>
          tpu.enqueue_dma source(%dma_start3A_2381 : memref<16x128xf32, #tpu.memory_space<vmem_shared>>) target(%arg15 : memref<16x128xf32, #tpu.memory_space<vmem>>) target_semaphore(%run_scoped3A : memref<!tpu.dma_semaphore, #tpu.memory_space<semaphore_mem>>)
          %dma_wait3A = arith.constant 0 : i32
          %dma_wait3A_2382 = arith.constant 0 : i32
          %dma_wait3A_2383 = tpu.memref_slice %arg18[%and3A_2129, %dma_wait3A, %dma_wait3A_2382] : memref<2x16x128xf32, #tpu.memory_space<vmem_shared>> -> memref<1x16x128xf32, #tpu.memory_space<vmem_shared>>
          %dma_wait3A_2384 = tpu.memref_squeeze %dma_wait3A_2383 : memref<1x16x128xf32, #tpu.memory_space<vmem_shared>> -> memref<16x128xf32, #tpu.memory_space<vmem_shared>>
          %dma_wait3A_2385 = arith.constant 0 : i32
          %dma_wait3A_2386 = arith.constant 0 : i32
          %dma_wait3A_2387 = tpu.memref_slice %arg18[%and3A_2129, %dma_wait3A_2385, %dma_wait3A_2386] : memref<2x16x128xf32, #tpu.memory_space<vmem_shared>> -> memref<1x16x128xf32, #tpu.memory_space<vmem_shared>>
          %dma_wait3A_2388 = tpu.memref_squeeze %dma_wait3A_2387 : memref<1x16x128xf32, #tpu.memory_space<vmem_shared>> -> memref<16x128xf32, #tpu.memory_space<vmem_shared>>
          tpu.wait_dma2 semaphore(%run_scoped3A : memref<!tpu.dma_semaphore, #tpu.memory_space<semaphore_mem>>) src(%dma_wait3A_2388 : memref<16x128xf32, #tpu.memory_space<vmem_shared>>) dst(%arg15 : memref<16x128xf32, #tpu.memory_space<vmem>>)
          tpu.yield
        }) : () -> ()
        %broadcast_in_dim3A_2132 = arith.constant 4 : i32
        %broadcast_in_dim3A_2133 = vector.broadcast %broadcast_in_dim3A_2132 : i32 to vector<16xi32>
        %gather3A_2134 = tpu.vector_load_idx %arg15[%iota3A, %broadcast_in_dim3A_2133] : memref<16x128xf32, #tpu.memory_space<vmem>>[vector<16xi32>, vector<16xi32>], vector<16xf32>,
        %broadcast_in_dim3A_2135 = arith.constant 5 : i32
        %broadcast_in_dim3A_2136 = vector.broadcast %broadcast_in_dim3A_2135 : i32 to vector<16xi32>
        %gather3A_2137 = tpu.vector_load_idx %arg15[%iota3A, %broadcast_in_dim3A_2136] : memref<16x128xf32, #tpu.memory_space<vmem>>[vector<16xi32>, vector<16xi32>], vector<16xf32>,
        %reduce_max3A_2138 = arith.constant true
        %reduce_max3A_2139 = vector.broadcast %reduce_max3A_2138 : i1 to vector<16xi1>
        %reduce_max3A_2140 = tpu.scan <max>, %gather3A_2134 masked %reduce_max3A_2139 : vector<16xf32>, vector<16xi1> -> vector<16xf32>
        %reduce_max3A_2141 = vector.extract %reduce_max3A_2140[15] : f32 from vector<16xf32>
        %eq3A_2142 = vector.broadcast %reduce_max3A_2141 : f32 to vector<16xf32>
        %eq3A_2143 = arith.cmpf oeq, %gather3A_2134, %eq3A_2142 : vector<16xf32>
        %select_n3A_2144 = arith.select %eq3A_2143, %gather3A_2137, %broadcast_in_dim3A_5 : vector<16xi1>, vector<16xf32>
        %reduce_min3A_2145 = arith.constant true
        %reduce_min3A_2146 = vector.broadcast %reduce_min3A_2145 : i1 to vector<16xi1>
        %reduce_min3A_2147 = tpu.scan <min>, %select_n3A_2144 masked %reduce_min3A_2146 : vector<16xf32>, vector<16xi1> -> vector<16xf32>
        %reduce_min3A_2148 = vector.extract %reduce_min3A_2147[15] : f32 from vector<16xf32>
        %eq3A_2149 = vector.broadcast %reduce_min3A_2148 : f32 to vector<16xf32>
        %eq3A_2150 = arith.cmpf oeq, %gather3A_2137, %eq3A_2149 : vector<16xf32>
        %and3A_2151 = arith.andi %eq3A_2143, %eq3A_2150 : vector<16xi1>
        %jit3A_2152 = arith.constant 15 : i32
        %broadcast_in_dim3A_2153 = vector.broadcast %jit3A_2152 : i32 to vector<16xi32>
        %select_n3A_2154 = arith.select %and3A_2151, %iota3A, %broadcast_in_dim3A_2153 : vector<16xi1>, vector<16xi32>
        %reduce_min3A_2155 = arith.constant true
        %reduce_min3A_2156 = vector.broadcast %reduce_min3A_2155 : i1 to vector<16xi1>
        %reduce_min3A_2157 = arith.constant -2147483648 : i32
        %reduce_min3A_2158 = vector.broadcast %reduce_min3A_2157 : i32 to vector<16xi32>
        %reduce_min3A_2159 = arith.xori %select_n3A_2154, %reduce_min3A_2158 : vector<16xi32>
        %reduce_min3A_2160 = tpu.scan <min>, %reduce_min3A_2159 masked %reduce_min3A_2156 : vector<16xi32>, vector<16xi1> -> vector<16xi32>
        %reduce_min3A_2161 = arith.xori %reduce_min3A_2160, %reduce_min3A_2158 : vector<16xi32>
        %reduce_min3A_2162 = vector.extract %reduce_min3A_2161[15] : i32 from vector<16xi32>
        %broadcast_in_dim3A_2163 = vector.broadcast %reduce_min3A_2162 : i32 to vector<16xi32>
        %gather3A_2164 = tpu.vector_load_idx %arg15[%broadcast_in_dim3A_2163, %iota3A] : memref<16x128xf32, #tpu.memory_space<vmem>>[vector<16xi32>, vector<16xi32>], vector<16xf32>,
        %slice3A_2165 = vector.extract_strided_slice %gather3A_2164 {offsets = [0], sizes = [1], strides = [1]} : vector<16xf32> to vector<1xf32>
        %squeeze3A_2166 = vector.extract %slice3A_2165[0] : f32 from vector<1xf32>
        %slice3A_2167 = vector.extract_strided_slice %gather3A_2164 {offsets = [1], sizes = [1], strides = [1]} : vector<16xf32> to vector<1xf32>
        %squeeze3A_2168 = vector.extract %slice3A_2167[0] : f32 from vector<1xf32>
        %slice3A_2169 = vector.extract_strided_slice %gather3A_2164 {offsets = [2], sizes = [1], strides = [1]} : vector<16xf32> to vector<1xf32>
        %squeeze3A_2170 = vector.extract %slice3A_2169[0] : f32 from vector<1xf32>
        %slice3A_2171 = vector.extract_strided_slice %gather3A_2164 {offsets = [3], sizes = [1], strides = [1]} : vector<16xf32> to vector<1xf32>
        %squeeze3A_2172 = vector.extract %slice3A_2171[0] : f32 from vector<1xf32>
        %slice3A_2173 = vector.extract_strided_slice %gather3A_2164 {offsets = [6], sizes = [1], strides = [1]} : vector<16xf32> to vector<1xf32>
        %squeeze3A_2174 = vector.extract %slice3A_2173[0] : f32 from vector<1xf32>
        %broadcast_in_dim3A_2175 = arith.constant 0 : i32
        %broadcast_in_dim3A_2176 = vector.broadcast %broadcast_in_dim3A_2175 : i32 to vector<16xi32>
        %gather3A_2177 = tpu.vector_load_idx %arg15[%iota3A, %broadcast_in_dim3A_2176] : memref<16x128xf32, #tpu.memory_space<vmem>>[vector<16xi32>, vector<16xi32>], vector<16xf32>,
        %broadcast_in_dim3A_2178 = arith.constant 1 : i32
        %broadcast_in_dim3A_2179 = vector.broadcast %broadcast_in_dim3A_2178 : i32 to vector<16xi32>
        %gather3A_2180 = tpu.vector_load_idx %arg15[%iota3A, %broadcast_in_dim3A_2179] : memref<16x128xf32, #tpu.memory_space<vmem>>[vector<16xi32>, vector<16xi32>], vector<16xf32>,
        %broadcast_in_dim3A_2181 = arith.constant 2 : i32
        %broadcast_in_dim3A_2182 = vector.broadcast %broadcast_in_dim3A_2181 : i32 to vector<16xi32>
        %gather3A_2183 = tpu.vector_load_idx %arg15[%iota3A, %broadcast_in_dim3A_2182] : memref<16x128xf32, #tpu.memory_space<vmem>>[vector<16xi32>, vector<16xi32>], vector<16xf32>,
        %broadcast_in_dim3A_2184 = arith.constant 3 : i32
        %broadcast_in_dim3A_2185 = vector.broadcast %broadcast_in_dim3A_2184 : i32 to vector<16xi32>
        %gather3A_2186 = tpu.vector_load_idx %arg15[%iota3A, %broadcast_in_dim3A_2185] : memref<16x128xf32, #tpu.memory_space<vmem>>[vector<16xi32>, vector<16xi32>], vector<16xf32>,
        %broadcast_in_dim3A_2187 = arith.constant 6 : i32
        %broadcast_in_dim3A_2188 = vector.broadcast %broadcast_in_dim3A_2187 : i32 to vector<16xi32>
        %gather3A_2189 = tpu.vector_load_idx %arg15[%iota3A, %broadcast_in_dim3A_2188] : memref<16x128xf32, #tpu.memory_space<vmem>>[vector<16xi32>, vector<16xi32>], vector<16xf32>,
        %max3A_2190 = vector.broadcast %squeeze3A_2166 : f32 to vector<16xf32>
        %max3A_2191 = arith.maximumf %max3A_2190, %gather3A_2177 : vector<16xf32>
        %max3A_2192 = vector.broadcast %squeeze3A_2168 : f32 to vector<16xf32>
        %max3A_2193 = arith.maximumf %max3A_2192, %gather3A_2180 : vector<16xf32>
        %min3A_2194 = vector.broadcast %squeeze3A_2170 : f32 to vector<16xf32>
        %min3A_2195 = arith.minimumf %min3A_2194, %gather3A_2183 : vector<16xf32>
        %min3A_2196 = vector.broadcast %squeeze3A_2172 : f32 to vector<16xf32>
        %min3A_2197 = arith.minimumf %min3A_2196, %gather3A_2186 : vector<16xf32>
        %sub3A_2198 = arith.subf %min3A_2195, %max3A_2191 : vector<16xf32>
        %max3A_2199 = arith.constant 0.000000e+00 : f32
        %max3A_2200 = vector.broadcast %max3A_2199 : f32 to vector<16xf32>
        %max3A_2201 = arith.maximumf %sub3A_2198, %max3A_2200 : vector<16xf32>
        %sub3A_2202 = arith.subf %min3A_2197, %max3A_2193 : vector<16xf32>
        %max3A_2203 = arith.constant 0.000000e+00 : f32
        %max3A_2204 = vector.broadcast %max3A_2203 : f32 to vector<16xf32>
        %max3A_2205 = arith.maximumf %sub3A_2202, %max3A_2204 : vector<16xf32>
        %mul3A_2206 = arith.mulf %max3A_2201, %max3A_2205 : vector<16xf32>
        %add3A_2207 = vector.broadcast %squeeze3A_2174 : f32 to vector<16xf32>
        %add3A_2208 = arith.addf %add3A_2207, %gather3A_2189 : vector<16xf32>
        %sub3A_2209 = arith.subf %add3A_2208, %mul3A_2206 : vector<16xf32>
        %add3A_2210 = arith.constant 9.99999971E-10 : f32
        %add3A_2211 = vector.broadcast %add3A_2210 : f32 to vector<16xf32>
        %add3A_2212 = arith.addf %sub3A_2209, %add3A_2211 : vector<16xf32>
        %div3A_2213 = arith.divf %mul3A_2206, %add3A_2212 : vector<16xf32>
        %broadcast_in_dim3A_2214 = arith.constant 8 : i32
        %broadcast_in_dim3A_2215 = vector.broadcast %broadcast_in_dim3A_2214 : i32 to vector<16xi32>
        %gather3A_2216 = tpu.vector_load_idx %arg15[%iota3A, %broadcast_in_dim3A_2215] : memref<16x128xf32, #tpu.memory_space<vmem>>[vector<16xi32>, vector<16xi32>], vector<16xf32>,
        %broadcast_in_dim3A_2217 = arith.constant 9 : i32
        %broadcast_in_dim3A_2218 = vector.broadcast %broadcast_in_dim3A_2217 : i32 to vector<16xi32>
        %gather3A_2219 = tpu.vector_load_idx %arg15[%iota3A, %broadcast_in_dim3A_2218] : memref<16x128xf32, #tpu.memory_space<vmem>>[vector<16xi32>, vector<16xi32>], vector<16xf32>,
        %broadcast_in_dim3A_2220 = arith.constant 10 : i32
        %broadcast_in_dim3A_2221 = vector.broadcast %broadcast_in_dim3A_2220 : i32 to vector<16xi32>
        %gather3A_2222 = tpu.vector_load_idx %arg15[%iota3A, %broadcast_in_dim3A_2221] : memref<16x128xf32, #tpu.memory_space<vmem>>[vector<16xi32>, vector<16xi32>], vector<16xf32>,
        %broadcast_in_dim3A_2223 = arith.constant 11 : i32
        %broadcast_in_dim3A_2224 = vector.broadcast %broadcast_in_dim3A_2223 : i32 to vector<16xi32>
        %gather3A_2225 = tpu.vector_load_idx %arg15[%iota3A, %broadcast_in_dim3A_2224] : memref<16x128xf32, #tpu.memory_space<vmem>>[vector<16xi32>, vector<16xi32>], vector<16xf32>,
        %broadcast_in_dim3A_2226 = arith.constant 14 : i32
        %broadcast_in_dim3A_2227 = vector.broadcast %broadcast_in_dim3A_2226 : i32 to vector<16xi32>
        %gather3A_2228 = tpu.vector_load_idx %arg15[%iota3A, %broadcast_in_dim3A_2227] : memref<16x128xf32, #tpu.memory_space<vmem>>[vector<16xi32>, vector<16xi32>], vector<16xf32>,
        %max3A_2229 = vector.broadcast %squeeze3A_2166 : f32 to vector<16xf32>
        %max3A_2230 = arith.maximumf %max3A_2229, %gather3A_2216 : vector<16xf32>
        %max3A_2231 = vector.broadcast %squeeze3A_2168 : f32 to vector<16xf32>
        %max3A_2232 = arith.maximumf %max3A_2231, %gather3A_2219 : vector<16xf32>
        %min3A_2233 = vector.broadcast %squeeze3A_2170 : f32 to vector<16xf32>
        %min3A_2234 = arith.minimumf %min3A_2233, %gather3A_2222 : vector<16xf32>
        %min3A_2235 = vector.broadcast %squeeze3A_2172 : f32 to vector<16xf32>
        %min3A_2236 = arith.minimumf %min3A_2235, %gather3A_2225 : vector<16xf32>
        %sub3A_2237 = arith.subf %min3A_2234, %max3A_2230 : vector<16xf32>
        %max3A_2238 = arith.constant 0.000000e+00 : f32
        %max3A_2239 = vector.broadcast %max3A_2238 : f32 to vector<16xf32>
        %max3A_2240 = arith.maximumf %sub3A_2237, %max3A_2239 : vector<16xf32>
        %sub3A_2241 = arith.subf %min3A_2236, %max3A_2232 : vector<16xf32>
        %max3A_2242 = arith.constant 0.000000e+00 : f32
        %max3A_2243 = vector.broadcast %max3A_2242 : f32 to vector<16xf32>
        %max3A_2244 = arith.maximumf %sub3A_2241, %max3A_2243 : vector<16xf32>
        %mul3A_2245 = arith.mulf %max3A_2240, %max3A_2244 : vector<16xf32>
        %add3A_2246 = vector.broadcast %squeeze3A_2174 : f32 to vector<16xf32>
        %add3A_2247 = arith.addf %add3A_2246, %gather3A_2228 : vector<16xf32>
        %sub3A_2248 = arith.subf %add3A_2247, %mul3A_2245 : vector<16xf32>
        %add3A_2249 = arith.constant 9.99999971E-10 : f32
        %add3A_2250 = vector.broadcast %add3A_2249 : f32 to vector<16xf32>
        %add3A_2251 = arith.addf %sub3A_2248, %add3A_2250 : vector<16xf32>
        %div3A_2252 = arith.divf %mul3A_2245, %add3A_2251 : vector<16xf32>
        %gt3A_2253 = arith.constant 5.000000e-01 : f32
        %gt3A_2254 = vector.broadcast %gt3A_2253 : f32 to vector<16xf32>
        %gt3A_2255 = arith.cmpf ogt, %div3A_2213, %gt3A_2254 : vector<16xf32>
        %not3A_2256 = arith.constant dense<true> : vector<16xi1>
        %not3A_2257 = arith.xori %gt3A_2255, %not3A_2256 : vector<16xi1>
        %gt3A_2258 = arith.constant 5.000000e-01 : f32
        %gt3A_2259 = vector.broadcast %gt3A_2258 : f32 to vector<16xf32>
        %gt3A_2260 = arith.cmpf ogt, %div3A_2252, %gt3A_2259 : vector<16xf32>
        %not3A_2261 = arith.constant dense<true> : vector<16xi1>
        %not3A_2262 = arith.xori %gt3A_2260, %not3A_2261 : vector<16xi1>
        %eq3A_2263 = vector.broadcast %reduce_min3A_2162 : i32 to vector<16xi32>
        %eq3A_2264 = arith.cmpi eq, %iota3A, %eq3A_2263 : vector<16xi32>
        %broadcast_in_dim3A_2265 = arith.constant 12 : i32
        %broadcast_in_dim3A_2266 = vector.broadcast %broadcast_in_dim3A_2265 : i32 to vector<16xi32>
        %gather3A_2267 = tpu.vector_load_idx %arg15[%iota3A, %broadcast_in_dim3A_2266] : memref<16x128xf32, #tpu.memory_space<vmem>>[vector<16xi32>, vector<16xi32>], vector<16xf32>,
        %broadcast_in_dim3A_2268 = arith.constant 13 : i32
        %broadcast_in_dim3A_2269 = vector.broadcast %broadcast_in_dim3A_2268 : i32 to vector<16xi32>
        %gather3A_2270 = tpu.vector_load_idx %arg15[%iota3A, %broadcast_in_dim3A_2269] : memref<16x128xf32, #tpu.memory_space<vmem>>[vector<16xi32>, vector<16xi32>], vector<16xf32>,
        %select_n3A_2271 = arith.select %not3A_2262, %gather3A_2267, %broadcast_in_dim3A_3 : vector<16xi1>, vector<16xf32>
        %select_n3A_2272 = arith.select %not3A_2262, %gather3A_2267, %broadcast_in_dim3A_3 : vector<16xi1>, vector<16xf32>
        %select_n3A_2273 = arith.select %not3A_2257, %gather3A_2134, %select_n3A_2272 : vector<16xi1>, vector<16xf32>
        %select_n3A_2274 = arith.select %eq3A_2264, %select_n3A_2271, %select_n3A_2273 : vector<16xi1>, vector<16xf32>
        %select_n3A_2275 = arith.select %not3A_2257, %gather3A_2137, %gather3A_2270 : vector<16xi1>, vector<16xf32>
        %select_n3A_2276 = arith.select %eq3A_2264, %gather3A_2270, %select_n3A_2275 : vector<16xi1>, vector<16xf32>
        %not3A_2277 = arith.constant dense<true> : vector<16xi1>
        %not3A_2278 = arith.xori %not3A_2257, %not3A_2277 : vector<16xi1>
        %or3A_2279 = arith.ori %eq3A_2264, %not3A_2278 : vector<16xi1>
        %not3A_2280 = arith.constant dense<true> : vector<16xi1>
        %not3A_2281 = arith.xori %not3A_2262, %not3A_2280 : vector<16xi1>
        %or3A_2282 = arith.ori %not3A_2257, %not3A_2262 : vector<16xi1>
        %not3A_2283 = arith.constant dense<true> : vector<16xi1>
        %not3A_2284 = arith.xori %or3A_2282, %not3A_2283 : vector<16xi1>
        %select_n3A_2285 = arith.select %eq3A_2264, %not3A_2281, %not3A_2284 : vector<16xi1>, vector<16xi1>
        %convert_element_type3A_2286 = arith.extui %select_n3A_2285 : vector<16xi1> to vector<16xi32>
        %reduce_max3A_2287 = arith.constant true
        %reduce_max3A_2288 = vector.broadcast %reduce_max3A_2287 : i1 to vector<16xi1>
        %reduce_max3A_2289 = arith.constant -2147483648 : i32
        %reduce_max3A_2290 = vector.broadcast %reduce_max3A_2289 : i32 to vector<16xi32>
        %reduce_max3A_2291 = arith.xori %convert_element_type3A_2286, %reduce_max3A_2290 : vector<16xi32>
        %reduce_max3A_2292 = tpu.scan <max>, %reduce_max3A_2291 masked %reduce_max3A_2288 : vector<16xi32>, vector<16xi1> -> vector<16xi32>
        %reduce_max3A_2293 = arith.xori %reduce_max3A_2292, %reduce_max3A_2290 : vector<16xi32>
        %reduce_max3A_2294 = vector.extract %reduce_max3A_2293[15] : i32 from vector<16xi32>
        %eq3A_2295 = arith.constant 0 : i32
        %eq3A_2296 = arith.cmpi eq, %reduce_max3A_2294, %eq3A_2295 : i32
        %reduce_max3A_2297 = arith.constant true
        %reduce_max3A_2298 = vector.broadcast %reduce_max3A_2297 : i1 to vector<16xi1>
        %reduce_max3A_2299 = tpu.scan <max>, %select_n3A_2274 masked %reduce_max3A_2298 : vector<16xf32>, vector<16xi1> -> vector<16xf32>
        %reduce_max3A_2300 = vector.extract %reduce_max3A_2299[15] : f32 from vector<16xf32>
        %eq3A_2301 = vector.broadcast %reduce_max3A_2300 : f32 to vector<16xf32>
        %eq3A_2302 = arith.cmpf oeq, %select_n3A_2274, %eq3A_2301 : vector<16xf32>
        %select_n3A_2303 = arith.select %eq3A_2302, %select_n3A_2276, %broadcast_in_dim3A_5 : vector<16xi1>, vector<16xf32>
        %reduce_min3A_2304 = arith.constant true
        %reduce_min3A_2305 = vector.broadcast %reduce_min3A_2304 : i1 to vector<16xi1>
        %reduce_min3A_2306 = tpu.scan <min>, %select_n3A_2303 masked %reduce_min3A_2305 : vector<16xf32>, vector<16xi1> -> vector<16xf32>
        %reduce_min3A_2307 = vector.extract %reduce_min3A_2306[15] : f32 from vector<16xf32>
        %eq3A_2308 = vector.broadcast %reduce_min3A_2307 : f32 to vector<16xf32>
        %eq3A_2309 = arith.cmpf oeq, %select_n3A_2276, %eq3A_2308 : vector<16xf32>
        %and3A_2310 = arith.andi %eq3A_2302, %eq3A_2309 : vector<16xi1>
        %jit3A_2311 = arith.constant 15 : i32
        %broadcast_in_dim3A_2312 = vector.broadcast %jit3A_2311 : i32 to vector<16xi32>
        %select_n3A_2313 = arith.select %and3A_2310, %iota3A, %broadcast_in_dim3A_2312 : vector<16xi1>, vector<16xi32>
        %reduce_min3A_2314 = arith.constant true
        %reduce_min3A_2315 = vector.broadcast %reduce_min3A_2314 : i1 to vector<16xi1>
        %reduce_min3A_2316 = arith.constant -2147483648 : i32
        %reduce_min3A_2317 = vector.broadcast %reduce_min3A_2316 : i32 to vector<16xi32>
        %reduce_min3A_2318 = arith.xori %select_n3A_2313, %reduce_min3A_2317 : vector<16xi32>
        %reduce_min3A_2319 = tpu.scan <min>, %reduce_min3A_2318 masked %reduce_min3A_2315 : vector<16xi32>, vector<16xi1> -> vector<16xi32>
        %reduce_min3A_2320 = arith.xori %reduce_min3A_2319, %reduce_min3A_2317 : vector<16xi32>
        %reduce_min3A_2321 = vector.extract %reduce_min3A_2320[15] : i32 from vector<16xi32>
        %and3A_2322 = arith.andi %and3A_2310, %or3A_2279 : vector<16xi1>
        %jit3A_2323 = arith.constant 8 : i32
        %jit3A_2324 = arith.constant 0 : i32
        %broadcast_in_dim3A_2325 = vector.broadcast %jit3A_2323 : i32 to vector<16xi32>
        %broadcast_in_dim3A_2326 = vector.broadcast %jit3A_2324 : i32 to vector<16xi32>
        %select_n3A_2327 = arith.select %and3A_2322, %broadcast_in_dim3A_2325, %broadcast_in_dim3A_2326 : vector<16xi1>, vector<16xi32>
        %reduce_max3A_2328 = arith.constant true
        %reduce_max3A_2329 = vector.broadcast %reduce_max3A_2328 : i1 to vector<16xi1>
        %reduce_max3A_2330 = arith.constant -2147483648 : i32
        %reduce_max3A_2331 = vector.broadcast %reduce_max3A_2330 : i32 to vector<16xi32>
        %reduce_max3A_2332 = arith.xori %select_n3A_2327, %reduce_max3A_2331 : vector<16xi32>
        %reduce_max3A_2333 = tpu.scan <max>, %reduce_max3A_2332 masked %reduce_max3A_2329 : vector<16xi32>, vector<16xi1> -> vector<16xi32>
        %reduce_max3A_2334 = arith.xori %reduce_max3A_2333, %reduce_max3A_2331 : vector<16xi32>
        %reduce_max3A_2335 = vector.extract %reduce_max3A_2334[15] : i32 from vector<16xi32>
        %broadcast_in_dim3A_2336 = vector.broadcast %reduce_min3A_2321 : i32 to vector<16xi32>
        %add3A_2337 = vector.broadcast %reduce_max3A_2335 : i32 to vector<16xi32>
        %add3A_2338 = arith.addi %iota3A, %add3A_2337 : vector<16xi32>
        %gather3A_2339 = tpu.vector_load_idx %arg15[%broadcast_in_dim3A_2336, %add3A_2338] : memref<16x128xf32, #tpu.memory_space<vmem>>[vector<16xi32>, vector<16xi32>], vector<16xf32>,
        %select_n3A_2340 = arith.select %eq3A_2296, %gather3A_2339, %gather3A_2164 : vector<16xf32>
        %slice3A_2341 = vector.extract_strided_slice %gather3A_2164 {offsets = [4], sizes = [1], strides = [1]} : vector<16xf32> to vector<1xf32>
        %squeeze3A_2342 = vector.extract %slice3A_2341[0] : f32 from vector<1xf32>
        %gt3A_2343 = arith.constant 5.000000e-02 : f32
        %gt3A_2344 = arith.cmpf ogt, %squeeze3A_2342, %gt3A_2343 : f32
        %jit3A_2345 = arith.constant 1 : i32
        %jit3A_2346 = arith.constant 0 : i32
        %select_n3A_2347 = arith.select %gt3A_2344, %jit3A_2345, %jit3A_2346 : i32
        %add3A_2348 = arith.addi %while3A_278, %select_n3A_2347 : i32
        %slice3A_2349 = vector.extract_strided_slice %select_n3A_2340 {offsets = [4], sizes = [1], strides = [1]} : vector<16xf32> to vector<1xf32>
        %squeeze3A_2350 = vector.extract %slice3A_2349[0] : f32 from vector<1xf32>
        %gt3A_2351 = arith.constant 5.000000e-02 : f32
        %gt3A_2352 = arith.cmpf ogt, %squeeze3A_2350, %gt3A_2351 : f32
        %and3A_2353 = arith.andi %eq3A_2296, %gt3A_2352 : i1
        %lt3A_2354 = arith.constant 100 : i32
        %lt3A_2355 = arith.cmpi slt, %add3A_2348, %lt3A_2354 : i32
        %and3A_2356 = arith.andi %and3A_2353, %lt3A_2355 : i1
        %jit3A_2357 = arith.constant 1 : i32
        %jit3A_2358 = arith.constant 0 : i32
        %select_n3A_2359 = arith.select %and3A_2356, %jit3A_2357, %jit3A_2358 : i32
        %add3A_2360 = arith.addi %add3A_2348, %select_n3A_2359 : i32
        %eq3A_2361 = arith.constant 0 : i32
        %eq3A_2362 = arith.cmpi eq, %arg1, %eq3A_2361 : i32
        %and3A_2363 = arith.andi %eq3A_2362, %gt3A_2344 : i1
        %convert_element_type3A_2364 = arith.extui %and3A_2363 : i1 to i32
        %cond3A_2365 = arith.constant 0 : i32
        %cond3A_2366 = arith.cmpi ne, %convert_element_type3A_2364, %cond3A_2365 : i32
        scf.if %cond3A_2366 {
          %mul3A_2375 = arith.constant 16 : i32
          %mul3A_2376 = arith.muli %while3A_278, %mul3A_2375 : i32
          %swap3A_2377 = arith.index_cast %mul3A_2376 : i32 to index
          %swap3A_2378 = tpu.vector_load %arg16[%swap3A_2377] {strides = array<i32>} : memref<1600xf32, #tpu.memory_space<vmem>>, vector<16xf32>,
          tpu.vector_store %arg16[%swap3A_2377], %gather3A_2164 {strides = array<i32>} : memref<1600xf32, #tpu.memory_space<vmem>>, vector<16xf32>,
          %slice3A_2379 = vector.extract_strided_slice %gather3A_2164 {offsets = [5], sizes = [1], strides = [1]} : vector<16xf32> to vector<1xf32>
          %squeeze3A_2380 = vector.extract %slice3A_2379[0] : f32 from vector<1xf32>
          %convert_element_type3A_2381 = arith.fptosi %squeeze3A_2380 : f32 to i32
          %broadcast_in_dim3A_2382 = vector.broadcast %convert_element_type3A_2381 : i32 to vector<16xi32>
          %broadcast_in_dim3A_2383 = arith.constant 1 : i32
          %broadcast_in_dim3A_2384 = vector.broadcast %broadcast_in_dim3A_2383 : i32 to vector<16xi32>
          %eq3A_2385 = arith.constant 0 : i32
          %eq3A_2386 = vector.broadcast %eq3A_2385 : i32 to vector<16xi32>
          %eq3A_2387 = arith.cmpi eq, %iota3A, %eq3A_2386 : vector<16xi32>
          tpu.vector_store_idx %arg17[%broadcast_in_dim3A_2382], %broadcast_in_dim3A_2384 masked %eq3A_2387 : memref<5120xi32, #tpu.memory_space<vmem>>[vector<16xi32>], vector<16xi32>, vector<16xi1>
        } else {
        }
        %eq3A_2367 = arith.constant 0 : i32
        %eq3A_2368 = arith.cmpi eq, %arg1, %eq3A_2367 : i32
        %and3A_2369 = arith.andi %eq3A_2368, %and3A_2356 : i1
        %convert_element_type3A_2370 = arith.extui %and3A_2369 : i1 to i32
        %cond3A_2371 = arith.constant 0 : i32
        %cond3A_2372 = arith.cmpi ne, %convert_element_type3A_2370, %cond3A_2371 : i32
        scf.if %cond3A_2372 {
          %mul3A_2375 = arith.constant 16 : i32
          %mul3A_2376 = arith.muli %add3A_2348, %mul3A_2375 : i32
          %swap3A_2377 = arith.index_cast %mul3A_2376 : i32 to index
          %swap3A_2378 = tpu.vector_load %arg16[%swap3A_2377] {strides = array<i32>} : memref<1600xf32, #tpu.memory_space<vmem>>, vector<16xf32>,
          tpu.vector_store %arg16[%swap3A_2377], %select_n3A_2340 {strides = array<i32>} : memref<1600xf32, #tpu.memory_space<vmem>>, vector<16xf32>,
          %slice3A_2379 = vector.extract_strided_slice %select_n3A_2340 {offsets = [5], sizes = [1], strides = [1]} : vector<16xf32> to vector<1xf32>
          %squeeze3A_2380 = vector.extract %slice3A_2379[0] : f32 from vector<1xf32>
          %convert_element_type3A_2381 = arith.fptosi %squeeze3A_2380 : f32 to i32
          %broadcast_in_dim3A_2382 = vector.broadcast %convert_element_type3A_2381 : i32 to vector<16xi32>
          %broadcast_in_dim3A_2383 = arith.constant 1 : i32
          %broadcast_in_dim3A_2384 = vector.broadcast %broadcast_in_dim3A_2383 : i32 to vector<16xi32>
          %eq3A_2385 = arith.constant 0 : i32
          %eq3A_2386 = vector.broadcast %eq3A_2385 : i32 to vector<16xi32>
          %eq3A_2387 = arith.cmpi eq, %iota3A, %eq3A_2386 : vector<16xi32>
          tpu.vector_store_idx %arg17[%broadcast_in_dim3A_2382], %broadcast_in_dim3A_2384 masked %eq3A_2387 : memref<5120xi32, #tpu.memory_space<vmem>>[vector<16xi32>], vector<16xi32>, vector<16xi1>
        } else {
        }
        %add3A_2373 = arith.constant 1 : i32
        %add3A_2374 = arith.addi %while3A_277, %add3A_2373 : i32
        scf.yield %add3A_2374, %add3A_2360, %gather3A_2164, %select_n3A_2340 : i32, i32, vector<16xf32>, vector<16xf32>
      }
      %eq3A_272 = arith.constant 0 : i32
      %eq3A_273 = arith.cmpi eq, %arg1, %eq3A_272 : i32
      %convert_element_type3A_274 = arith.extui %eq3A_273 : i1 to i32
      %cond3A_275 = arith.constant 0 : i32
      %cond3A_276 = arith.cmpi ne, %convert_element_type3A_274, %cond3A_275 : i32
      scf.if %cond3A_276 {
        %scan3A = arith.constant 0 : i32
        %scan3A_277 = arith.constant 0 : i32
        %scan3A_278 = arith.constant 16 : i32
        %scan3A_279 = arith.addi %scan3A_277, %scan3A_278 : i32
        %scan3A_280 = arith.constant 1 : i32
        %scan3A_281 = scf.for %scan3A_283 = %scan3A_277 to %scan3A_279 step %scan3A_280 iter_args(%scan3A_284 = %scan3A) -> (i32)  : i32 {
          %mul3A_285 = arith.constant 16 : i32
          %mul3A_286 = arith.muli %scan3A_283, %mul3A_285 : i32
          %get3A_287 = arith.index_cast %mul3A_286 : i32 to index
          %get3A_288 = tpu.vector_load %arg17[%get3A_287] {strides = array<i32>} : memref<5120xi32, #tpu.memory_space<vmem>>, vector<16xi32>,
          %eq3A_289 = arith.constant 0 : i32
          %eq3A_290 = vector.broadcast %eq3A_289 : i32 to vector<16xi32>
          %eq3A_291 = arith.cmpi eq, %get3A_288, %eq3A_290 : vector<16xi32>
          %convert_element_type3A_292 = arith.extui %eq3A_291 : vector<16xi1> to vector<16xi32>
          %broadcast_in_dim3A_293 = arith.constant true
          %broadcast_in_dim3A_294 = vector.broadcast %broadcast_in_dim3A_293 : i1 to vector<16xi1>
          %masked_cumsum3A = tpu.scan <sum>, %convert_element_type3A_292 masked %broadcast_in_dim3A_294 : vector<16xi32>, vector<16xi1> -> vector<16xi32>
          %add3A = arith.addi %while3A_271#1, %scan3A_284 : i32
          %sub3A_295 = arith.subi %masked_cumsum3A, %convert_element_type3A_292 : vector<16xi32>
          %add3A_296 = vector.broadcast %add3A : i32 to vector<16xi32>
          %add3A_297 = arith.addi %add3A_296, %sub3A_295 : vector<16xi32>
          %lt3A = arith.constant 100 : i32
          %lt3A_298 = vector.broadcast %lt3A : i32 to vector<16xi32>
          %lt3A_299 = arith.cmpi slt, %add3A_297, %lt3A_298 : vector<16xi32>
          %and3A = arith.andi %eq3A_291, %lt3A_299 : vector<16xi1>
          %mul3A_300 = arith.constant 16 : i32
          %mul3A_301 = vector.broadcast %mul3A_300 : i32 to vector<16xi32>
          %mul3A_302 = arith.muli %add3A_297, %mul3A_301 : vector<16xi32>
          %add3A_303 = arith.constant 0 : i32
          %add3A_304 = vector.broadcast %add3A_303 : i32 to vector<16xi32>
          %add3A_305 = arith.addi %mul3A_302, %add3A_304 : vector<16xi32>
          %get3A_306 = arith.index_cast %mul3A_286 : i32 to index
          %get3A_307 = tpu.vector_load %arg8[%get3A_306] {strides = array<i32>} : memref<320xf32, #tpu.memory_space<vmem>>, vector<16xf32>,
          tpu.vector_store_idx %arg16[%add3A_305], %get3A_307 masked %and3A : memref<1600xf32, #tpu.memory_space<vmem>>[vector<16xi32>], vector<16xf32>, vector<16xi1>
          %add3A_308 = arith.constant 1 : i32
          %add3A_309 = vector.broadcast %add3A_308 : i32 to vector<16xi32>
          %add3A_310 = arith.addi %mul3A_302, %add3A_309 : vector<16xi32>
          %get3A_311 = arith.index_cast %mul3A_286 : i32 to index
          %get3A_312 = tpu.vector_load %arg9[%get3A_311] {strides = array<i32>} : memref<320xf32, #tpu.memory_space<vmem>>, vector<16xf32>,
          tpu.vector_store_idx %arg16[%add3A_310], %get3A_312 masked %and3A : memref<1600xf32, #tpu.memory_space<vmem>>[vector<16xi32>], vector<16xf32>, vector<16xi1>
          %add3A_313 = arith.constant 2 : i32
          %add3A_314 = vector.broadcast %add3A_313 : i32 to vector<16xi32>
          %add3A_315 = arith.addi %mul3A_302, %add3A_314 : vector<16xi32>
          %get3A_316 = arith.index_cast %mul3A_286 : i32 to index
          %get3A_317 = tpu.vector_load %arg10[%get3A_316] {strides = array<i32>} : memref<320xf32, #tpu.memory_space<vmem>>, vector<16xf32>,
          tpu.vector_store_idx %arg16[%add3A_315], %get3A_317 masked %and3A : memref<1600xf32, #tpu.memory_space<vmem>>[vector<16xi32>], vector<16xf32>, vector<16xi1>
          %add3A_318 = arith.constant 3 : i32
          %add3A_319 = vector.broadcast %add3A_318 : i32 to vector<16xi32>
          %add3A_320 = arith.addi %mul3A_302, %add3A_319 : vector<16xi32>
          %get3A_321 = arith.index_cast %mul3A_286 : i32 to index
          %get3A_322 = tpu.vector_load %arg11[%get3A_321] {strides = array<i32>} : memref<320xf32, #tpu.memory_space<vmem>>, vector<16xf32>,
          tpu.vector_store_idx %arg16[%add3A_320], %get3A_322 masked %and3A : memref<1600xf32, #tpu.memory_space<vmem>>[vector<16xi32>], vector<16xf32>, vector<16xi1>
          %add3A_323 = arith.constant 4 : i32
          %add3A_324 = vector.broadcast %add3A_323 : i32 to vector<16xi32>
          %add3A_325 = arith.addi %mul3A_302, %add3A_324 : vector<16xi32>
          %broadcast_in_dim3A_326 = arith.constant -1.000000e+09 : f32
          %broadcast_in_dim3A_327 = vector.broadcast %broadcast_in_dim3A_326 : f32 to vector<16xf32>
          tpu.vector_store_idx %arg16[%add3A_325], %broadcast_in_dim3A_327 masked %and3A : memref<1600xf32, #tpu.memory_space<vmem>>[vector<16xi32>], vector<16xf32>, vector<16xi1>
          %slice3A = vector.extract_strided_slice %masked_cumsum3A {offsets = [15], sizes = [1], strides = [1]} : vector<16xi32> to vector<1xi32>
          %squeeze3A = vector.extract %slice3A[0] : i32 from vector<1xi32>
          %add3A_328 = arith.addi %scan3A_284, %squeeze3A : i32
          scf.yield %add3A_328 : i32
        }
        %scan3A_282 = arith.constant 16 : i32
        "tpu.region"() ({
          %run_scoped3A = tpu.sem_alloc : memref<!tpu.dma_semaphore, #tpu.memory_space<semaphore_mem>>
          tpu.enqueue_dma source(%arg16 : memref<1600xf32, #tpu.memory_space<vmem>>) target(%arg7 : memref<1600xf32, #tpu.memory_space<hbm>>) target_semaphore(%run_scoped3A : memref<!tpu.dma_semaphore, #tpu.memory_space<semaphore_mem>>)
          tpu.wait_dma2 semaphore(%run_scoped3A : memref<!tpu.dma_semaphore, #tpu.memory_space<semaphore_mem>>) src(%arg16 : memref<1600xf32, #tpu.memory_space<vmem>>) dst(%arg7 : memref<1600xf32, #tpu.memory_space<hbm>>)
          tpu.yield
        }) : () -> ()
      } else {
      }
    } else {
    }
    return
  }
}

</mosaic_0001>

<sc_bundles>
// kernel: kernel.3.cloned.1.call-start
scs
__scs_entry_jumppad:
0x0: {  	(pc) =	sbr.rel $0x88, $3  }
0x1: {  	(tag) =	ssettag $0x0;
	lr =	simm.s32 $0x1  }
0x2: {  	[smem:$0x3F9F] =	sst lr;
	_ =	strace $0xD0000000  }
0x3: {  	_ = 	snop  }
0x4: {  	_ = 	snop  }
0x5: {  	_ = 	snop  }
0x6: {  	_ = 	snop  }
0x7: {  	_ = 	snop  }
__scs_overlays_trampoline_lowered:
0x8: {  	[smem:$0x3FAE] =	sst s0  }
0x9: {  	[smem:$0x3FAF] =	sst s1  }
0xa: {  	[smem:$0x3FB0] =	sst s2  }
0xb: {  	[smem:$0x3FB1] =	sst s3  }
0xc: {  	[smem:$0x3FB2] =	sst s4  }
0xd: {  	[smem:$0x3FB3] =	sst s5  }
0xe: {  	[smem:$0x3FB4] =	sst s6  }
0xf: {  	[smem:$0x3FB5] =	sst s7  }
0x10: {  	[smem:$0x3FB6] =	sst s8  }
0x11: {  	[smem:$0x3FB7] =	sst s9;
	s0 =	simm.s32 @!p0 $0x0  }
0x12: {  	s1 =	sld [smem:$0x3F9D];
	s0 =	simm.s32 @p0 $0x1  }
0x13: {  	[smem:$0x3FB8] =	sst s0;
	s0 =	simm.s32 @!p1 $0x0  }
0x14: {  	s2 =	sld [smem:$0x3F9C];
	s0 =	simm.s32 @p1 $0x1  }
0x15: {  	[smem:$0x3FB9] =	sst s0;
	s0 =	simm.s32 @!p2 $0x0  }
0x16: {  	s3 =	sld [smem:$0x3FDB];
	s0 =	simm.s32 @p2 $0x1  }
0x17: {  	s4 =	simm.s32 $0x1BF5;
	[smem:$0x3FBB] =	sst s0  }
0x18: {  	s0 =	sld [smem:$0x3F9E];
	_ =	swait.ge [sflag:s4], $0x0  }
0x19: {  	s7 =	sld [smem:$0x3F9F]  }
0x1a: {  	s8 =	sadd.s32 $0xFFFFE003, lr  }
0x1b: {  	s9 =	sadd.s32 $0xFFFFFEF7, lr;
	s5 =	simm.s32 $0xFFFFFFFF;
	p2 =	slt.u32 s8, $0xFFFFF086  }
0x1c: {  	p1 =	slt.u32 s9, $0xF7A;
	s5 =	simm.s32 @!p2 $0x0  }
0x1d: {  	s5 =	simm.s32 @p1 $0x1;
	p0 =	seq.s32 s7, s2  }
0x1e: {  	s7 =	smul.u32 @!p0 $0xF7A, s2;
	p2 =	seq.s32 @!p0 s5, $0x0  }
0x1f: {  	s9 =	smul.u32 $0xF7A, s1;
	s8 =	simm.s32 @!p0 $0x1BF5;
	p2 =	por !p2, p0  }
0x20: {  	[sflag:s8] =	ssyncset.s32 @!p0 $0xFFFFF086;
	s6 =	sadd.s32 @!p0 s3, s7;
	s7 =	simm.s32 @!p0 $0x108  }
0x21: {  	s3 =	sadd.s32 s3, s9;
	s6 =	sadd.s32 @!p0 $0x88, s6;
	s7 =	simm.s32 @p2 $0x1082  }
0x22: {  	[simem:s7], [sflag:s8] =	dma.local @!p0 [hbm:s6], $0xF7A  }
0x23: {  	s9 =	sor.u32 $0xD0000000, s2;
	s6 =	simm.s32 $0x108;
	_ =	swait.ge @!p0 [sflag:s8], $0x0  }
0x24: {  	s3 =	sadd.s32 $0x88, s3;
	s6 =	simm.s32 @!p1 $0x1082;
	[sflag:s4] =	ssyncset.s32 $0xFFFFF086  }
0x25: {  	[simem:s6], [sflag:s4] =	dma.local [hbm:s3], $0xF7A  }
0x26: {  	[smem:$0x3F9F] =	sst s1;
	(tag) =	ssettag s2;
	_ =	strace s9  }
0x27: {  	s1 =	sld [smem:$0x3FAF]  }
0x28: {  	s2 =	sld [smem:$0x3FB0]  }
0x29: {  	s4 =	sld [smem:$0x3FB2]  }
0x2a: {  	p0 =	seq.s32 s5, $0x0;
	s5 =	sld [smem:$0x3FB3]  }
0x2b: {  	s6 =	sld [smem:$0x3FB4]  }
0x2c: {  	s7 =	sld [smem:$0x3FB5]  }
0x2d: {  	s3 =	simm.s32 $0x108;
	s8 =	sld [smem:$0x3FB6]  }
0x2e: {  	s3 =	simm.s32 @!p0 $0x1082;
	s9 =	sld [smem:$0x3FB7]  }
0x2f: {  	lr =	sadd.s32 s0, s3;
	s0 =	sld [smem:$0x3FAE]  }
0x30: {  	s3 =	sld [smem:$0x3FB1]  }
0x31: {  	[smem:$0x3FBA] =	sst s10  }
0x32: {  	s10 =	sld [smem:$0x3FB8];
	_ =	sdelay $0x3  }
0x33: {  	p0 =	seq.s32 s10, $0x1;
	s10 =	sld [smem:$0x3FBA];
	_ =	sdelay $0x3  }
0x34: {  	[smem:$0x3FBA] =	sst s10  }
0x35: {  	s10 =	sld [smem:$0x3FB9];
	_ =	sdelay $0x3  }
0x36: {  	p1 =	seq.s32 s10, $0x1;
	s10 =	sld [smem:$0x3FBA];
	_ =	sdelay $0x3  }
0x37: {  	[smem:$0x3FBA] =	sst s10  }
0x38: {  	s10 =	sld [smem:$0x3FBB]  }
0x39: {  	_ = 	snop;
	(pc) =	sbr.ind lr, $3  }
0x3a: {  	_ = 	snop  }
0x3b: {  	_ = 	snop  }
0x3c: {  	p2 =	seq.s32 s10, $0x1;
	s10 =	sld [smem:$0x3FBA]  }
0x3d: {  	_ =	shalt  }
0x3e: {  	_ =	shalt  }
0x3f: {  	_ =	shalt  }
0x40: {  	_ =	shalt  }
0x41: {  	_ =	shalt  }
0x42: {  	_ =	shalt  }
0x43: {  	_ =	shalt  }
0x44: {  	_ =	shalt  }
0x45: {  	_ =	shalt  }
0x46: {  	_ =	shalt  }
0x47: {  	_ =	shalt  }
0x48: {  	_ =	shalt  }
0x49: {  	_ =	shalt  }
0x4a: {  	_ =	shalt  }
0x4b: {  	_ =	shalt  }
0x4c: {  	_ =	shalt  }
0x4d: {  	_ =	shalt  }
0x4e: {  	_ =	shalt  }
0x4f: {  	_ =	shalt  }
0x50: {  	_ =	shalt  }
0x51: {  	_ =	shalt  }
0x52: {  	_ =	shalt  }
0x53: {  	_ =	shalt  }
0x54: {  	_ =	shalt  }
0x55: {  	_ =	shalt  }
0x56: {  	_ =	shalt  }
0x57: {  	_ =	shalt  }
0x58: {  	_ =	shalt  }
0x59: {  	_ =	shalt  }
0x5a: {  	_ =	shalt  }
0x5b: {  	_ =	shalt  }
0x5c: {  	_ =	shalt  }
0x5d: {  	_ =	shalt  }
0x5e: {  	_ =	shalt  }
0x5f: {  	_ =	shalt  }
0x60: {  	_ =	shalt  }
0x61: {  	_ =	shalt  }
0x62: {  	_ =	shalt  }
0x63: {  	_ =	shalt  }
0x64: {  	_ =	shalt  }
0x65: {  	_ =	shalt  }
0x66: {  	_ =	shalt  }
0x67: {  	_ =	shalt  }
0x68: {  	_ =	shalt  }
0x69: {  	_ =	shalt  }
0x6a: {  	_ =	shalt  }
0x6b: {  	_ =	shalt  }
0x6c: {  	_ =	shalt  }
0x6d: {  	_ =	shalt  }
0x6e: {  	_ =	shalt  }
0x6f: {  	_ =	shalt  }
0x70: {  	_ =	shalt  }
0x71: {  	_ =	shalt  }
0x72: {  	_ =	shalt  }
0x73: {  	_ =	shalt  }
0x74: {  	_ =	shalt  }
0x75: {  	_ =	shalt  }
0x76: {  	_ =	shalt  }
0x77: {  	_ =	shalt  }
0x78: {  	_ =	shalt  }
0x79: {  	_ =	shalt  }
0x7a: {  	_ =	shalt  }
0x7b: {  	_ =	shalt  }
0x7c: {  	_ =	shalt  }
0x7d: {  	_ =	shalt  }
0x7e: {  	_ =	shalt  }
0x7f: {  	_ =	shalt  }
0x80: {  	_ =	shalt  }
0x81: {  	_ =	shalt  }
0x82: {  	_ =	shalt  }
0x83: {  	_ =	shalt  }
0x84: {  	_ =	shalt  }
0x85: {  	_ =	shalt  }
0x86: {  	_ =	shalt  }
0x87: {  	_ =	shalt  }
.Lfunc_end0:
.L_simem_size_0:
called_computation_lowered:
.L_overlay_start_0:
0x88: {  	s0 =	sld [smem:$0x3FD9]  }
0x89: {  	s1 =	sld [smem:$0x3FFE];
	_ =	sdelay $0x3  }
0x8a: {  	s0 =	sadd.s32 s1, s0  }
0x8b: {  	[smem:$0x3FC6] =	sst s0  }
0x8c: {  	_ = 	snop  }
0x8d: {  	(tm) =	ssettm $0x1  }
0x8e: {  	s15 =	sld [smem:$0x3FFB];
	_ =	sdelay $0x3  }
0x8f: {  	_ =	strace s15  }
0x90: {  	s0 =	sld [smem:$0x3FFC];
	_ =	sdelay $0x3  }
0x91: {  	_ =	strace s0  }
0x92: {  	s0 =	sld [smem:$0x3FFD];
	_ =	sdelay $0x3  }
0x93: {  	_ =	strace s0  }
0x94: {  	_ =	strace $0x8FFFFFFF  }
0x95: {  	s16 =	sld [smem:$0x3FDB];
	_ =	sdelay $0x1  }
0x96: {  	s17 =	simm.s32 $_scs_section_size  }
0x97: {  	s2 =	simm.s32 $_size__tile_overlayer_lowered;
	s3 =	simm.s32 $_tile_overlayer_lowered  }
0x98: {  	s20 =	simm.s32 $0x1BFF;
	s19 =	sshll.u32 s3, $0x1;
	s0 =	sadd.s32 s17, s16  }
0x99: {  	s4 =	simm.s32 $0x0;
	s18 =	sshll.u32 s2, $0x1;
	s2 =	sadd.s32 s19, s0  }
0x9a: {  	[timem:s4], [sflag:s20] =	dma.local [hbm:s2], s18  }
0x9b: {  	_ =	swait.ge [sflag:s20], s18  }
0x9c: {  	s1 =	ssub.s32 $0x0, s18;
	[sflag:s20] =	ssyncset.done $0x0  }
0x9d: {  	[sflag:s20] =	ssyncadd.s32 s1;
	_ =	sdelay $0x1  }
0x9e: {  	s21 =	simm.s32 $0x1B8B  }
0x9f: {  	_ =	swait.ge [sflag:s21], $0x1  }
0xa0: {  	[sflag:s21] =	ssyncset.done $0x0  }
0xa1: {  	s23 =	simm.s32 $0x1B8E;
	s22 =	sld [smem:$0x3FFE];
	[sflag:s21] =	ssyncadd.s32 $0xFFFFFFFF  }
0xa2: {  	s24 =	simm.s32 $execute0_lowered;
	[smem:$0x3FD2] =	sst s23  }
0xa3: {  	s2 =	sshll.u32 s24, $0x1;
	_ =	strace $0x80000046;
	[dreg:$0x1] =	wrdreg $0xFFFFFFFF  }
0xa4: {  	s25 =	simm.s32 $_size_execute0_lowered;
	s0 =	sadd.s32 s0, s2;
	[dreg:$0x0] =	wrdreg $0x0  }
0xa5: {  	s2 =	sshll.u32 s25, $0x1;
	[dreg:$0x2] =	wrdreg s0  }
0xa6: {  	[dreg:$0x3] =	wrdreg s2  }
0xa7: {  	[dreg:$0x4] =	wrdreg $0xC0  }
0xa8: {  	_ =	task [dreg:s4], $0x5FFFF  }
0xa9: {  	[dreg:$0x1] =	wrdreg $0xFFFFFFFF  }
0xaa: {  	[dreg:$0x0] =	wrdreg $0x60  }
0xab: {  	[dreg:$0x2] =	wrdreg s22  }
0xac: {  	[dreg:$0x3] =	wrdreg $0x2C000  }
0xad: {  	[dreg:$0x4] =	wrdreg $0x9  }
0xae: {  	_ =	task.clear_ibuf [dreg:s4], $0x5FFFF;
	_ =	strace $0x90000046  }
0xaf: {  	s26 =	simm.s32 $0x9;
	_ =	strace $0x80000048  }
0xb0: {  	_ =	swait.ge [sflag:s26], $0x1  }
0xb1: {  	[sflag:s26] =	ssyncadd.s32 $0xFFFFFFFF  }
0xb2: {  	_ =	strace $0x90000048  }
0xb3: {  	_ =	sfence  }
0xb4: {  	s28 =	sld [smem:$0x0];
	_ =	sdelay $0x1  }
0xb5: {  	s29 =	srdreg.scid  }
0xb6: {  	s30 =	sshll.u32 s29, $0xD;
	s31 =	sshrl.u32 s29, $0x2  }
0xb7: {  	s1 =	sand.u32 $0x1, s29;
	s2 =	sand.u32 $0x4000, s30;
	s0 =	sadd.s32 s31, s28  }
0xb8: {  	s1 =	sor.u32 s2, s1;
	s0 =	sshll.u32 s0, $0x11  }
0xb9: {  	s0 =	sor.u32 s0, s1  }
0xba: {  	s0 =	sadd.s32 $0x8F2B, s0  }
0xbb: {  	[sflag:s0] =	ssyncadd.remote.s32 $0x1  }
0xbc: {  	_ =	sfence.sel $0xFFFF  }
0xbd: {  	[dreg:$0x0] =	wrdreg $0xFFFFFFFF;
	(pc) =	sbr.abs _section_cstart, $3  }
0xbe: {  	[dreg:$0x1] =	wrdreg $0xFFFFFFFF  }
0xbf: {  	_ =	task.clear_ibuf [dreg:s4], $0x2FFFF;
	_ =	strace $0x9FFFFFFF  }
0xc0: {  	(tm) =	ssettm $0x7FFFFFFF  }
0xc1: {  	_ =	shalt  }
tec
execute0_lowered:
.L_overlay_start_1:
0x0: {  	(tag) =	ssettag $0x1  }
0x1: {  	s9 =	stileid.u32  }
0x2: {  	s1 =	smul.u32 $0x140, s9  }
0x3: {  	s8 =	rddreg [dreg:$0x0]  }
0x4: {  	s2 =	rddreg [dreg:$0x1];
	s3 =	simm.s32 $0x0;
	s4 =	sshrl.u32 s1, $0x3  }
0x5: {  	[smem:$0x7FF] =	sst s3;
	s10 =	sadd.s32 s4, s8  }
0x6: {  	s0 =	rddreg [dreg:$0x2];
	_ =	strace $0x80000047;
	s4 =	sadd.s32 $0x800, s10  }
0x7: {  	[tilespmem:s3], [sflag:$0x1] =	stream.linear.gather [hbm4b:s4+s3], $0x140, $0x38;
	[tilespmem:$0x2D00] =	vst v63  }
0x8: {  	s4 =	simm.s32 $0x1  }
0x9: {  	_ =	swait.ge [sflag:s4], $0x140  }
0xa: {  	[sflag:s4] =	ssyncset.done $0x0  }
0xb: {  	s5 =	simm.s32 $0x180;
	s6 =	sadd.s32 $0xC00, s10;
	[sflag:s4] =	ssyncadd.s32 $0xFFFFFEC0  }
0xc: {  	[tilespmem:s5], [sflag:$0x1] =	stream.linear.gather [hbm4b:s6+s3], $0x140, $0x38;
	[tilespmem:$0x2D00] =	vst v63  }
0xd: {  	_ =	swait.ge [sflag:s4], $0x140  }
0xe: {  	[sflag:s4] =	ssyncset.done $0x0  }
0xf: {  	s7 =	sadd.s32 $0x1000, s10;
	s6 =	simm.s32 $0x300;
	[sflag:s4] =	ssyncadd.s32 $0xFFFFFEC0  }
0x10: {  	[tilespmem:s6], [sflag:$0x1] =	stream.linear.gather [hbm4b:s7+s3], $0x140, $0x38;
	[tilespmem:$0x2D00] =	vst v63  }
0x11: {  	_ =	swait.ge [sflag:s4], $0x140  }
0x12: {  	[sflag:s4] =	ssyncset.done $0x0  }
0x13: {  	s11 =	sadd.s32 $0x1400, s10;
	s7 =	simm.s32 $0x480;
	[sflag:s4] =	ssyncadd.s32 $0xFFFFFEC0  }
0x14: {  	[tilespmem:s7], [sflag:$0x1] =	stream.linear.gather [hbm4b:s11+s3], $0x140, $0x38;
	[tilespmem:$0x2D00] =	vst v63  }
0x15: {  	_ =	swait.ge [sflag:s4], $0x140  }
0x16: {  	[sflag:s4] =	ssyncset.done $0x0  }
0x17: {  	s31 =	simm.s32 $0x600;
	s10 =	sadd.s32 $0x1800, s10;
	[sflag:s4] =	ssyncadd.s32 $0xFFFFFEC0  }
0x18: {  	[tilespmem:s31], [sflag:$0x1] =	stream.linear.gather [hbm4b:s10+s3], $0x140, $0x38;
	[tilespmem:$0x2D00] =	vst v63  }
0x19: {  	_ =	swait.ge [sflag:s4], $0x140  }
0x1a: {  	[sflag:s4] =	ssyncset.done $0x0  }
0x1b: {  	[sflag:s4] =	ssyncadd.s32 $0xFFFFFEC0  }
0x1c: {  	v0 =	vld [tilespmem:$0x300]  }
0x1d: {  	v1 =	vld [tilespmem:$0x0]  }
0x1e: {  	v2 =	vld [tilespmem:$0x480]  }
0x1f: {  	v3 =	vld [tilespmem:$0x180]  }
0x20: {  	v4 =	vld [tilespmem:$0x310]  }
0x21: {  	v5 =	vld [tilespmem:$0x10]  }
0x22: {  	v6 =	vld [tilespmem:$0x490]  }
0x23: {  	v7 =	vld [tilespmem:$0x190]  }
0x24: {  	v8 =	vld [tilespmem:$0x320]  }
0x25: {  	v9 =	vld [tilespmem:$0x20]  }
0x26: {  	v10 =	vld [tilespmem:$0x4A0]  }
0x27: {  	v11 =	vld [tilespmem:$0x1A0]  }
0x28: {  	v12 =	vld [tilespmem:$0x330]  }
0x29: {  	v13 =	vld [tilespmem:$0x30]  }
0x2a: {  	v14 =	vld [tilespmem:$0x4B0]  }
0x2b: {  	v15 =	vld [tilespmem:$0x1B0]  }
0x2c: {  	v16 =	vld [tilespmem:$0x340]  }
0x2d: {  	v17 =	vld [tilespmem:$0x40]  }
0x2e: {  	v18 =	vld [tilespmem:$0x4C0]  }
0x2f: {  	v19 =	vld [tilespmem:$0x1C0]  }
0x30: {  	v20 =	vld [tilespmem:$0x350]  }
0x31: {  	v21 =	vld [tilespmem:$0x50]  }
0x32: {  	v22 =	vld [tilespmem:$0x4D0]  }
0x33: {  	v23 =	vld [tilespmem:$0x1D0]  }
0x34: {  	v24 =	vld [tilespmem:$0x360]  }
0x35: {  	v25 =	vld [tilespmem:$0x60]  }
0x36: {  	v26 =	vld [tilespmem:$0x4E0]  }
0x37: {  	v27 =	vld [tilespmem:$0x1E0]  }
0x38: {  	v28 =	vld [tilespmem:$0x370]  }
0x39: {  	v29 =	vld [tilespmem:$0x70]  }
0x3a: {  	v30 =	vld [tilespmem:$0x4F0]  }
0x3b: {  	v31 =	vld [tilespmem:$0x1F0]  }
0x3c: {  	v32 =	vld [tilespmem:$0x380]  }
0x3d: {  	v33 =	vld [tilespmem:$0x80]  }
0x3e: {  	v34 =	vld [tilespmem:$0x500]  }
0x3f: {  	v35 =	vld [tilespmem:$0x200]  }
0x40: {  	v36 =	vld [tilespmem:$0x390]  }
0x41: {  	v37 =	vld [tilespmem:$0x90]  }
0x42: {  	v38 =	vld [tilespmem:$0x510]  }
0x43: {  	v39 =	vld [tilespmem:$0x210]  }
0x44: {  	v40 =	vld [tilespmem:$0x3A0]  }
0x45: {  	v41 =	vld [tilespmem:$0xA0]  }
0x46: {  	v42 =	vld [tilespmem:$0x520];
	v0 =	vsub.f32 v0, v1  }
0x47: {  	v43 =	vld [tilespmem:$0x220];
	v1 =	vsub.f32 v2, v3;
	v2 =	vsub.f32 v4, v5  }
0x48: {  	p0 =	sne.s32 s9, $0x0;
	v44 =	vld [tilespmem:$0x3B0];
	v4 =	vsub.f32 v8, v9;
	v9 =	vsub.f32 v18, v19  }
0x49: {  	v45 =	vld [tilespmem:$0xB0];
	v18 =	vsub.f32 v26, v27;
	v27 =	vsub.f32 v36, v37;
	v36 =	vimm.s32 @!p0 $0x0  }
0x4a: {  	v46 =	vld [tilespmem:$0x530];
	[tilespmem:$0x1800] =	vst @!p0 v36  }
0x4b: {  	v47 =	vld [tilespmem:$0x230];
	[tilespmem:$0x1810] =	vst @!p0 v36  }
0x4c: {  	v48 =	vld [tilespmem:$0x3C0];
	[tilespmem:$0x1820] =	vst @!p0 v36  }
0x4d: {  	v49 =	vld [tilespmem:$0xC0];
	[tilespmem:$0x1830] =	vst @!p0 v36  }
0x4e: {  	v50 =	vld [tilespmem:$0x540];
	[tilespmem:$0x1840] =	vst @!p0 v36  }
0x4f: {  	v51 =	vld [tilespmem:$0x240];
	[tilespmem:$0x1850] =	vst @!p0 v36  }
0x50: {  	v52 =	vld [tilespmem:$0x3D0];
	[tilespmem:$0x1860] =	vst @!p0 v36  }
0x51: {  	v53 =	vld [tilespmem:$0xD0];
	[tilespmem:$0x1870] =	vst @!p0 v36  }
0x52: {  	v54 =	vld [tilespmem:$0x550];
	[tilespmem:$0x1880] =	vst @!p0 v36  }
0x53: {  	vm0 =	vmmov $0xff;
	vm7 =	vcmask $0x3F38;
	vm1 =	vcmask $0x1F18;
	v55 =	vld [tilespmem:$0x250];
	[tilespmem:$0x1890] =	vst @!p0 v36  }
0x54: {  	vm8 =	vcmask $0x3F34;
	vm9 =	vcmask $0x1F14;
	vm2 =	vcmask $0x3F30;
	v56 =	vld [tilespmem:$0x3E0];
	[tilespmem:$0x18A0] =	vst @!p0 v36  }
0x55: {  	vm3 =	vcmask $0x1F10;
	vm4 =	vcmask $0x3F2C;
	vm5 =	vcmask $0x1F0C;
	v57 =	vld [tilespmem:$0xE0];
	[tilespmem:$0x18B0] =	vst @!p0 v36  }
0x56: {  	vm12 =	vcmask $0x3F28;
	vm13 =	vcmask $0x1F08;
	vm14 =	vcmask $0x2320;
	v58 =	vld [tilespmem:$0x560];
	[tilespmem:$0x18C0] =	vst @!p0 v36  }
0x57: {  	vm15 =	vcmask $0x300;
	vm10 =	vmor vm3, vm2;
	v59 =	vld [tilespmem:$0x260];
	v3 =	vsub.f32 v6, v7;
	[tilespmem:$0x18D0] =	vst @!p0 v36  }
0x58: {  	vm11 =	vmor vm5, vm4;
	v60 =	vld [tilespmem:$0x5B0];
	v5 =	vsub.f32 v10, v11;
	[tilespmem:$0x18E0] =	vst @!p0 v36;
	v6 =	vmul.f32 v1, v0  }
0x59: {  	v63 =	vld [tilespmem:$0x2B0];
	v10 =	vsub.f32 v20, v21;
	v11 =	vsub.f32 v22, v23;
	[tilespmem:$0x18F0] =	vst @!p0 v36;
	v7 =	vmul.f32 v3, v2  }
0x5a: {  	v19 =	vld [tilespmem:$0x100];
	v0 =	vlaneseq.u32;
	v8 =	vmul.f32 v5, v4;
	v3 =	vsub.f32 v12, v13;
	[tilespmem:$0x780] =	vst v6  }
0x5b: {  	v21 =	vld [tilespmem:$0x580];
	v4 =	vsub.f32 v14, v15;
	v10 =	vmul.f32 v11, v10;
	v1 =	vor.u32 s1, v0;
	[tilespmem:$0x790] =	vst v7  }
0x5c: {  	v20 =	vsub.f32 v28, v29;
	v28 =	vld [tilespmem:$0x410];
	v5 =	vsub.f32 v16, v17;
	v1 =	vcvt.s32.f32 v1;
	[tilespmem:$0x7A0] =	vst v8  }
0x5d: {  	v22 =	vsub.f32 v30, v31;
	v29 =	vld [tilespmem:$0x110];
	v11 =	vsub.f32 v24, v25;
	v12 =	vmul.f32 v4, v3;
	[tilespmem:$0x7D0] =	vst v10  }
0x5e: {  	s16 =	sadd.s32 $0x50, s1;
	v23 =	vsub.f32 v32, v33;
	v44 =	vsub.f32 v44, v45;
	v13 =	vld [tilespmem:$0x3F0];
	v9 =	vmul.f32 v9, v5;
	[tilespmem:$0x1FEB0] =	vst v1  }
0x5f: {  	v14 =	vld [tilespmem:$0xF0];
	v25 =	vsub.f32 v34, v35;
	v26 =	vor.u32 s16, v0;
	v11 =	vmul.f32 v18, v11;
	[tilespmem:$0x7B0] =	vst v12  }
0x60: {  	v15 =	vld [tilespmem:$0x570];
	v6 =	vcvt.s32.f32 v26;
	v26 =	vsub.f32 v38, v39;
	v18 =	vmul.f32 v22, v20;
	[tilespmem:$0x7C0] =	vst v9  }
0x61: {  	v46 =	vsub.f32 v46, v47;
	v47 =	vsub.f32 v48, v49;
	v16 =	vld [tilespmem:$0x270];
	v22 =	vmul.f32 v25, v23;
	[tilespmem:$0x7E0] =	vst v11  }
0x62: {  	v45 =	vld [tilespmem:$0x120];
	v23 =	vmul.f32 v26, v27;
	v12 =	vsub.f32 v40, v41;
	v27 =	vsub.f32 v42, v43;
	[tilespmem:$0x7F0] =	vst v18  }
0x63: {  	v48 =	vld [tilespmem:$0x5A0];
	v52 =	vsub.f32 v52, v53;
	v62 =	vsub.f32 v58, v59;
	[tilespmem:$0x800] =	vst v22;
	v1 =	vimm.s32 $0x0  }
0x64: {  	s12 =	sor.u32 $0x10, s1;
	v17 =	vld [tilespmem:$0x400];
	v11 =	vsub.f32 v50, v51;
	v1 =	vsel vm0, $0xFFFFFFFF, v1;
	v18 =	vmul.f32 v27, v12;
	[tilespmem:$0x810] =	vst v23  }
0x65: {  	v36 =	vimm.f32 $0.0e+00;
	v24 =	vld [tilespmem:$0x280];
	v2 =	vor.u32 s12, v0;
	v27 =	vmul.f32 v46, v44;
	[tilespmem:$0x1FEC0] =	vst v1  }
0x66: {  	v20 =	vld [tilespmem:$0x590];
	v13 =	vsub.f32 v13, v14;
	v14 =	vsub.f32 v15, v16;
	v22 =	vmul.f32 v11, v47;
	[tilespmem:$0x820] =	vst v18  }
0x67: {  	s23 =	sadd.s32 $0xC0, s1;
	v25 =	vld [tilespmem:$0x290];
	vm0 =	vmor vm1, vm7;
	v23 =	vsub.f32 v54, v55;
	v1 =	vimm.s32 $0x0;
	[tilespmem:$0x830] =	vst v27  }
0x68: {  	v49 =	vld [tilespmem:$0x2A0];
	v61 =	vor.u32 s23, v0;
	v13 =	vmul.f32 v14, v13;
	v1 =	vsel vm0, $0xFFFFFFFF, v1;
	[tilespmem:$0x840] =	vst v22  }
0x69: {  	v2 =	vcvt.s32.f32 v2;
	v26 =	vld [tilespmem:$0x420];
	v18 =	vsub.f32 v56, v57;
	v23 =	vmul.f32 v23, v52;
	[tilespmem:$0x1FED0] =	vst v1  }
0x6a: {  	v53 =	vld [tilespmem:$0x130];
	v16 =	vsub.f32 v17, v19;
	vm0 =	vmor vm9, vm8;
	v1 =	vimm.s32 $0x0;
	[tilespmem:$0x870] =	vst v13  }
0x6b: {  	v50 =	vld [tilespmem:$0x430];
	v17 =	vsub.f32 v21, v24;
	v1 =	vsel vm0, $0xFFFFFFFF, v1;
	v15 =	vmul.f32 v62, v18;
	[tilespmem:$0x850] =	vst v23  }
0x6c: {  	s13 =	sor.u32 $0x20, s1;
	v14 =	vsub.f32 v28, v29;
	v18 =	vsub.f32 v20, v25;
	[tilespmem:$0x1FEE0] =	vst v1;
	v1 =	vimm.s32 $0x0  }
0x6d: {  	v3 =	vor.u32 s13, v0;
	v1 =	vsel vm10, $0xFFFFFFFF, v1;
	[tilespmem:$0x860] =	vst v15;
	v15 =	vmul.f32 v17, v16  }
0x6e: {  	s14 =	sor.u32 $0x30, s1;
	v16 =	vsub.f32 v26, v45;
	v17 =	vsub.f32 v48, v49;
	v14 =	vmul.f32 v18, v14;
	[tilespmem:$0x1FEF0] =	vst v1  }
0x6f: {  	v4 =	vor.u32 s14, v0;
	v19 =	vsub.f32 v60, v63;
	v1 =	vimm.s32 $0x0;
	[tilespmem:$0x880] =	vst v15  }
0x70: {  	s15 =	sadd.s32 $0x40, s1;
	v18 =	vsub.f32 v50, v53;
	v1 =	vsel vm11, $0xFFFFFFFF, v1;
	v16 =	vmul.f32 v17, v16;
	[tilespmem:$0x890] =	vst v14  }
0x71: {  	s17 =	sadd.s32 $0x60, s1;
	v5 =	vor.u32 s15, v0;
	vm0 =	vmor vm13, vm12;
	[tilespmem:$0x1FF00] =	vst v1;
	v1 =	vimm.s32 $0x0  }
0x72: {  	v7 =	vor.u32 s17, v0;
	v18 =	vmul.f32 v19, v18;
	v1 =	vsel vm0, $0xFFFFFFFF, v1;
	[tilespmem:$0x8A0] =	vst v16  }
0x73: {  	s18 =	sadd.s32 $0x70, s1;
	s20 =	sadd.s32 $0x90, s1;
	v21 =	vmul.u32 $0x80, v0;
	vm0 =	vmor vm15, vm14;
	[tilespmem:$0x1FF10] =	vst v1;
	v1 =	vimm.s32 $0x0  }
0x74: {  	v8 =	vor.u32 s18, v0;
	v10 =	vor.u32 s20, v0;
	[tilespmem:$0x8B0] =	vst v18;
	v1 =	vsel vm0, $0xFFFFFFFF, v1  }
0x75: {  	v38 =	vimm.f32 $0.0e+00;
	v3 =	vcvt.s32.f32 v3;
	[tilespmem:$0x1FF20] =	vst v1;
	v1 =	vor.u32 $0x4, v21  }
0x76: {  	v4 =	vcvt.s32.f32 v4;
	v5 =	vcvt.s32.f32 v5;
	[tilespmem:$0x1FF30] =	vst v1;
	v1 =	vor.u32 $0x5, v21  }
0x77: {  	s19 =	sadd.s32 $0x80, s1;
	v7 =	vcvt.s32.f32 v7;
	v8 =	vcvt.s32.f32 v8;
	[tilespmem:$0x1FF40] =	vst v1;
	v1 =	vor.u32 $0x1, v21  }
0x78: {  	s21 =	sadd.s32 $0xA0, s1;
	s22 =	sadd.s32 $0xB0, s1;
	v10 =	vcvt.s32.f32 v10;
	v9 =	vor.u32 s19, v0;
	[tilespmem:$0x1FF50] =	vst v1;
	v1 =	vor.u32 $0x2, v21  }
0x79: {  	v51 =	vor.u32 s22, v0;
	v12 =	vor.u32 s21, v0;
	[tilespmem:$0x1FF60] =	vst v1;
	v1 =	vor.u32 $0x3, v21  }
0x7a: {  	s31 =	sadd.s32 $0x130, s1;
	v9 =	vcvt.s32.f32 v9;
	v11 =	vcvt.s32.f32 v12;
	[tilespmem:$0x1FF70] =	vst v1;
	v1 =	vor.u32 $0x6, v21  }
0x7b: {  	v12 =	vcvt.s32.f32 v51;
	v20 =	vor.u32 s31, v0;
	[tilespmem:$0x1FF80] =	vst v1;
	v1 =	vor.u32 $0x8, v21  }
0x7c: {  	s24 =	sadd.s32 $0xD0, s1;
	s25 =	sadd.s32 $0xE0, s1;
	v13 =	vcvt.s32.f32 v61;
	v20 =	vcvt.s32.f32 v20;
	[tilespmem:$0x1FF90] =	vst v1;
	v1 =	vor.u32 $0x9, v21  }
0x7d: {  	s30 =	sadd.s32 $0x120, s1;
	v15 =	vor.u32 s24, v0;
	v17 =	vor.u32 s25, v0;
	[tilespmem:$0x1FFA0] =	vst v1;
	v1 =	vor.u32 $0xA, v21  }
0x7e: {  	s28 =	sadd.s32 $0x100, s1;
	v19 =	vor.u32 s30, v0;
	v14 =	vcvt.s32.f32 v15;
	[tilespmem:$0x1FFB0] =	vst v1;
	v1 =	vor.u32 $0xB, v21  }
0x7f: {  	s9 =	sshll.u32 s9, $0x9;
	s26 =	sadd.s32 $0xF0, s1;
	v15 =	vcvt.s32.f32 v17;
	v17 =	vor.u32 s28, v0;
	[tilespmem:$0x1FFC0] =	vst v1;
	v1 =	vor.u32 $0xE, v21  }
0x80: {  	s29 =	sadd.s32 $0x110, s1;
	s8 =	sadd.s32 $0x1C00, s8;
	s11 =	sshrl.u32 s9, $0x2;
	v19 =	vcvt.s32.f32 v19;
	v16 =	vor.u32 s26, v0;
	[tilespmem:$0x1FFD0] =	vst v1;
	v1 =	vor.u32 $0xC, v21  }
0x81: {  	s9 =	simm.s32 $0x0;
	s10 =	simm.s32 $0x780;
	s12 =	simm.s32 $0x900;
	v17 =	vcvt.s32.f32 v17;
	v18 =	vor.u32 s29, v0;
	[tilespmem:$0x1FFE0] =	vst v1;
	v1 =	vor.u32 $0xD, v21  }
0x82: {  	s13 =	simm.s32 $0x980;
	s14 =	simm.s32 $0x0;
	s15 =	simm.s32 $0x0;
	v24 =	vor.u32 $0x80000000, v0;
	v16 =	vcvt.s32.f32 v16;
	v18 =	vcvt.s32.f32 v18;
	[tilespmem:$0x1FFF0] =	vst v1  }
.LBB2_1:
0x83: {  	v39 =	vld [tilespmem:$0x0]  }
0x84: {  	v40 =	vld [tilespmem:$0x180]  }
0x85: {  	v41 =	vld [tilespmem:$0x300]  }
0x86: {  	v42 =	vld [tilespmem:$0x480]  }
0x87: {  	v30 =	vld [tilespmem:$0x10]  }
0x88: {  	v32 =	vld [tilespmem:$0x310]  }
0x89: {  	v34 =	vld [tilespmem:$0x190]  }
0x8a: {  	v49 =	vbroadcast v36, $0x0;
	v35 =	vld [tilespmem:$0x490]  }
0x8b: {  	v50 =	vbroadcast v36, $0x2;
	v44 =	vbroadcast v36, $0x1  }
0x8c: {  	v45 =	vbroadcast v36, $0x3  }
0x8d: {  	v43 =	vmax.f32 v49, v39;
	v46 =	vmin.f32 v50, v41;
	v47 =	vmax.f32 v44, v40  }
0x8e: {  	v48 =	vmin.f32 v45, v42;
	v55 =	vmax.f32 v49, v30;
	v56 =	vmin.f32 v50, v32  }
0x8f: {  	v62 =	vmax.f32 v44, v34;
	v63 =	vmin.f32 v45, v35;
	v51 =	vsub.f32 v46, v43  }
0x90: {  	v53 =	vld [tilespmem:$0x780];
	v52 =	vsub.f32 v48, v47;
	v48 =	vbroadcast v38, $0x0;
	v46 =	vbroadcast v38, $0x1  }
0x91: {  	v47 =	vbroadcast v38, $0x2;
	v43 =	vbroadcast v38, $0x3;
	v60 =	vsub.f32 v56, v55  }
0x92: {  	v51 =	vmax.f32 v51, $0.0e+00;
	v39 =	vmax.f32 v48, v39;
	v40 =	vmax.f32 v46, v40  }
0x93: {  	v41 =	vmin.f32 v47, v41;
	v54 =	vmin.f32 v43, v42;
	v42 =	vbroadcast v36, $0x6  }
0x94: {  	v52 =	vmax.f32 v52, $0.0e+00;
	v28 =	vsub.f32 v41, v39;
	v29 =	vsub.f32 v54, v40  }
0x95: {  	v40 =	vmul.f32 v52, v51;
	v41 =	vbroadcast v38, $0x6;
	v31 =	vadd.f32 v53, v42  }
0x96: {  	v55 =	vsub.f32 v63, v62;
	v36 =	vmax.f32 v28, $0.0e+00;
	v39 =	vmax.f32 v29, $0.0e+00  }
0x97: {  	v61 =	vld [tilespmem:$0x790];
	v33 =	vadd.f32 v53, v41;
	v36 =	vmul.f32 v39, v36;
	v51 =	vsub.f32 v31, v40  }
0x98: {  	v23 =	vimm.s32 $0x0;
	v55 =	vmax.f32 v55, $0.0e+00;
	v38 =	vmax.f32 v48, v30  }
0x99: {  	v25 =	vld [tilespmem:$0x500];
	v52 =	vmin.f32 v47, v32;
	v39 =	vsub.f32 v33, v36;
	v51 =	vadd.f32 $9.999999710e-10, v51  }
0x9a: {  	v54 =	vmin.f32 v43, v35;
	v35 =	vld [tilespmem:$0x4A0];
	v38 =	vsub.f32 v52, v38;
	v53 =	vmax.f32 v46, v34  }
0x9b: {  	v32 =	vld [tilespmem:$0x20];
	v28 =	vsub.f32 v54, v53;
	v39 =	vadd.f32 $9.999999710e-10, v39;
	(erf) = vrcp.f32 v51  }
0x9c: {  	v29 =	vadd.f32 v61, v42;
	v34 =	vld [tilespmem:$0x1A0];
	v38 =	vmax.f32 v38, $0.0e+00;
	v51 =	vmax.f32 v60, $0.0e+00  }
0x9d: {  	v52 =	vmax.f32 v28, $0.0e+00;
	v51 =	vmul.f32 v55, v51;
	(erf) = vrcp.f32 v39  }
0x9e: {  	v27 =	vmin.f32 v45, v25;
	v30 =	vadd.f32 v61, v41;
	v33 =	vld [tilespmem:$0x320];
	v52 =	vmul.f32 v52, v38  }
0x9f: {  	v62 =	vld [tilespmem:$0x7A0];
	v25 =	vmin.f32 v43, v25;
	v28 =	vmin.f32 v45, v35;
	v31 =	vsub.f32 v29, v51  }
0xa0: {  	v60 =	vmax.f32 v49, v32;
	v38 =	vsub.f32 v30, v52;
	v30 =	vmax.f32 v48, v32  }
0xa1: {  	v32 =	vmin.f32 v43, v35;
	v39 =	vadd.f32 $9.999999710e-10, v31;
	v31 =	vmax.f32 v46, v34  }
0xa2: {  	v63 =	vmax.f32 v44, v34;
	v38 =	vadd.f32 $9.999999710e-10, v38;
	v53 =	vsub.f32 v32, v31;
	v31 =	vld [tilespmem:$0x4B0]  }
0xa3: {  	v61 =	vmin.f32 v50, v33;
	(erf) = vrcp.f32 v39;
	v39 =	vsub.f32 v28, v63;
	v28 =	vld [tilespmem:$0x330]  }
0xa4: {  	v35 =	vadd.f32 v62, v42;
	(erf) = vrcp.f32 v38;
	v38 =	vsub.f32 v61, v60;
	v61 =	vld [tilespmem:$0x30];
	v57 =	vpop (erf)  }
0xa5: {  	v54 =	vmin.f32 v47, v33;
	v53 =	vmax.f32 v53, $0.0e+00;
	v58 =	vmul.f32 v57, v40  }
0xa6: {  	v39 =	vmax.f32 v39, $0.0e+00;
	v38 =	vmax.f32 v38, $0.0e+00;
	v40 =	vsub.f32 v54, v30;
	v59 =	vpop (erf)  }
0xa7: {  	v29 =	vld [tilespmem:$0x600];
	v54 =	vmul.f32 v39, v38;
	v36 =	vmul.f32 v59, v36;
	vm0 =	vgt.f32 v58, $5.000000000e-01  }
0xa8: {  	v40 =	vmax.f32 v40, $0.0e+00;
	v59 =	vmin.f32 v45, v31;
	v56 =	vmin.f32 v47, v28  }
0xa9: {  	v40 =	vmul.f32 v53, v40;
	v63 =	vsub.f32 v35, v54;
	v53 =	vmax.f32 v48, v61  }
0xaa: {  	vm1 =	vgt.f32 v36, $5.000000000e-01;
	v36 =	vadd.f32 v62, v41;
	v53 =	vsub.f32 v56, v53  }
0xab: {  	v32 =	vmax.f32 v49, v61;
	vm0 =	vmor vm0, vm1;
	v30 =	vadd.f32 $9.999999710e-10, v63  }
0xac: {  	v34 =	vld [tilespmem:$0x610];
	v33 =	vpop (erf);
	v38 =	vsel vm0, $0xCE6E6B28, v29;
	v36 =	vsub.f32 v36, v40;
	v53 =	vmax.f32 v53, $0.0e+00  }
0xad: {  	v29 =	vld [tilespmem:$0x1B0];
	v60 =	vpop (erf);
	v39 =	vmul.f32 v33, v51;
	vm0 =	vlt.f32 v38, $-Inf;
	vm9 =	vgt.f32 v38, $-Inf  }
0xae: {  	(erf) = vrcp.f32 v30;
	v33 =	vmin.f32 v50, v28;
	v62 =	vmul.f32 v60, v52  }
0xaf: {  	v1 =	vld [tilespmem:$0x1FEB0];
	vm1 =	vmor vm9, vm0;
	v36 =	vadd.f32 $9.999999710e-10, v36;
	v52 =	vmin.f32 v43, v31  }
0xb0: {  	v31 =	vld [tilespmem:$0x1C0];
	vm2 =	vgt.f32 v39, $5.000000000e-01;
	v58 =	vnsel vm1, $0xFF800000, v38;
	vm3 =	vgt.f32 v62, $5.000000000e-01  }
0xb1: {  	(erf) = vrcp.f32 v36;
	v36 =	vsub.f32 v33, v32;
	vm10 =	vmor vm2, vm3  }
0xb2: {  	v62 =	vld [tilespmem:$0x4C0];
	v35 =	vmax.f32 v44, v29;
	v57 =	vmax.f32 v46, v29;
	v39 =	vsel vm10, $0xCE6E6B28, v34  }
0xb3: {  	v29 =	vld [tilespmem:$0x40];
	v36 =	vmax.f32 v36, $0.0e+00;
	v55 =	vsub.f32 v59, v35;
	v52 =	vsub.f32 v52, v57  }
0xb4: {  	v34 =	vld [tilespmem:$0x7B0];
	v59 =	vnsel vm1, $0x4E800000, v1;
	vm0 =	vgt.f32 v39, v58;
	vm11 =	vlt.f32 v39, $-Inf  }
0xb5: {  	v60 =	vld [tilespmem:$0x340];
	vm12 =	vgt.f32 v39, $-Inf;
	v57 =	vmax.f32 v46, v31;
	vm0 =	vmneg vm0  }
0xb6: {  	v35 =	vld [tilespmem:$0x7C0];
	v55 =	vmax.f32 v55, $0.0e+00;
	v52 =	vmax.f32 v52, $0.0e+00;
	vm2 =	vmor vm12, vm11  }
0xb7: {  	v36 =	vmul.f32 v55, v36;
	v52 =	vmul.f32 v52, v53;
	vm2 =	vmand vm0, vm2  }
0xb8: {  	v61 =	vnsel vm2, $0xFF800000, v39;
	v33 =	vmax.f32 v49, v29;
	v53 =	vmax.f32 v48, v29  }
0xb9: {  	v28 =	vpop (erf);
	v29 =	vmin.f32 v43, v62;
	v63 =	vadd.f32 v34, v42;
	v51 =	vadd.f32 v34, v41  }
0xba: {  	v54 =	vmul.f32 v28, v54;
	v34 =	vmin.f32 v50, v60;
	v57 =	vsub.f32 v29, v57  }
0xbb: {  	v60 =	vmin.f32 v47, v60;
	v55 =	vadd.f32 v35, v41;
	v56 =	vsub.f32 v63, v36  }
0xbc: {  	v37 =	vld [tilespmem:$0x620];
	v28 =	vmin.f32 v45, v62;
	v53 =	vsub.f32 v60, v53;
	v30 =	vpop (erf);
	v51 =	vsub.f32 v51, v52  }
0xbd: {  	vm13 =	vgt.f32 v54, $5.000000000e-01;
	v40 =	vmul.f32 v30, v40;
	v56 =	vadd.f32 $9.999999710e-10, v56  }
0xbe: {  	v54 =	vsub.f32 v34, v33;
	v57 =	vmax.f32 v57, $0.0e+00;
	v32 =	vadd.f32 $9.999999710e-10, v51  }
0xbf: {  	v30 =	vnsel vm2, $0x4E800000, v2;
	vm14 =	vgt.f32 v40, $5.000000000e-01;
	(erf) = vrcp.f32 v56  }
0xc0: {  	v53 =	vmax.f32 v53, $0.0e+00;
	vm1 =	vmor vm13, vm14;
	(erf) = vrcp.f32 v32  }
0xc1: {  	v53 =	vmul.f32 v57, v53;
	v57 =	vld [tilespmem:$0x50];
	v40 =	vsel vm1, $0xCE6E6B28, v37;
	v37 =	vmax.f32 v44, v31  }
0xc2: {  	v51 =	vsel vm0, v61, v58;
	v58 =	vsel vm0, v58, v39;
	v56 =	vsub.f32 v28, v37  }
0xc3: {  	v54 =	vmax.f32 v54, $0.0e+00;
	v60 =	vsel vm0, v30, v59;
	v55 =	vsub.f32 v55, v53  }
0xc4: {  	v32 =	vadd.f32 v35, v42;
	vm1 =	vgt.f32 v40, v58;
	v37 =	vld [tilespmem:$0x350];
	v56 =	vmax.f32 v56, $0.0e+00  }
0xc5: {  	vm4 =	vgt.f32 v40, v51;
	vm15 =	vmneg vm1;
	v54 =	vmul.f32 v56, v54  }
0xc6: {  	v35 =	vld [tilespmem:$0x4D0];
	v28 =	vadd.f32 $9.999999710e-10, v55;
	v29 =	vmax.f32 v49, v57;
	vm1 =	vmand vm15, vm4  }
0xc7: {  	v57 =	vmax.f32 v48, v57;
	v51 =	vsel vm1, v40, v51;
	v61 =	vsub.f32 v32, v54  }
0xc8: {  	v60 =	vsel vm1, v3, v60;
	v55 =	vsel vm15, v51, v58;
	v58 =	vsel vm15, v58, v40;
	v33 =	vpop (erf)  }
0xc9: {  	v31 =	vld [tilespmem:$0x630];
	v30 =	vmin.f32 v50, v37;
	v37 =	vmin.f32 v47, v37;
	v34 =	vadd.f32 $9.999999710e-10, v61;
	v63 =	vpop (erf)  }
0xca: {  	v37 =	vsub.f32 v37, v57;
	v62 =	vmul.f32 v33, v36;
	v52 =	vmul.f32 v63, v52  }
0xcb: {  	v61 =	vmin.f32 v43, v35;
	v36 =	vsel vm0, v59, v2;
	v63 =	vld [tilespmem:$0x1D0];
	(erf) = vrcp.f32 v34  }
0xcc: {  	vm5 =	vgt.f32 v62, $5.000000000e-01;
	(erf) = vrcp.f32 v28;
	vm6 =	vgt.f32 v52, $5.000000000e-01  }
0xcd: {  	v33 =	vmin.f32 v45, v35;
	v62 =	vld [tilespmem:$0x60];
	v52 =	vsub.f32 v30, v29;
	vm0 =	vmor vm5, vm6  }
0xce: {  	v37 =	vmax.f32 v37, $0.0e+00;
	v60 =	vsel vm15, v60, v36;
	v51 =	vsel vm0, $0xCE6E6B28, v31  }
0xcf: {  	v36 =	vsel vm15, v36, v3;
	v31 =	vld [tilespmem:$0x7D0];
	v52 =	vmax.f32 v52, $0.0e+00;
	vm0 =	vgt.f32 v51, v58  }
0xd0: {  	v32 =	vmax.f32 v44, v63;
	v34 =	vmax.f32 v46, v63;
	vm7 =	vgt.f32 v51, v55  }
0xd1: {  	v63 =	vld [tilespmem:$0x4E0];
	v59 =	vsub.f32 v33, v32;
	v35 =	vsub.f32 v61, v34;
	vm0 =	vmneg vm0  }
0xd2: {  	v1 =	vld [tilespmem:$0x1E0];
	v33 =	vmax.f32 v49, v62;
	vm4 =	vmand vm0, vm7;
	v22 =	vsel vm0, v58, v51  }
0xd3: {  	v59 =	vmax.f32 v59, $0.0e+00;
	v57 =	vmax.f32 v35, $0.0e+00;
	v55 =	vsel vm4, v51, v55  }
0xd4: {  	v28 =	vld [tilespmem:$0x640];
	v59 =	vmul.f32 v59, v52;
	v29 =	vadd.f32 v31, v42;
	v30 =	vpop (erf);
	v37 =	vmul.f32 v57, v37  }
0xd5: {  	v56 =	vadd.f32 v31, v41;
	v57 =	vld [tilespmem:$0x360];
	v55 =	vsel vm0, v55, v58;
	v54 =	vmul.f32 v30, v54;
	v31 =	vpop (erf)  }
0xd6: {  	v30 =	vmin.f32 v45, v63;
	v52 =	vsub.f32 v29, v59;
	v53 =	vmul.f32 v31, v53  }
0xd7: {  	v56 =	vsub.f32 v56, v37;
	v29 =	vmax.f32 v44, v1;
	v31 =	vmax.f32 v48, v62  }
0xd8: {  	vm8 =	vgt.f32 v54, $5.000000000e-01;
	v52 =	vadd.f32 $9.999999710e-10, v52;
	vm9 =	vgt.f32 v53, $5.000000000e-01  }
0xd9: {  	v32 =	vadd.f32 $9.999999710e-10, v56;
	v56 =	vsub.f32 v30, v29;
	vm1 =	vmor vm8, vm9  }
0xda: {  	v34 =	vmin.f32 v50, v57;
	(erf) = vrcp.f32 v52;
	v52 =	vsel vm1, $0xCE6E6B28, v28;
	v28 =	vld [tilespmem:$0x7E0]  }
0xdb: {  	v1 =	vmax.f32 v46, v1;
	v57 =	vmin.f32 v47, v57;
	v35 =	vsub.f32 v34, v33  }
0xdc: {  	v61 =	vld [tilespmem:$0x370];
	v56 =	vmax.f32 v56, $0.0e+00;
	(erf) = vrcp.f32 v32;
	v32 =	vmin.f32 v43, v63  }
0xdd: {  	v62 =	vld [tilespmem:$0x4F0];
	v57 =	vsub.f32 v57, v31;
	v53 =	vmax.f32 v35, $0.0e+00;
	v1 =	vsub.f32 v32, v1  }
0xde: {  	vm1 =	vgt.f32 v52, v22;
	vm10 =	vgt.f32 v52, v55;
	v56 =	vmul.f32 v56, v53;
	v53 =	vld [tilespmem:$0x70]  }
0xdf: {  	v31 =	vld [tilespmem:$0x7F0];
	v57 =	vmax.f32 v57, $0.0e+00;
	v1 =	vmax.f32 v1, $0.0e+00;
	v33 =	vadd.f32 v28, v42  }
0xe0: {  	vm2 =	vmneg vm1;
	v1 =	vmul.f32 v1, v57;
	v54 =	vadd.f32 v28, v41;
	v57 =	vld [tilespmem:$0x1F0]  }
0xe1: {  	v29 =	vmin.f32 v50, v61;
	vm1 =	vmand vm2, vm10;
	v58 =	vsub.f32 v33, v56  }
0xe2: {  	v55 =	vsel vm1, v52, v55;
	v54 =	vsub.f32 v54, v1;
	v33 =	vmin.f32 v45, v62  }
0xe3: {  	v28 =	vmax.f32 v49, v53;
	v53 =	vmax.f32 v48, v53;
	v58 =	vadd.f32 $9.999999710e-10, v58  }
0xe4: {  	v34 =	vpop (erf);
	v54 =	vadd.f32 $9.999999710e-10, v54;
	v30 =	vsub.f32 v29, v28;
	v28 =	vmin.f32 v43, v62  }
0xe5: {  	v29 =	vadd.f32 v31, v42;
	v59 =	vmul.f32 v34, v59;
	v35 =	vpop (erf);
	v32 =	vmax.f32 v44, v57  }
0xe6: {  	v34 =	vld [tilespmem:$0x650];
	v57 =	vmax.f32 v46, v57;
	v37 =	vmul.f32 v35, v37;
	(erf) = vrcp.f32 v58  }
0xe7: {  	v58 =	vsub.f32 v33, v32;
	v35 =	vmin.f32 v47, v61;
	v57 =	vsub.f32 v28, v57  }
0xe8: {  	vm5 =	vgt.f32 v59, $5.000000000e-01;
	(erf) = vrcp.f32 v54;
	v53 =	vsub.f32 v35, v53  }
0xe9: {  	v59 =	vsel vm2, v22, v52;
	v54 =	vadd.f32 v31, v41;
	vm6 =	vgt.f32 v37, $5.000000000e-01  }
0xea: {  	v22 =	vsel vm2, v55, v22;
	v37 =	vmax.f32 v30, $0.0e+00;
	vm5 =	vmor vm5, vm6  }
0xeb: {  	v62 =	vld [tilespmem:$0x80];
	v58 =	vmax.f32 v58, $0.0e+00;
	v30 =	vmax.f32 v53, $0.0e+00;
	v53 =	vsel vm5, $0xCE6E6B28, v34  }
0xec: {  	v32 =	vld [tilespmem:$0x200];
	v57 =	vmax.f32 v57, $0.0e+00;
	v37 =	vmul.f32 v58, v37;
	vm5 =	vgt.f32 v53, v59  }
0xed: {  	v61 =	vmul.f32 v57, v30;
	vm11 =	vgt.f32 v53, v22;
	vm8 =	vmneg vm5  }
0xee: {  	v35 =	vsel vm4, v4, v60;
	v60 =	vld [tilespmem:$0x390];
	v31 =	vsub.f32 v29, v37;
	vm12 =	vmand vm8, vm11  }
0xef: {  	v28 =	vimm.s32 $0x0;
	v54 =	vsub.f32 v54, v61;
	v23 =	vsel vm12, $0xFFFFFFFF, v23  }
0xf0: {  	v34 =	vld [tilespmem:$0x380];
	v30 =	vmax.f32 v49, v62;
	v57 =	vsel vm0, v35, v36;
	v55 =	vadd.f32 $9.999999710e-10, v31  }
0xf1: {  	v36 =	vsel vm0, v36, v4;
	v58 =	vmax.f32 v46, v32;
	v54 =	vadd.f32 $9.999999710e-10, v54;
	v33 =	vpop (erf)  }
0xf2: {  	v57 =	vsel vm1, v5, v57;
	v25 =	vsub.f32 v25, v58;
	[tilespmem:$0x1FDF0] =	vst v23;
	(erf) = vrcp.f32 v55;
	v23 =	vpop (erf)  }
0xf3: {  	v29 =	vmin.f32 v50, v60;
	(erf) = vrcp.f32 v54;
	v1 =	vmul.f32 v23, v1;
	v23 =	vld [tilespmem:$0x660]  }
0xf4: {  	v60 =	vmin.f32 v47, v60;
	v31 =	vmax.f32 v44, v32;
	v56 =	vmul.f32 v33, v56  }
0xf5: {  	v58 =	vld [tilespmem:$0x210];
	v22 =	vsel vm12, v53, v22;
	v25 =	vmax.f32 v25, $0.0e+00;
	v26 =	vmin.f32 v50, v34  }
0xf6: {  	v22 =	vsel vm8, v22, v59;
	vm13 =	vgt.f32 v56, $5.000000000e-01;
	vm14 =	vgt.f32 v1, $5.000000000e-01  }
0xf7: {  	v35 =	vld [tilespmem:$0x510];
	v32 =	vmin.f32 v47, v34;
	v1 =	vsel vm8, v59, v53;
	vm3 =	vmor vm13, vm14  }
0xf8: {  	v55 =	vld [tilespmem:$0x800];
	v54 =	vsel vm3, $0xCE6E6B28, v23;
	v23 =	vsub.f32 v26, v30;
	v26 =	vsub.f32 v27, v31  }
0xf9: {  	v27 =	vmax.f32 v48, v62;
	vm3 =	vgt.f32 v54, v1;
	vm9 =	vgt.f32 v54, v22  }
0xfa: {  	v27 =	vsub.f32 v32, v27;
	v32 =	vmax.f32 v44, v58;
	v58 =	vmax.f32 v46, v58  }
0xfb: {  	v33 =	vpop (erf);
	vm15 =	vmneg vm3;
	v23 =	vmax.f32 v23, $0.0e+00;
	v26 =	vmax.f32 v26, $0.0e+00  }
0xfc: {  	v37 =	vmul.f32 v33, v37;
	v34 =	vpop (erf);
	v33 =	vmin.f32 v45, v35;
	v23 =	vmul.f32 v26, v23  }
0xfd: {  	v56 =	vld [tilespmem:$0x90];
	v26 =	vadd.f32 v55, v42;
	vm10 =	vmand vm15, vm9;
	v59 =	vmul.f32 v34, v61  }
0xfe: {  	v30 =	vld [tilespmem:$0x810];
	v27 =	vmax.f32 v27, $0.0e+00;
	v34 =	vmin.f32 v43, v35;
	v62 =	vsel vm15, v1, v54  }
0xff: {  	v28 =	vsel vm10, $0xFFFFFFFF, v28;
	v25 =	vmul.f32 v25, v27;
	v27 =	vadd.f32 v55, v41  }
0x100: {  	vm11 =	vgt.f32 v37, $5.000000000e-01;
	v55 =	vsub.f32 v33, v32;
	v58 =	vsub.f32 v34, v58  }
0x101: {  	v33 =	vimm.s32 $0x0;
	v22 =	vsel vm10, v54, v22;
	v26 =	vsub.f32 v26, v23  }
0x102: {  	v61 =	vld [tilespmem:$0x520];
	[tilespmem:$0x1FE00] =	vst v28;
	v28 =	vmax.f32 v49, v56;
	vm12 =	vgt.f32 v59, $5.000000000e-01;
	v56 =	vmax.f32 v48, v56  }
0x103: {  	v59 =	vld [tilespmem:$0x670];
	v35 =	vadd.f32 v30, v42;
	v37 =	vadd.f32 v30, v41;
	v1 =	vsel vm15, v22, v1  }
0x104: {  	v22 =	vimm.s32 $0x0;
	v27 =	vsub.f32 v27, v25;
	v56 =	vsub.f32 v60, v56;
	v60 =	vld [tilespmem:$0xA0]  }
0x105: {  	v55 =	vmax.f32 v55, $0.0e+00;
	v32 =	vmax.f32 v58, $0.0e+00;
	v58 =	vld [tilespmem:$0x3A0];
	v26 =	vadd.f32 $9.999999710e-10, v26  }
0x106: {  	vm3 =	vmor vm11, vm12;
	v27 =	vadd.f32 $9.999999710e-10, v27;
	v31 =	vmax.f32 v56, $0.0e+00  }
0x107: {  	v63 =	vmin.f32 v45, v61;
	(erf) = vrcp.f32 v26;
	v26 =	vsub.f32 v29, v28  }
0x108: {  	v30 =	vmin.f32 v43, v61;
	v28 =	vsel vm15, $0xFFFFFFFF, v33;
	(erf) = vrcp.f32 v27  }
0x109: {  	v27 =	vmul.f32 v32, v31;
	v26 =	vmax.f32 v26, $0.0e+00;
	v32 =	vmax.f32 v49, v60  }
0x10a: {  	v33 =	vmin.f32 v50, v58;
	v26 =	vmul.f32 v55, v26;
	v55 =	vsel vm3, $0xCE6E6B28, v59  }
0x10b: {  	v29 =	vmax.f32 v48, v60;
	v58 =	vmin.f32 v47, v58;
	vm3 =	vgt.f32 v55, v62  }
0x10c: {  	v56 =	vld [tilespmem:$0x220];
	v37 =	vsub.f32 v37, v27;
	v34 =	vsub.f32 v35, v26;
	vm13 =	vmneg vm3  }
0x10d: {  	v58 =	vsub.f32 v58, v29;
	vm14 =	vgt.f32 v55, v1;
	v22 =	vsel vm13, $0xFFFFFFFF, v22  }
0x10e: {  	v29 =	vimm.s32 $0x0;
	vm15 =	vmand vm13, vm14;
	[tilespmem:$0x1FDE0] =	vst v22;
	v22 =	vadd.f32 $9.999999710e-10, v34  }
0x10f: {  	v59 =	vsel vm2, v57, v36;
	v37 =	vadd.f32 $9.999999710e-10, v37;
	v34 =	vld [tilespmem:$0x820];
	v1 =	vsel vm15, v55, v1  }
0x110: {  	v58 =	vmax.f32 v58, $0.0e+00;
	v1 =	vsel vm13, v1, v62;
	v35 =	vpop (erf);
	(erf) = vrcp.f32 v22  }
0x111: {  	v22 =	vsub.f32 v33, v32;
	v23 =	vmul.f32 v35, v23;
	v35 =	vmax.f32 v44, v56  }
0x112: {  	(erf) = vrcp.f32 v37;
	v56 =	vmax.f32 v46, v56;
	v31 =	vpop (erf);
	v37 =	vsub.f32 v63, v35  }
0x113: {  	v32 =	vld [tilespmem:$0x680];
	v22 =	vmax.f32 v22, $0.0e+00;
	v56 =	vsub.f32 v30, v56;
	v25 =	vmul.f32 v31, v25  }
0x114: {  	[tilespmem:$0x1FDD0] =	vst v28;
	v33 =	vadd.f32 v34, v42;
	v28 =	vadd.f32 v34, v41;
	v37 =	vmax.f32 v37, $0.0e+00  }
0x115: {  	v34 =	vsel vm13, v62, v55;
	v62 =	vld [tilespmem:$0x230];
	v56 =	vmax.f32 v56, $0.0e+00;
	v22 =	vmul.f32 v37, v22  }
0x116: {  	vm9 =	vgt.f32 v23, $5.000000000e-01;
	vm10 =	vgt.f32 v25, $5.000000000e-01;
	v58 =	vmul.f32 v56, v58  }
0x117: {  	v29 =	vsel vm15, $0xFFFFFFFF, v29;
	vm3 =	vmor vm9, vm10;
	v23 =	vsub.f32 v33, v22  }
0x118: {  	v63 =	vimm.s32 $0x0;
	v56 =	vsel vm3, $0xCE6E6B28, v32;
	v28 =	vsub.f32 v28, v58  }
0x119: {  	v61 =	vld [tilespmem:$0xB0];
	vm3 =	vgt.f32 v56, v34;
	vm11 =	vgt.f32 v56, v1;
	v23 =	vadd.f32 $9.999999710e-10, v23  }
0x11a: {  	v25 =	vld [tilespmem:$0x690];
	vm9 =	vmneg vm3;
	v31 =	vmax.f32 v44, v62;
	v62 =	vmax.f32 v46, v62;
	v35 =	vpop (erf)  }
0x11b: {  	v28 =	vadd.f32 $9.999999710e-10, v28;
	vm12 =	vmand vm9, vm11;
	v60 =	vpop (erf);
	(erf) = vrcp.f32 v23;
	v23 =	vld [tilespmem:$0x3B0]  }
0x11c: {  	v26 =	vmul.f32 v35, v26;
	v1 =	vsel vm12, v56, v1;
	v27 =	vmul.f32 v60, v27  }
0x11d: {  	[tilespmem:$0x1FE10] =	vst v29;
	v29 =	vsel vm12, $0xFFFFFFFF, v63;
	v1 =	vsel vm9, v1, v34;
	(erf) = vrcp.f32 v28;
	v28 =	vld [tilespmem:$0x530]  }
0x11e: {  	v60 =	vsel vm2, v36, v5;
	vm13 =	vgt.f32 v26, $5.000000000e-01;
	vm14 =	vgt.f32 v27, $5.000000000e-01  }
0x11f: {  	v26 =	vsel vm9, v34, v56;
	v34 =	vimm.s32 $0x0;
	vm0 =	vmor vm13, vm14  }
0x120: {  	v27 =	vmax.f32 v49, v61;
	v57 =	vsel vm0, $0xCE6E6B28, v25;
	v25 =	vld [tilespmem:$0x830];
	v32 =	vmin.f32 v50, v23  }
0x121: {  	vm0 =	vgt.f32 v57, v26;
	vm15 =	vgt.f32 v57, v1;
	v23 =	vmin.f32 v47, v23  }
0x122: {  	v33 =	vmin.f32 v45, v28;
	v27 =	vsub.f32 v32, v27;
	vm12 =	vmneg vm0  }
0x123: {  	v30 =	vld [tilespmem:$0xC0];
	v28 =	vmin.f32 v43, v28;
	v37 =	vsub.f32 v33, v31;
	vm0 =	vmand vm12, vm15  }
0x124: {  	[tilespmem:$0x1FE20] =	vst v29;
	v36 =	vld [tilespmem:$0x3C0];
	v63 =	vsel vm12, v26, v57;
	v29 =	vsel vm0, $0xFFFFFFFF, v34;
	v27 =	vmax.f32 v27, $0.0e+00  }
0x125: {  	v1 =	vsel vm0, v57, v1;
	v35 =	vpop (erf);
	v37 =	vmax.f32 v37, $0.0e+00;
	v34 =	vadd.f32 v25, v42  }
0x126: {  	v33 =	vpop (erf);
	v27 =	vmul.f32 v37, v27;
	v22 =	vmul.f32 v35, v22;
	v35 =	vmax.f32 v48, v61  }
0x127: {  	[tilespmem:$0x1FE30] =	vst v29;
	v25 =	vadd.f32 v25, v41;
	v61 =	vld [tilespmem:$0x240];
	v29 =	vmul.f32 v33, v58;
	v23 =	vsub.f32 v23, v35  }
0x128: {  	v58 =	vld [tilespmem:$0x540];
	v33 =	vmax.f32 v49, v30;
	v30 =	vmax.f32 v48, v30;
	v37 =	vsub.f32 v34, v27  }
0x129: {  	vm4 =	vgt.f32 v22, $5.000000000e-01;
	v22 =	vsub.f32 v28, v62;
	v34 =	vmin.f32 v50, v36  }
0x12a: {  	v36 =	vmin.f32 v47, v36;
	vm5 =	vgt.f32 v29, $5.000000000e-01;
	v23 =	vmax.f32 v23, $0.0e+00  }
0x12b: {  	v31 =	vld [tilespmem:$0x250];
	v35 =	vsub.f32 v34, v33;
	v32 =	vadd.f32 $9.999999710e-10, v37;
	v22 =	vmax.f32 v22, $0.0e+00  }
0x12c: {  	v29 =	vld [tilespmem:$0x6A0];
	v30 =	vsub.f32 v36, v30;
	vm0 =	vmor vm4, vm5;
	v22 =	vmul.f32 v22, v23  }
0x12d: {  	v23 =	vld [tilespmem:$0x840];
	(erf) = vrcp.f32 v32;
	v32 =	vmax.f32 v44, v61;
	v33 =	vmin.f32 v45, v58  }
0x12e: {  	v62 =	vld [tilespmem:$0xD0];
	v61 =	vmax.f32 v46, v61;
	v58 =	vmin.f32 v43, v58;
	v37 =	vsub.f32 v33, v32  }
0x12f: {  	v28 =	vmax.f32 v35, $0.0e+00;
	v30 =	vmax.f32 v30, $0.0e+00;
	v34 =	vsub.f32 v58, v61;
	v61 =	vld [tilespmem:$0x3D0]  }
0x130: {  	v25 =	vsub.f32 v25, v22;
	v32 =	vmax.f32 v44, v31;
	v37 =	vmax.f32 v37, $0.0e+00  }
0x131: {  	v58 =	vsel vm0, $0xCE6E6B28, v29;
	v36 =	vmax.f32 v34, $0.0e+00;
	v28 =	vmul.f32 v37, v28;
	v37 =	vld [tilespmem:$0x550]  }
0x132: {  	v35 =	vadd.f32 v23, v42;
	v30 =	vmul.f32 v36, v30;
	v23 =	vadd.f32 v23, v41  }
0x133: {  	v36 =	vsel vm12, v1, v26;
	v1 =	vadd.f32 $9.999999710e-10, v25;
	v26 =	vmax.f32 v49, v62  }
0x134: {  	v29 =	vsub.f32 v35, v28;
	v23 =	vsub.f32 v23, v30;
	v33 =	vmin.f32 v50, v61  }
0x135: {  	v31 =	vmax.f32 v46, v31;
	(erf) = vrcp.f32 v1;
	v26 =	vsub.f32 v33, v26;
	v33 =	vld [tilespmem:$0xE0]  }
0x136: {  	v25 =	vadd.f32 $9.999999710e-10, v29;
	v29 =	vld [tilespmem:$0x850];
	v1 =	vadd.f32 $9.999999710e-10, v23;
	v34 =	vmin.f32 v45, v37;
	v35 =	vpop (erf)  }
0x137: {  	v23 =	vld [tilespmem:$0x3E0];
	v37 =	vmin.f32 v43, v37;
	v32 =	vsub.f32 v34, v32;
	v27 =	vmul.f32 v35, v27  }
0x138: {  	(erf) = vrcp.f32 v25;
	v25 =	vmax.f32 v26, $0.0e+00;
	v34 =	vmax.f32 v48, v62  }
0x139: {  	v62 =	vmin.f32 v47, v61;
	v31 =	vsub.f32 v37, v31;
	v26 =	vmax.f32 v32, $0.0e+00;
	v32 =	vld [tilespmem:$0x260]  }
0x13a: {  	(erf) = vrcp.f32 v1;
	v34 =	vsub.f32 v62, v34;
	v1 =	vmul.f32 v26, v25;
	v25 =	vld [tilespmem:$0x560]  }
0x13b: {  	v61 =	vmax.f32 v49, v33;
	v31 =	vmax.f32 v31, $0.0e+00;
	v33 =	vmax.f32 v48, v33  }
0x13c: {  	vm6 =	vgt.f32 v27, $5.000000000e-01;
	v26 =	vadd.f32 v29, v42;
	v62 =	vmin.f32 v50, v23  }
0x13d: {  	v34 =	vmax.f32 v34, $0.0e+00;
	v23 =	vmin.f32 v47, v23;
	v29 =	vadd.f32 v29, v41  }
0x13e: {  	v35 =	vsub.f32 v62, v61;
	v23 =	vsub.f32 v23, v33;
	v31 =	vmul.f32 v31, v34  }
0x13f: {  	v37 =	vld [tilespmem:$0x860];
	v26 =	vsub.f32 v26, v1;
	v61 =	vmax.f32 v44, v32;
	v62 =	vmin.f32 v45, v25  }
0x140: {  	v32 =	vmax.f32 v46, v32;
	v25 =	vmin.f32 v43, v25;
	v61 =	vsub.f32 v62, v61  }
0x141: {  	v35 =	vmax.f32 v35, $0.0e+00;
	v29 =	vsub.f32 v29, v31;
	v25 =	vsub.f32 v25, v32  }
0x142: {  	v23 =	vmax.f32 v23, $0.0e+00;
	v26 =	vadd.f32 $9.999999710e-10, v26;
	v61 =	vmax.f32 v61, $0.0e+00  }
0x143: {  	v27 =	vadd.f32 $9.999999710e-10, v29;
	v29 =	vld [tilespmem:$0x570];
	v25 =	vmax.f32 v25, $0.0e+00;
	v32 =	vmul.f32 v61, v35  }
0x144: {  	v61 =	vadd.f32 v37, v42;
	v23 =	vmul.f32 v25, v23;
	v25 =	vadd.f32 v37, v41;
	v37 =	vld [tilespmem:$0x3F0]  }
0x145: {  	vm0 =	vgt.f32 v58, v63;
	(erf) = vrcp.f32 v26;
	v35 =	vld [tilespmem:$0x270]  }
0x146: {  	vm10 =	vmneg vm0;
	vm4 =	vgt.f32 v58, v36;
	v34 =	vld [tilespmem:$0xF0];
	(erf) = vrcp.f32 v27;
	v62 =	vpop (erf)  }
0x147: {  	v22 =	vmul.f32 v62, v22;
	v26 =	vpop (erf);
	v33 =	vsub.f32 v61, v32;
	v25 =	vsub.f32 v25, v23  }
0x148: {  	v26 =	vmul.f32 v26, v28;
	v62 =	vmin.f32 v45, v29;
	v29 =	vmin.f32 v43, v29  }
0x149: {  	vm7 =	vgt.f32 v22, $5.000000000e-01;
	v22 =	vadd.f32 $9.999999710e-10, v33;
	v25 =	vadd.f32 $9.999999710e-10, v25  }
0x14a: {  	v27 =	vmin.f32 v50, v37;
	v61 =	vmax.f32 v44, v35;
	v35 =	vmax.f32 v46, v35  }
0x14b: {  	v37 =	vmin.f32 v47, v37;
	(erf) = vrcp.f32 v22;
	v22 =	vmax.f32 v49, v34  }
0x14c: {  	v33 =	vpop (erf);
	v28 =	vsub.f32 v62, v61;
	v61 =	vmax.f32 v48, v34;
	v34 =	vld [tilespmem:$0x6C0];
	v29 =	vsub.f32 v29, v35  }
0x14d: {  	(erf) = vrcp.f32 v25;
	v22 =	vsub.f32 v27, v22;
	v25 =	vmul.f32 v33, v30;
	v27 =	vld [tilespmem:$0x870]  }
0x14e: {  	vm0 =	vmor vm6, vm7;
	vm11 =	vgt.f32 v26, $5.000000000e-01;
	v30 =	vsub.f32 v37, v61  }
0x14f: {  	v33 =	vld [tilespmem:$0x6B0];
	v28 =	vmax.f32 v28, $0.0e+00;
	v29 =	vmax.f32 v29, $0.0e+00;
	vm13 =	vgt.f32 v25, $5.000000000e-01  }
0x150: {  	v22 =	vmax.f32 v22, $0.0e+00;
	v62 =	vmax.f32 v30, $0.0e+00;
	vm1 =	vmor vm11, vm13  }
0x151: {  	v22 =	vmul.f32 v28, v22;
	v28 =	vmul.f32 v29, v62;
	v25 =	vpop (erf);
	v61 =	vsel vm1, $0xCE6E6B28, v34;
	v34 =	vld [tilespmem:$0x400]  }
0x152: {  	v29 =	vld [tilespmem:$0x280];
	vm13 =	vmand vm10, vm4;
	v26 =	vadd.f32 v27, v42;
	v37 =	vpop (erf);
	v27 =	vadd.f32 v27, v41  }
0x153: {  	v36 =	vsel vm13, v58, v36;
	v1 =	vmul.f32 v25, v1;
	v25 =	vmul.f32 v37, v31  }
0x154: {  	v62 =	vsel vm0, $0xCE6E6B28, v33;
	v37 =	vld [tilespmem:$0x580];
	v26 =	vsub.f32 v26, v22;
	v27 =	vsub.f32 v27, v28;
	v33 =	vpop (erf)  }
0x155: {  	v30 =	vld [tilespmem:$0x100];
	vm14 =	vgt.f32 v1, $5.000000000e-01;
	vm15 =	vgt.f32 v25, $5.000000000e-01;
	v32 =	vmul.f32 v33, v32  }
0x156: {  	v31 =	vpop (erf);
	v26 =	vadd.f32 $9.999999710e-10, v26;
	v1 =	vadd.f32 $9.999999710e-10, v27;
	v25 =	vmin.f32 v50, v34  }
0x157: {  	v27 =	vmax.f32 v44, v29;
	v29 =	vmax.f32 v46, v29;
	v23 =	vmul.f32 v31, v23  }
0x158: {  	v31 =	vmin.f32 v47, v34;
	vm11 =	vgt.f32 v32, $5.000000000e-01;
	(erf) = vrcp.f32 v26;
	v26 =	vld [tilespmem:$0x110]  }
0x159: {  	v33 =	vmin.f32 v45, v37;
	v32 =	vld [tilespmem:$0x290];
	v37 =	vmin.f32 v43, v37;
	vm7 =	vgt.f32 v23, $5.000000000e-01  }
0x15a: {  	v23 =	vld [tilespmem:$0x880];
	(erf) = vrcp.f32 v1;
	v1 =	vmax.f32 v49, v30;
	v27 =	vsub.f32 v33, v27  }
0x15b: {  	v30 =	vmax.f32 v48, v30;
	v29 =	vsub.f32 v37, v29;
	v1 =	vsub.f32 v25, v1  }
0x15c: {  	vm1 =	vmor vm14, vm15;
	v25 =	vld [tilespmem:$0x410];
	v30 =	vsub.f32 v31, v30;
	vm15 =	vmor vm11, vm7  }
0x15d: {  	v31 =	vld [tilespmem:$0x590];
	v27 =	vmax.f32 v27, $0.0e+00;
	v29 =	vmax.f32 v29, $0.0e+00;
	v1 =	vmax.f32 v1, $0.0e+00  }
0x15e: {  	v30 =	vmax.f32 v30, $0.0e+00;
	v1 =	vmul.f32 v27, v1;
	v33 =	vmax.f32 v49, v26  }
0x15f: {  	v29 =	vmul.f32 v29, v30;
	v34 =	vmax.f32 v44, v32;
	v27 =	vadd.f32 v23, v42  }
0x160: {  	v26 =	vmax.f32 v48, v26;
	v32 =	vmax.f32 v46, v32;
	v23 =	vadd.f32 v23, v41  }
0x161: {  	v30 =	vld [tilespmem:$0x890];
	v37 =	vmin.f32 v50, v25;
	v25 =	vmin.f32 v47, v25;
	v27 =	vsub.f32 v27, v1  }
0x162: {  	v33 =	vsub.f32 v37, v33;
	v37 =	vmin.f32 v45, v31;
	v25 =	vsub.f32 v25, v26  }
0x163: {  	v31 =	vmin.f32 v43, v31;
	v23 =	vsub.f32 v23, v29;
	v34 =	vsub.f32 v37, v34  }
0x164: {  	v26 =	vsub.f32 v31, v32;
	v33 =	vmax.f32 v33, $0.0e+00;
	v27 =	vadd.f32 $9.999999710e-10, v27  }
0x165: {  	v31 =	vld [tilespmem:$0x120];
	v25 =	vmax.f32 v25, $0.0e+00;
	v23 =	vadd.f32 $9.999999710e-10, v23;
	v34 =	vmax.f32 v34, $0.0e+00  }
0x166: {  	v35 =	vld [tilespmem:$0x420];
	v26 =	vmax.f32 v26, $0.0e+00;
	v37 =	vpop (erf);
	v32 =	vmul.f32 v34, v33;
	v33 =	vadd.f32 v30, v42  }
0x167: {  	v25 =	vmul.f32 v26, v25;
	v26 =	vadd.f32 v30, v41;
	v30 =	vld [tilespmem:$0x5A0];
	v22 =	vmul.f32 v37, v22;
	v37 =	vpop (erf)  }
0x168: {  	v34 =	vld [tilespmem:$0x2A0];
	(erf) = vrcp.f32 v27;
	v28 =	vmul.f32 v37, v28;
	v33 =	vsub.f32 v33, v32  }
0x169: {  	(erf) = vrcp.f32 v23;
	v26 =	vsub.f32 v26, v25;
	vm0 =	vgt.f32 v22, $5.000000000e-01  }
0x16a: {  	v23 =	vmax.f32 v49, v31;
	v31 =	vmax.f32 v48, v31;
	v27 =	vadd.f32 $9.999999710e-10, v33  }
0x16b: {  	v22 =	vadd.f32 $9.999999710e-10, v26;
	v33 =	vmin.f32 v50, v35;
	v35 =	vmin.f32 v47, v35  }
0x16c: {  	v26 =	vld [tilespmem:$0x6D0];
	v37 =	vmin.f32 v45, v30;
	v23 =	vsub.f32 v33, v23;
	v30 =	vmin.f32 v43, v30  }
0x16d: {  	v33 =	vld [tilespmem:$0x130];
	v31 =	vsub.f32 v35, v31;
	(erf) = vrcp.f32 v27;
	v27 =	vmax.f32 v44, v34  }
0x16e: {  	v35 =	vimm.s32 $0x0;
	v34 =	vmax.f32 v46, v34;
	v27 =	vsub.f32 v37, v27;
	v37 =	vld [tilespmem:$0x430]  }
0x16f: {  	vm11 =	vgt.f32 v28, $5.000000000e-01;
	v35 =	vsel vm13, $0xFFFFFFFF, v35;
	v30 =	vsub.f32 v30, v34;
	v34 =	vld [tilespmem:$0x2B0]  }
0x170: {  	[tilespmem:$0x1FE40] =	vst v35;
	(erf) = vrcp.f32 v22;
	v22 =	vmax.f32 v23, $0.0e+00;
	v23 =	vld [tilespmem:$0x5B0];
	v35 =	vsel vm10, v63, v58  }
0x171: {  	vm0 =	vmor vm0, vm11;
	v31 =	vmax.f32 v31, $0.0e+00;
	vm14 =	vgt.f32 v62, v35  }
0x172: {  	v27 =	vmax.f32 v27, $0.0e+00;
	v30 =	vmax.f32 v30, $0.0e+00;
	vm13 =	vmneg vm14  }
0x173: {  	v22 =	vmul.f32 v27, v22;
	v27 =	vsel vm10, v36, v63;
	v30 =	vmul.f32 v30, v31;
	v31 =	vld [tilespmem:$0x8A0]  }
0x174: {  	v63 =	vmax.f32 v49, v33;
	v49 =	vsel vm1, $0xCE6E6B28, v26;
	v33 =	vmax.f32 v48, v33  }
0x175: {  	v36 =	vld [tilespmem:$0x6E0];
	v50 =	vmin.f32 v50, v37;
	v44 =	vmax.f32 v44, v34;
	v45 =	vmin.f32 v45, v23  }
0x176: {  	v34 =	vmax.f32 v46, v34;
	v37 =	vmin.f32 v47, v37;
	v23 =	vmin.f32 v43, v23  }
0x177: {  	v26 =	vsub.f32 v50, v63;
	v44 =	vsub.f32 v45, v44;
	v45 =	vsel vm13, v35, v62  }
0x178: {  	v46 =	vld [tilespmem:$0x8B0];
	v33 =	vsub.f32 v37, v33;
	vm7 =	vgt.f32 v61, v45;
	v63 =	vadd.f32 v31, v42  }
0x179: {  	v23 =	vsub.f32 v23, v34;
	vm4 =	vmneg vm7;
	v31 =	vadd.f32 v31, v41  }
0x17a: {  	v36 =	vsel vm15, $0xCE6E6B28, v36;
	v26 =	vmax.f32 v26, $0.0e+00;
	v48 =	vsub.f32 v63, v22  }
0x17b: {  	v50 =	vmax.f32 v44, $0.0e+00;
	v33 =	vmax.f32 v33, $0.0e+00;
	v31 =	vsub.f32 v31, v30  }
0x17c: {  	v34 =	vld [tilespmem:$0x6F0];
	v23 =	vmax.f32 v23, $0.0e+00;
	vm15 =	vgt.f32 v62, v27;
	v63 =	vadd.f32 $9.999999710e-10, v48  }
0x17d: {  	v26 =	vmul.f32 v50, v26;
	v42 =	vadd.f32 v46, v42;
	v31 =	vadd.f32 $9.999999710e-10, v31  }
0x17e: {  	v47 =	vsel vm4, v45, v61;
	v23 =	vmul.f32 v23, v33;
	v50 =	vpop (erf);
	(erf) = vrcp.f32 v63  }
0x17f: {  	vm11 =	vmand vm13, vm15;
	v1 =	vmul.f32 v50, v1;
	(erf) = vrcp.f32 v31  }
0x180: {  	v46 =	vadd.f32 v46, v41;
	vm14 =	vgt.f32 v49, v47;
	v48 =	vsub.f32 v42, v26  }
0x181: {  	v27 =	vsel vm11, v62, v27;
	v41 =	vsel vm0, $0xCE6E6B28, v34;
	vm6 =	vmneg vm14;
	v42 =	vpop (erf)  }
0x182: {  	v27 =	vsel vm13, v27, v35;
	v63 =	vsub.f32 v46, v23;
	v28 =	vadd.f32 $9.999999710e-10, v48;
	v44 =	vpop (erf)  }
0x183: {  	vm5 =	vgt.f32 v1, $5.000000000e-01;
	v46 =	vimm.s32 $0x0;
	v48 =	vsel vm6, v47, v49;
	v1 =	vpop (erf)  }
0x184: {  	v43 =	vld [tilespmem:$0x700];
	v29 =	vmul.f32 v42, v29;
	v31 =	vadd.f32 $9.999999710e-10, v63;
	v1 =	vmul.f32 v1, v25  }
0x185: {  	vm14 =	vgt.f32 v36, v48;
	(erf) = vrcp.f32 v28;
	v28 =	vmul.f32 v44, v32;
	v25 =	vld [tilespmem:$0x710]  }
0x186: {  	vm14 =	vmneg vm14;
	vm7 =	vgt.f32 v29, $5.000000000e-01;
	(erf) = vrcp.f32 v31  }
0x187: {  	v29 =	vsel vm11, $0xFFFFFFFF, v46;
	v63 =	vsel vm14, v48, v36;
	vm11 =	vgt.f32 v61, v27;
	v50 =	vpop (erf)  }
0x188: {  	vm1 =	vmor vm5, vm7;
	vm15 =	vgt.f32 v28, $5.000000000e-01;
	vm5 =	vgt.f32 v1, $5.000000000e-01;
	v1 =	vpop (erf)  }
0x189: {  	vm7 =	vgt.f32 v41, v63;
	vm0 =	vmor vm15, vm5;
	v1 =	vmul.f32 v1, v30  }
0x18a: {  	v42 =	vsel vm1, $0xCE6E6B28, v43;
	vm1 =	vmneg vm7;
	v43 =	vsel vm0, $0xCE6E6B28, v25  }
0x18b: {  	vm0 =	vmand vm4, vm11;
	vm7 =	vgt.f32 v1, $5.000000000e-01;
	v1 =	vimm.s32 $0x0  }
0x18c: {  	v1 =	vsel vm0, $0xFFFFFFFF, v1  }
0x18d: {  	v22 =	vmul.f32 v50, v22  }
0x18e: {  	v35 =	vpop (erf)  }
0x18f: {  	v33 =	vimm.s32 $0x0;
	vm15 =	vgt.f32 v22, $5.000000000e-01;
	v22 =	vld [tilespmem:$0x730];
	v26 =	vmul.f32 v35, v26;
	[tilespmem:$0x1FE60] =	vst v1;
	v1 =	vpop (erf)  }
0x190: {  	vm3 =	vmmov vm4;
	v25 =	vsel vm1, v63, v41;
	v1 =	vmul.f32 v1, v23  }
0x191: {  	vm2 =	vmor vm15, vm7;
	vm5 =	vgt.f32 v26, $5.000000000e-01;
	v23 =	vsel vm0, v61, v27  }
0x192: {  	vm7 =	vgt.f32 v1, $5.000000000e-01;
	v1 =	vsel vm4, v23, v45;
	v23 =	vimm.s32 $0x0  }
0x193: {  	v34 =	vld [tilespmem:$0x720];
	vm0 =	vmor vm5, vm7;
	v23 =	vsel vm4, $0xFFFFFFFF, v23;
	vm4 =	vgt.f32 v49, v1  }
0x194: {  	v27 =	vimm.s32 $0x0;
	v22 =	vsel vm0, $0xCE6E6B28, v22;
	vm0 =	vmand vm6, vm4  }
0x195: {  	v37 =	vld [tilespmem:$0x1FDE0];
	v28 =	vsel vm1, $0xFFFFFFFF, v33;
	vm1 =	vgt.f32 v42, v25;
	v27 =	vsel vm0, $0xFFFFFFFF, v27  }
0x196: {  	vm15 =	vmneg vm1;
	[tilespmem:$0x1FE80] =	vst v27;
	v27 =	vld [tilespmem:$0x1FDD0]  }
0x197: {  	v31 =	vsel vm15, v25, v42  }
0x198: {  	v26 =	vsel vm8, v60, v6;
	v44 =	vsel vm2, $0xCE6E6B28, v34;
	vm11 =	vgt.f32 v43, v31  }
0x199: {  	v46 =	vld [tilespmem:$0x1FDF0];
	vm2 =	vmmov vm8;
	vm11 =	vmneg vm11;
	v1 =	vsel vm0, v49, v1  }
0x19a: {  	[tilespmem:$0x1FE70] =	vst v23;
	v23 =	vsel vm11, v31, v43;
	vm4 =	vnez.u8 v37;
	v1 =	vsel vm6, v1, v47  }
0x19b: {  	vm5 =	vgt.f32 v44, v23;
	v47 =	vld [tilespmem:$0x1FE00];
	vm0 =	vgt.f32 v36, v1;
	vm1 =	vnez.u8 v27  }
0x19c: {  	vm8 =	vmneg vm5;
	vm5 =	vmand vm14, vm0;
	v27 =	vsel vm1, v26, v7  }
0x19d: {  	[tilespmem:$0x1FEA0] =	vst v28;
	v45 =	vimm.s32 $0x0;
	v1 =	vsel vm5, v36, v1;
	v30 =	vsel vm4, v27, v8  }
0x19e: {  	vm0 =	vnez.u8 v46;
	v1 =	vsel vm14, v1, v48;
	v48 =	vld [tilespmem:$0x1FEA0];
	v33 =	vsel vm9, v30, v9  }
0x19f: {  	v35 =	vsel vm5, $0xFFFFFFFF, v45;
	v37 =	vsel vm0, v6, v59;
	v34 =	vsel vm12, v33, v10  }
0x1a0: {  	v37 =	vsel vm2, v37, v60;
	vm5 =	vnez.u8 v47;
	v45 =	vsel vm10, v34, v11  }
0x1a1: {  	[tilespmem:$0x1FE50] =	vst v29;
	v29 =	vsel vm5, v7, v37;
	v46 =	vsel vm13, v45, v12  }
0x1a2: {  	v50 =	vld [tilespmem:$0x1FE10];
	vm5 =	vgt.f32 v41, v1;
	v26 =	vsel vm1, v29, v26;
	v37 =	vsel vm3, v46, v13  }
0x1a3: {  	vm1 =	vmmov vm6;
	v29 =	vsel vm6, v37, v14;
	vm6 =	vnez.u8 v48  }
0x1a4: {  	v59 =	vld [tilespmem:$0x1FE20];
	vm3 =	vmand vm6, vm5  }
0x1a5: {  	v1 =	vsel vm3, v41, v1  }
0x1a6: {  	v1 =	vsel vm6, v1, v63;
	v63 =	vld [tilespmem:$0x1FE30]  }
0x1a7: {  	vm5 =	vnez.u8 v50  }
0x1a8: {  	v47 =	vsel vm14, v29, v15;
	v26 =	vsel vm5, v8, v26  }
0x1a9: {  	v26 =	vsel vm4, v26, v27;
	v27 =	vsel vm6, v47, v16;
	vm6 =	vnez.u8 v59  }
0x1aa: {  	v28 =	vsel vm8, v23, v44;
	v26 =	vsel vm6, v9, v26  }
0x1ab: {  	vm7 =	vgt.f32 v22, v28;
	v26 =	vsel vm9, v26, v30;
	vm9 =	vnez.u8 v63;
	v63 =	vld [tilespmem:$0x1FE40]  }
0x1ac: {  	vm7 =	vmneg vm7  }
0x1ad: {  	[tilespmem:$0x1FE90] =	vst v35;
	v35 =	vsel vm7, v28, v22  }
0x1ae: {  	(xrf0) =	vmax.scan.msk.f32 $0xffff, v35  }
0x1af: {  	v26 =	vsel vm9, v10, v26  }
0x1b0: {  	v26 =	vsel vm12, v26, v33;
	vm6 =	vnez.u8 v63  }
0x1b1: {  	v26 =	vsel vm6, v11, v26  }
0x1b2: {  	v26 =	vsel vm10, v26, v34;
	v34 =	vld [tilespmem:$0x1FE50];
	_ =	sdelay $0x1  }
0x1b3: {  	v60, _, _ =	vpop (xrf0)  }
0x1b4: {  	v48 =	vbroadcast v60, $0xF;
	vm2 =	vgt.f32 v42, v1  }
0x1b5: {  	v32 =	vsel vm15, v27, v17;
	vm5 =	vmand vm15, vm2  }
0x1b6: {  	v50 =	vsel vm11, v32, v18;
	vm2 =	veq.f32 v35, v48;
	vm9 =	vnez.u8 v34  }
0x1b7: {  	v1 =	vsel vm5, v42, v1;
	v30 =	vsel vm8, v50, v19;
	v26 =	vsel vm9, v12, v26  }
0x1b8: {  	v1 =	vsel vm15, v1, v25;
	v25 =	vsel vm7, v30, v20;
	v26 =	vsel vm13, v26, v45;
	v45 =	vld [tilespmem:$0x1FE60]  }
0x1b9: {  	v60 =	vnsel vm2, $0x4E800000, v25;
	vm4 =	vgt.f32 v43, v1  }
0x1ba: {  	v59 =	vld [tilespmem:$0x1FE70];
	(xrf0) =	vmin.scan.msk.f32 $0xffff, v60;
	vm4 =	vmand vm11, vm4  }
0x1bb: {  	v60 =	vld [tilespmem:$0x1FE80];
	v1 =	vsel vm4, v43, v1  }
0x1bc: {  	v1 =	vsel vm11, v1, v31  }
0x1bd: {  	vm10 =	vgt.f32 v44, v1;
	vm12 =	vnez.u8 v45;
	v45 =	vld [tilespmem:$0x1FE90]  }
0x1be: {  	vm0 =	vmand vm8, vm10  }
0x1bf: {  	v1 =	vsel vm0, v44, v1;
	vm13 =	vnez.u8 v59;
	v26 =	vsel vm12, v13, v26  }
0x1c0: {  	v1 =	vsel vm8, v1, v23;
	v23, _, _ =	vpop (xrf0);
	vm9 =	vnez.u8 v60;
	v26 =	vsel vm13, v26, v46;
	v46 =	vld [tilespmem:$0x1FEA0]  }
0x1c1: {  	vm10 =	vgt.f32 v22, v1;
	v63 =	vbroadcast v23, $0xF;
	v26 =	vsel vm9, v14, v26  }
0x1c2: {  	vm10 =	vmand vm7, vm10;
	v26 =	vsel vm1, v26, v37;
	vm13 =	vnez.u8 v45  }
0x1c3: {  	v1 =	vsel vm10, v22, v1;
	vm6 =	veq.f32 v25, v63;
	v26 =	vsel vm13, v15, v26  }
0x1c4: {  	vm2 =	vmand vm2, vm6;
	v1 =	vsel vm7, v1, v28;
	v26 =	vsel vm14, v26, v29  }
0x1c5: {  	v1 =	vsel vm2, v1, v35;
	vm9 =	vnez.u8 v46;
	v26 =	vsel vm3, v16, v26  }
0x1c6: {  	(xrf0) =	vmax.scan.msk.f32 $0xffff, v1;
	v26 =	vsel vm9, v26, v47  }
0x1c7: {  	v26 =	vsel vm5, v17, v26  }
0x1c8: {  	v26 =	vsel vm15, v26, v27  }
0x1c9: {  	v26 =	vsel vm4, v18, v26  }
0x1ca: {  	v26 =	vsel vm11, v26, v32  }
0x1cb: {  	v26 =	vsel vm0, v19, v26  }
0x1cc: {  	v27, _, _ =	vpop (xrf0);
	v26 =	vsel vm8, v26, v50  }
0x1cd: {  	v27 =	vbroadcast v27, $0xF;
	v26 =	vsel vm10, v20, v26  }
0x1ce: {  	v26 =	vsel vm7, v26, v30  }
0x1cf: {  	vm11 =	veq.f32 v1, v27;
	v25 =	vsel vm2, v26, v25  }
0x1d0: {  	v1 =	vnsel vm11, $0x4E800000, v25  }
0x1d1: {  	(xrf0) =	vmin.scan.msk.f32 $0xffff, v1;
	_ =	sdelay $0x5  }
0x1d2: {  	(v2sf) =	vpush v23, $0xF;
	v1, _, _ =	vpop (xrf0)  }
0x1d3: {  	(v2sf) =	vpush v1, $0xF;
	_ =	sdelay $0x4  }
0x1d4: {  	[tilespmem:$0x600] =	vst v38  }
0x1d5: {  	[tilespmem:$0x610] =	vst v39  }
0x1d6: {  	[tilespmem:$0x620] =	vst v40  }
0x1d7: {  	[tilespmem:$0x630] =	vst v51  }
0x1d8: {  	[tilespmem:$0x640] =	vst v52  }
0x1d9: {  	[tilespmem:$0x650] =	vst v53  }
0x1da: {  	[tilespmem:$0x660] =	vst v54  }
0x1db: {  	[tilespmem:$0x670] =	vst v55  }
0x1dc: {  	[tilespmem:$0x680] =	vst v56  }
0x1dd: {  	[tilespmem:$0x690] =	vst v57;
	s16 =	spop (v2sf);
	v25 =	vld [tilespmem:$0x1FEC0]  }
0x1de: {  	[tilespmem:$0x6A0] =	vst v58;
	s17 =	spop (v2sf)  }
0x1df: {  	[tilespmem:$0x6C0] =	vst v61;
	s17 =	scvt.f32.s32 s17  }
0x1e0: {  	[tilespmem:$0x6B0] =	vst v62;
	s16 =	scvt.f32.s32 s16  }
0x1e1: {  	[tilespmem:$0x6D0] =	vst v49;
	s17 =	ssub.s32 s17, s1  }
0x1e2: {  	[tilespmem:$0x6E0] =	vst v36;
	s16 =	ssub.s32 s16, s1;
	vm12 =	vnez.u8 v25;
	v23 =	vmov s17  }
0x1e3: {  	[tilespmem:$0x6F0] =	vst v41;
	v23 =	vsel vm12, s16, v23  }
0x1e4: {  	[tilespmem:$0x700] =	vst v42  }
0x1e5: {  	[tilespmem:$0x710] =	vst v43  }
0x1e6: {  	[tilespmem:$0x720] =	vst v44;
	vm14 =	vcmask $0x1310  }
0x1e7: {  	[tilespmem:$0x730] =	vst v22;
	v27 =	vsel vm14, v48, v27;
	v48 =	vld [tilespmem:$0x1FED0]  }
0x1e8: {  	v22 =	vld.idx.msk [tilespmem:v23+s10+$0x0], $0xffff;
	_ =	sdelay $0x1  }
0x1e9: {  	v1 =	vbroadcast v1, $0xF  }
0x1ea: {  	vm13 =	vcmask $0x1714  }
0x1eb: {  	vm15 =	vnez.u8 v48;
	v1 =	vsel vm13, v63, v1  }
0x1ec: {  	v1 =	vsel vm15, v22, v1;
	v22 =	vld [tilespmem:$0x1FEE0];
	_ =	sdelay $0x4  }
0x1ed: {  	vm4 =	vnez.u8 v22;
	v22 =	vld [tilespmem:$0x1FEF0];
	_ =	sdelay $0x4  }
0x1ee: {  	vm5 =	vnez.u8 v22;
	v22 =	vld [tilespmem:$0x1FF00];
	_ =	sdelay $0x4  }
0x1ef: {  	vm6 =	vnez.u8 v22;
	v22 =	vld [tilespmem:$0x1FF10];
	_ =	sdelay $0x1  }
0x1f0: {  	v25 =	vld.idx.msk [tilespmem:v23+s7+$0x0], $0xffff  }
0x1f1: {  	v26 =	vld.idx.msk [tilespmem:v23+s6+$0x0], $0xffff  }
0x1f2: {  	v47 =	vld.idx.msk [tilespmem:v23+s5+$0x0], $0xffff  }
0x1f3: {  	vm7 =	vnez.u8 v22;
	v22 =	vld [tilespmem:$0x1FF20]  }
0x1f4: {  	v23 =	vld.idx.msk [tilespmem:v23+s3+$0x0], $0xffff  }
0x1f5: {  	v1 =	vsel vm4, v1, v27  }
0x1f6: {  	v1 =	vsel vm5, v1, v25  }
0x1f7: {  	v1 =	vsel vm6, v1, v26  }
0x1f8: {  	s25 =	sand.u32 $0x800, s14;
	v1 =	vsel vm7, v1, v47;
	vm8 =	vnez.u8 v22  }
0x1f9: {  	s16 =	sadd.s32 s25, s2;
	v1 =	vsel vm8, v23, v1  }
0x1fa: {  	s26 =	sadd.s32 s11, s16;
	[tilespmem:$0x900] =	vst v1  }
0x1fb: {  	[spmem:s26] =	stream.linear.scatter [tilespmem:s12], [sflag:$0x1], $0x80, $0x38;
	[tilespmem:$0x2D00] =	vst v63  }
0x1fc: {  	_ =	swait.ge [sflag:s4], $0x80  }
0x1fd: {  	[sflag:s4] =	ssyncset.done $0x0  }
0x1fe: {  	[sflag:s4] =	ssyncadd.s32 $0xFFFFFF80  }
0x1ff: {  	[bflag:$0x0] =	sbarrier.arrive $0xFFFF  }
0x200: {  	[tilespmem:s13], [sflag:$0x1] =	stream.linear.gather [spmem:s16], $0x800, $0x38;
	[tilespmem:$0x2D00] =	vst v63  }
0x201: {  	_ =	swait.ge [sflag:s4], $0x800  }
0x202: {  	v1 =	vld [tilespmem:$0x1FF30];
	_ =	sdelay $0x5  }
0x203: {  	[sflag:s4] =	ssyncset.done $0x0  }
0x204: {  	[sflag:s4] =	ssyncadd.s32 $0xFFFFF800  }
0x205: {  	v1 =	vld.idx.msk [tilespmem:v1+s13+$0x0], $0xffff;
	_ =	sdelay $0x1  }
0x206: {  	v22 =	vld [tilespmem:$0x1FF40];
	_ =	sdelay $0x2  }
0x207: {  	(xrf0) =	vmax.scan.msk.f32 $0xffff, v1;
	_ =	sdelay $0x4  }
0x208: {  	v22 =	vld.idx.msk [tilespmem:v22+s13+$0x0], $0xffff  }
0x209: {  	v23, _, _ =	vpop (xrf0)  }
0x20a: {  	v23 =	vbroadcast v23, $0xF;
	_ =	sdelay $0x1  }
0x20b: {  	vm9 =	veq.f32 v1, v23  }
0x20c: {  	v23 =	vnsel vm9, $0x4E800000, v22  }
0x20d: {  	(xrf0) =	vmin.scan.msk.f32 $0xffff, v23;
	_ =	sdelay $0x5  }
0x20e: {  	v23, _, _ =	vpop (xrf0)  }
0x20f: {  	v23 =	vbroadcast v23, $0xF;
	_ =	sdelay $0x1  }
0x210: {  	vm10 =	veq.f32 v22, v23  }
0x211: {  	vm0 =	vmand vm9, vm10  }
0x212: {  	v23 =	vnsel vm0, $0x8000000F, v24  }
0x213: {  	(xrf0) =	vmin.scan.msk.u32 $0xffff, v23;
	_ =	sdelay $0x5  }
0x214: {  	v23, _, _ =	vpop (xrf0)  }
0x215: {  	(v2sf) =	vpush v23, $0xF;
	_ =	sdelay $0xe  }
0x216: {  	s28 =	spop (v2sf)  }
0x217: {  	s16 =	sxor.u32 $0x80000000, s28  }
0x218: {  	v27 =	vld [tilespmem:$0x1FF60];
	v23 =	vmov s16  }
0x219: {  	v25 =	vshll.u32 v23, $0x7  }
0x21a: {  	v25 =	vor.u32 v0, v25;
	_ =	sdelay $0x1  }
0x21b: {  	v26 =	vld [tilespmem:$0x1FF50]  }
0x21c: {  	v49 =	vld [tilespmem:$0x1FF70]  }
0x21d: {  	v50 =	vld [tilespmem:$0x1FF90]  }
0x21e: {  	v36 =	vld.idx.msk [tilespmem:v25+s13+$0x0], $0xffff  }
0x21f: {  	v27 =	vld.idx.msk [tilespmem:v27+s13+$0x0], $0xffff  }
0x220: {  	v25 =	vld.idx.msk [tilespmem:v21+s13+$0x0], $0xffff  }
0x221: {  	v53 =	vld [tilespmem:$0x1FFA0]  }
0x222: {  	v57 =	vld [tilespmem:$0x1FFC0]  }
0x223: {  	v56 =	vld [tilespmem:$0x1FFB0];
	v51 =	vbroadcast v36, $0x0;
	v54 =	vbroadcast v36, $0x2  }
0x224: {  	v58 =	vld [tilespmem:$0x1FFD0]  }
0x225: {  	v26 =	vld.idx.msk [tilespmem:v26+s13+$0x0], $0xffff;
	v25 =	vmax.f32 v51, v25;
	v27 =	vmin.f32 v54, v27  }
0x226: {  	v25 =	vsub.f32 v27, v25;
	v27 =	vld [tilespmem:$0x1FF80]  }
0x227: {  	v28 =	vld.idx.msk [tilespmem:v49+s13+$0x0], $0xffff  }
0x228: {  	v29 =	vld.idx.msk [tilespmem:v50+s13+$0x0], $0xffff  }
0x229: {  	v32 =	vld.idx.msk [tilespmem:v53+s13+$0x0], $0xffff  }
0x22a: {  	v37 =	vld.idx.msk [tilespmem:v57+s13+$0x0], $0xffff  }
0x22b: {  	v35 =	vld.idx.msk [tilespmem:v56+s13+$0x0], $0xffff  }
0x22c: {  	v52 =	vbroadcast v36, $0x1;
	v55 =	vbroadcast v36, $0x3;
	_ =	sdelay $0x1  }
0x22d: {  	v26 =	vmax.f32 v52, v26;
	v28 =	vmin.f32 v55, v28;
	v27 =	vld.idx.msk [tilespmem:v27+s13+$0x0], $0xffff  }
0x22e: {  	v59 =	vmax.f32 v52, v32;
	v61 =	vmin.f32 v55, v37;
	v26 =	vsub.f32 v28, v26;
	v28 =	vld.idx.msk [tilespmem:v58+s13+$0x0], $0xffff  }
0x22f: {  	v29 =	vmax.f32 v51, v29;
	v60 =	vmin.f32 v54, v35;
	v30 =	vsub.f32 v61, v59  }
0x230: {  	v62 =	vbroadcast v36, $0x6;
	v29 =	vsub.f32 v60, v29  }
0x231: {  	v25 =	vmax.f32 v25, $0.0e+00;
	v26 =	vmax.f32 v26, $0.0e+00;
	v63 =	vmax.f32 v30, $0.0e+00  }
0x232: {  	v25 =	vmul.f32 v26, v25;
	v26 =	vadd.f32 v27, v62;
	v27 =	vmax.f32 v29, $0.0e+00  }
0x233: {  	v28 =	vadd.f32 v28, v62;
	v27 =	vmul.f32 v63, v27  }
0x234: {  	v26 =	vsub.f32 v26, v25  }
0x235: {  	v28 =	vsub.f32 v28, v27  }
0x236: {  	v26 =	vadd.f32 $9.999999710e-10, v26  }
0x237: {  	v28 =	vadd.f32 $9.999999710e-10, v28  }
0x238: {  	(erf) = vrcp.f32 v26  }
0x239: {  	(erf) = vrcp.f32 v28;
	_ =	sdelay $0x7  }
0x23a: {  	v26 =	vpop (erf)  }
0x23b: {  	v25 =	vmul.f32 v26, v25;
	v26 =	vpop (erf)  }
0x23c: {  	v26 =	vmul.f32 v26, v27;
	v27 =	vld [tilespmem:$0x1FFE0];
	_ =	sdelay $0x5  }
0x23d: {  	vm12 =	veq.s32 v23, v0;
	vm11 =	vgt.f32 v25, $5.000000000e-01  }
0x23e: {  	vm13 =	vgt.f32 v26, $5.000000000e-01;
	vm0 =	vmor vm12, vm11  }
0x23f: {  	v23 =	vimm.s32 $0x0;
	vm1 =	vmand vm0, vm13;
	v27 =	vld.idx.msk [tilespmem:v27+s13+$0x0], $0xffff  }
0x240: {  	v23 =	vsel vm1, $0x1, v23  }
0x241: {  	v23 =	vor.u32 $0x80000000, v23  }
0x242: {  	(xrf0) =	vmax.scan.msk.u32 $0xffff, v23;
	v23 =	vld [tilespmem:$0x1FFF0];
	_ =	sdelay $0x1  }
0x243: {  	v25 =	vsel vm13, $0xFF800000, v27  }
0x244: {  	v1 =	vsel vm0, v25, v1  }
0x245: {  	(xrf0) =	vmax.scan.msk.f32 $0xffff, v1;
	_ =	sdelay $0x3  }
0x246: {  	v23 =	vld.idx.msk [tilespmem:v23+s13+$0x0], $0xffff  }
0x247: {  	v25, _, _ =	vpop (xrf0)  }
0x248: {  	v26, _, _ =	vpop (xrf0)  }
0x249: {  	v26 =	vbroadcast v26, $0xF;
	_ =	sdelay $0x1  }
0x24a: {  	v22 =	vsel vm0, v23, v22;
	vm14 =	veq.f32 v1, v26  }
0x24b: {  	v1 =	vnsel vm14, $0x4E800000, v22  }
0x24c: {  	(xrf0) =	vmin.scan.msk.f32 $0xffff, v1;
	_ =	sdelay $0x5  }
0x24d: {  	v1, _, _ =	vpop (xrf0)  }
0x24e: {  	v1 =	vbroadcast v1, $0xF;
	_ =	sdelay $0x1  }
0x24f: {  	vm15 =	veq.f32 v22, v1  }
0x250: {  	vm1 =	vmand vm14, vm15  }
0x251: {  	v1 =	vnsel vm1, $0x8000000F, v24  }
0x252: {  	vm0 =	vmand vm0, vm1;
	(xrf0) =	vmin.scan.msk.u32 $0xffff, v1;
	v1 =	vimm.s32 $0x80000000  }
0x253: {  	v1 =	vsel vm0, $0x80000008, v1  }
0x254: {  	(xrf0) =	vmax.scan.msk.u32 $0xffff, v1;
	_ =	sdelay $0x4  }
0x255: {  	(v2sf) =	vpush v25, $0xF;
	v1, _, _ =	vpop (xrf0)  }
0x256: {  	(v2sf) =	vpush v1, $0xF;
	v1, _, _ =	vpop (xrf0)  }
0x257: {  	(v2sf) =	vpush v1, $0xF;
	_ =	sdelay $0xc  }
0x258: {  	s29 =	spop (v2sf)  }
0x259: {  	s30 =	spop (v2sf)  }
0x25a: {  	s18 =	spop (v2sf)  }
0x25b: {  	s18 =	sxor.u32 $0x80000000, s18  }
0x25c: {  	v1 =	vadd.s32 s18, v0  }
0x25d: {  	s17 =	sshll.u32 s30, $0x7;
	v22 =	vand.u32 $0xFFFFFF80, v1  }
0x25e: {  	v1 =	vand.u32 $0x7F, v1;
	v22 =	vadd.s32 s17, v22  }
0x25f: {  	v1 =	vor.u32 v1, v22;
	_ =	sdelay $0x4  }
0x260: {  	v1 =	vld.idx.msk [tilespmem:v1+s13+$0x0], $0xffff;
	_ =	sdelay $0x2  }
0x261: {  	(v2sf) =	vpush v36, $0x4  }
0x262: {  	p1 =	seq.s32 s29, $0x80000000  }
0x263: {  	v38 =	vpsel p1, v1, v36  }
0x264: {  	(v2sf) =	vpush v38, $0x4;
	_ =	sdelay $0xb  }
0x265: {  	s16 =	spop (v2sf)  }
0x266: {  	p2 =	sgt.f32 s16, $5.000000070e-02  }
0x267: {  	s17 =	simm.s32 $0x1  }
0x268: {  	s17 =	simm.s32 @!p2 $0x0;
	s31 =	spop (v2sf)  }
0x269: {  	s17 =	sadd.s32 s17, s9;
	p6 =	sgt.f32 s31, $5.000000070e-02  }
0x26a: {  	p3 =	slt.s32 s17, $0x64  }
0x26b: {  	p2 =	por !p3, !p6;
	p3 =	sgt.f32 @!p0 s16, $5.000000070e-02  }
0x26c: {  	p2 =	por !p2, !p2  }
0x26d: {  	p1 =	por !p1, !p2;
	p2 =	por !p3, p0  }
0x26e: {  	p4 =	por !p1, !p1;
	(v2sf) =	vpush @!p2 v36, $0x5  }
0x26f: {  	p1 =	por !p4, !p4  }
0x270: {  	p1 =	por p0, p1  }
0x271: {  	(v2sf) =	vpush @!p1 v38, $0x5;
	_ =	sdelay $0xb  }
0x272: {  	s16 =	spop @!p2 (v2sf)  }
0x273: {  	s16 =	scvt.f32.s32 @!p2 s16;
	_ =	sdelay $0x1  }
0x274: {  	s18 =	spop @!p1 (v2sf);
	v1 =	vmov @!p2 s16  }
0x275: {  	s16 =	scvt.f32.s32 @!p1 s18  }
0x276: {  	s19 =	sshll.u32 @!p2 s9, $0x6;
	s18 =	simm.s32 $0x1  }
0x277: {  	s18 =	simm.s32 @!p4 $0x0;
	v22 =	vmov @!p1 s16;
	s16 =	sshra.s32 @!p2 s19, $0x2  }
0x278: {  	p3 =	sgt.u32 s15, $0x62;
	v23 =	vimm.s32 @!p2 $0x1;
	s9 =	sadd.s32 s18, s17;
	[tilespmem:s16+$0x1180] =	vst @!p2 v36;
	s16 =	simm.s32 @!p2 $0x1800  }
0x279: {  	[tilespmem:v1+s16+$0x0] =	vst.idx.msk @!p2 $0x1, v23;
	p2 =	slt.s32 @!p3 s9, $0x64  }
0x27a: {  	p2 =	por p3, !p2  }
.Ltmp0:
0x27b: {  	_ = 	snop;
	(pc) =	sbr.rel @!p2 .LBB2_1-.Ltmp0, $4  }
0x27c: {  	s17 =	sshll.u32 @!p1 s17, $0x6  }
0x27d: {  	s16 =	sshra.s32 @!p1 s17, $0x2  }
0x27e: {  	v1 =	vimm.s32 @!p1 $0x1;
	[tilespmem:s16+$0x1180] =	vst @!p1 v38;
	s16 =	simm.s32 @!p1 $0x1800  }
0x27f: {  	s14 =	sadd.s32 $0x800, s14;
	s15 =	sadd.s32 $0x1, s15;
	[tilespmem:v22+s16+$0x0] =	vst.idx.msk @!p1 $0x1, v1  }
0x280: {  	_ =	sfence.sel @p0 $0x180000  }
0x281: {  	[bflag:$0x0] =	sbarrier.arrive @p0 $0xFFFF  }
0x282: {  	_ =	strace @p0 $0x90000047  }
0x283: {  	[bflag:$0x2] =	sbarrier.arrive @p0 $0xFFFF  }
0x284: {  	_ =	shalt @p0  }
.LBB2_3:
0x285: {  	s2 =	simm.s32 $0x0  }
0x286: {  	v1 =	vld [tilespmem:s2+$0x1800];
	_ =	sdelay $0x4  }
0x287: {  	v0 =	vimm.s32 $0x0;
	vm0 =	veq.s32 v1, $0x0  }
0x288: {  	v1 =	vsel vm0, $0x1, v0  }
0x289: {  	(xrf0) =	vadd.scan.msk.s32 $0xffff, v1;
	_ =	sdelay $0x5  }
0x28a: {  	v2, _, _ =	vpop (xrf0)  }
0x28b: {  	s1 =	sadd.s32 $0x0, s9;
	v1 =	vsub.s32 v2, v1  }
0x28c: {  	v1 =	vadd.s32 s1, v1  }
0x28d: {  	vm1 =	vlt.s32 v1, $0x64  }
0x28e: {  	vm0 =	vmand vm0, vm1  }
0x28f: {  	v3 =	vshll.u32 v1, $0x4;
	v1 =	vld [tilespmem:s2+$0x0];
	_ =	sdelay $0x3  }
0x290: {  	s1 =	simm.s32 $0x1180  }
0x291: {  	[tilespmem:v3+s1+$0x0] =	vst.idx.msk vm0, v1  }
0x292: {  	v4 =	vor.u32 $0x1, v3;
	v1 =	vld [tilespmem:s2+$0x180]  }
0x293: {  	(v2sf) =	vpush v2, $0xF;
	_ =	sdelay $0x3  }
0x294: {  	[tilespmem:v4+s1+$0x0] =	vst.idx.msk vm0, v1  }
0x295: {  	v2 =	vor.u32 $0x2, v3;
	v1 =	vld [tilespmem:s2+$0x300];
	_ =	sdelay $0x4  }
0x296: {  	[tilespmem:v2+s1+$0x0] =	vst.idx.msk vm0, v1  }
0x297: {  	v5 =	vor.u32 $0x3, v3;
	v4 =	vld [tilespmem:s2+$0x480];
	_ =	sdelay $0x1  }
0x298: {  	v2 =	vor.u32 $0x4, v3;
	_ =	sdelay $0x1  }
0x299: {  	s31 =	spop (v2sf)  }
0x29a: {  	s3 =	simm.s32 $0x40;
	s4 =	simm.s32 $0x80;
	v1 =	vimm.f32 $-1.000000000e+09;
	s2 =	sadd.s32 $0x0, s31;
	[tilespmem:v5+s1+$0x0] =	vst.idx.msk vm0, v4  }
.LBB2_4:
0x29b: {  	p0 =	sne.s32 s4, $0x3C0  }
0x29c: {  	s5 =	sshra.s32 s3, $0x2;
	[tilespmem:v2+s1+$0x0] =	vst.idx.msk vm0, v1;
	s3 =	smov.u32 s4;
	s4 =	sadd.s32 $0x40, s4  }
0x29d: {  	v2 =	vld [tilespmem:s5+$0x1800];
	_ =	sdelay $0x4  }
0x29e: {  	vm0 =	veq.s32 v2, $0x0  }
0x29f: {  	v2 =	vsel vm0, $0x1, v0  }
0x2a0: {  	(xrf0) =	vadd.scan.msk.s32 $0xffff, v2;
	_ =	sdelay $0x5  }
0x2a1: {  	v3, _, _ =	vpop (xrf0)  }
0x2a2: {  	s6 =	sadd.s32 s9, s2;
	v2 =	vsub.s32 v3, v2;
	(v2sf) =	vpush v3, $0xF  }
0x2a3: {  	v2 =	vadd.s32 s6, v2  }
0x2a4: {  	vm1 =	vlt.s32 v2, $0x64  }
0x2a5: {  	vm0 =	vmand vm0, vm1  }
0x2a6: {  	v2 =	vshll.u32 v2, $0x4;
	v3 =	vld [tilespmem:s5+$0x0];
	_ =	sdelay $0x4  }
0x2a7: {  	[tilespmem:v2+s1+$0x0] =	vst.idx.msk vm0, v3  }
0x2a8: {  	v4 =	vor.u32 $0x1, v2;
	v3 =	vld [tilespmem:s5+$0x180];
	_ =	sdelay $0x4  }
0x2a9: {  	[tilespmem:v4+s1+$0x0] =	vst.idx.msk vm0, v3;
	s6 =	spop (v2sf)  }
0x2aa: {  	v4 =	vor.u32 $0x2, v2;
	v3 =	vld [tilespmem:s5+$0x300];
	s2 =	sadd.s32 s2, s6;
	_ =	sdelay $0x4  }
0x2ab: {  	[tilespmem:v4+s1+$0x0] =	vst.idx.msk vm0, v3  }
0x2ac: {  	v4 =	vor.u32 $0x3, v2;
	v3 =	vld [tilespmem:s5+$0x480]  }
.Ltmp1:
0x2ad: {  	v2 =	vor.u32 $0x4, v2;
	(pc) =	sbr.rel @p0 .LBB2_4-.Ltmp1, $2  }
0x2ae: {  	_ =	sdelay $0x2  }
0x2af: {  	[tilespmem:v4+s1+$0x0] =	vst.idx.msk vm0, v3  }
0x2b0: {  	_ =	sdelay $0x4  }
0x2b1: {  	s3 =	sshra.s32 s3, $0x2;
	[tilespmem:v2+s1+$0x0] =	vst.idx.msk vm0, v1  }
0x2b2: {  	v2 =	vld [tilespmem:s3+$0x1800];
	_ =	sdelay $0x4  }
0x2b3: {  	vm15 =	veq.s32 v2, $0x0  }
0x2b4: {  	v0 =	vsel vm15, $0x1, v0  }
0x2b5: {  	(xrf0) =	vadd.scan.msk.s32 $0xffff, v0;
	_ =	sdelay $0x5  }
0x2b6: {  	v60, _, _ =	vpop (xrf0)  }
0x2b7: {  	s2 =	sadd.s32 s9, s2;
	v0 =	vsub.s32 v60, v0  }
0x2b8: {  	v0 =	vadd.s32 s2, v0  }
0x2b9: {  	vm1 =	vlt.s32 v0, $0x64  }
0x2ba: {  	vm0 =	vmand vm15, vm1  }
0x2bb: {  	v3 =	vld [tilespmem:s3+$0x0];
	v0 =	vshll.u32 v0, $0x4;
	_ =	sdelay $0x4  }
0x2bc: {  	[tilespmem:v0+s1+$0x0] =	vst.idx.msk vm0, v3  }
0x2bd: {  	v4 =	vor.u32 $0x1, v0;
	v3 =	vld [tilespmem:s3+$0x180];
	_ =	sdelay $0x2  }
0x2be: {  	(v2sf) =	vpush v60, $0xF;
	_ =	sdelay $0x1  }
0x2bf: {  	[tilespmem:v4+s1+$0x0] =	vst.idx.msk vm0, v3  }
0x2c0: {  	v62 =	vor.u32 $0x2, v0;
	v61 =	vld [tilespmem:s3+$0x300];
	_ =	sdelay $0x4  }
0x2c1: {  	[tilespmem:v62+s1+$0x0] =	vst.idx.msk vm0, v61  }
0x2c2: {  	v63 =	vor.u32 $0x3, v0;
	v2 =	vld [tilespmem:s3+$0x480]  }
0x2c3: {  	v0 =	vor.u32 $0x4, v0;
	_ =	sdelay $0x3  }
0x2c4: {  	s29 =	simm.s32 $0x0;
	[tilespmem:v63+s1+$0x0] =	vst.idx.msk vm0, v2  }
0x2c5: {  	s30 =	simm.s32 $0x1180;
	s31 =	spop (v2sf);
	[tilespmem:v0+s1+$0x0] =	vst.idx.msk vm0, v1;
	s1 =	simm.s32 $0x1  }
0x2c6: {  	[hbm4b:s8+s29] =	stream.linear.scatter [tilespmem:s30], [sflag:$0x1], $0x680, $0x38;
	[tilespmem:$0x2D00] =	vst v63  }
0x2c7: {  	_ =	swait.ge [sflag:s1], $0x680  }
0x2c8: {  	[sflag:s1] =	ssyncset.done $0x0  }
0x2c9: {  	[sflag:s1] =	ssyncadd.s32 $0xFFFFF980  }
0x2ca: {  	_ =	sfence.sel $0x180000  }
0x2cb: {  	[bflag:$0x0] =	sbarrier.arrive $0xFFFF  }
0x2cc: {  	_ =	strace $0x90000047  }
0x2cd: {  	s0 =	sadd.s32 $0x100000, s0;
	[bflag:$0x2] =	sbarrier.arrive $0xFFFF  }
0x2ce: {  	[sflag:s0] =	ssyncadd.tile.s32 $0x1;
	_ =	shalt  }
.Lfunc_end2:
_tile_overlayer_lowered:
.L_overlay_start_2:
0x2cf: {  	(tag) =	ssettag $0x2  }
0x2d0: {  	s0 =	rddreg [dreg:$0x0];
	s2 =	stileid.u32  }
0x2d1: {  	s1 =	rddreg [dreg:$0x1];
	p0 =	sne.s32 s2, $0x0  }
0x2d2: {  	s3 =	rddreg [dreg:$0x2];
	[bflag:$0x3] =	sbarrier.arrive $0xFFFF;
	s2 =	simm.s32 @!p0 $0x1C01  }
0x2d3: {  	[timem:s3], [sflag:s2] =	dma.local @!p0 [hbm:s0], s1  }
0x2d4: {  	s0 =	simm.s32 @!p0 $0x1  }
0x2d5: {  	_ =	swait.ge @!p0 [sflag:s0], s1  }
0x2d6: {  	s1 =	ssub.s32 @!p0 $0x0, s1;
	[sflag:s0] =	ssyncset.done @!p0 $0x0  }
0x2d7: {  	[sflag:s0] =	ssyncadd.s32 @!p0 s1  }
0x2d8: {  	[bflag:$0x3] =	sbarrier.arrive $0xFFFF  }
0x2d9: {  	_ =	shalt  }

</sc_bundles>
